<compile_context>
chip_gen: v7x
topology: tpu7x:2x2x1
jax: 0.10.2.dev20260603
libtpu: 0.0.44.dev20260713+nightly
codegen_flags: <defaults>
</compile_context>

<pallas_src>
import functools

import jax
import jax.numpy as jnp
from jax import lax
from jax.experimental import pallas as pl
from jax.experimental.pallas import tpu as pltpu
from jax.experimental.pallas import tpu_sc as plsc

N_NODES = 10000
NP = 10240
NC = 2
NS = 16
NW = NC * NS
CHUNK = 128
ROWS_PER_TILE = NP // NS
BLK = 256
PANEL = 128



def _sc_mesh():
    return plsc.VectorSubcoreMesh(core_axis_name="c", subcore_axis_name="s")


@functools.lru_cache(maxsize=None)
def _make_deg_kernel(cpw):

    @functools.partial(
        pl.kernel,
        out_type=jax.ShapeDtypeStruct((NC, NP, PANEL), jnp.float32),
        mesh=_sc_mesh(),
        scratch_types=[
            pltpu.VMEM_SHARED((NP, PANEL), jnp.float32),
            pltpu.VMEM((cpw, CHUNK), jnp.int32),
            pltpu.VMEM((CHUNK, PANEL), jnp.float32),
        ],
    )
    def deg_kernel(dst_hbm, zeros_hbm, ones_hbm, out_hbm, acc, dsts, ones_v):
        c = lax.axis_index("c")
        s = lax.axis_index("s")
        wid = c * NS + s
        r0 = s * ROWS_PER_TILE
        pltpu.sync_copy(zeros_hbm, acc.at[pl.ds(r0, ROWS_PER_TILE)])
        pltpu.sync_copy(ones_hbm, ones_v)
        pltpu.sync_copy(dst_hbm.at[wid], dsts)
        plsc.subcore_barrier()

        def chunk(j, carry):
            pltpu.sync_copy(ones_v, acc.at[dsts.at[j]], add=True)
            return carry

        lax.fori_loop(0, cpw, chunk, 0)
        plsc.subcore_barrier()
        pltpu.sync_copy(acc.at[pl.ds(r0, ROWS_PER_TILE)],
                        out_hbm.at[c, pl.ds(r0, ROWS_PER_TILE)])

    return deg_kernel


@functools.lru_cache(maxsize=None)
def _make_agg_kernel(num_panels, cpw):

    out_type = [jax.ShapeDtypeStruct((NC, NP, PANEL), jnp.float32)
                for _ in range(num_panels)]

    @functools.partial(
        pl.kernel,
        out_type=out_type,
        mesh=_sc_mesh(),
        scratch_types=[
            pltpu.VMEM_SHARED((NP, PANEL), jnp.float32),
            pltpu.VMEM((cpw, CHUNK), jnp.int32),
            pltpu.VMEM((cpw, CHUNK), jnp.int32),
            pltpu.VMEM((CHUNK, PANEL), jnp.float32),
        ],
    )
    def agg_kernel(*refs):
        tables = refs[:num_panels]
        src_hbm, dst_hbm, zeros_hbm = refs[num_panels:num_panels + 3]
        outs = refs[num_panels + 3:2 * num_panels + 3]
        acc, srcs, dsts, gbuf = refs[2 * num_panels + 3:]

        c = lax.axis_index("c")
        s = lax.axis_index("s")
        wid = c * NS + s
        r0 = s * ROWS_PER_TILE
        pltpu.sync_copy(src_hbm.at[wid], srcs)
        pltpu.sync_copy(dst_hbm.at[wid], dsts)

        for p in range(num_panels):
            table = tables[p]

            @pl.when(c == 0)
            def _():
                pltpu.sync_copy(table.at[pl.ds(r0, ROWS_PER_TILE)],
                                acc.at[pl.ds(r0, ROWS_PER_TILE)])

            @pl.when(c != 0)
            def _():
                pltpu.sync_copy(zeros_hbm, acc.at[pl.ds(r0, ROWS_PER_TILE)])

            plsc.subcore_barrier()

            def chunk(j, carry):
                pltpu.sync_copy(table.at[srcs.at[j]], gbuf)
                pltpu.sync_copy(gbuf, acc.at[dsts.at[j]], add=True)
                return carry

            lax.fori_loop(0, cpw, chunk, 0)
            plsc.subcore_barrier()
            pltpu.sync_copy(acc.at[pl.ds(r0, ROWS_PER_TILE)],
                            outs[p].at[c, pl.ds(r0, ROWS_PER_TILE)])
            plsc.subcore_barrier()

    return agg_kernel



def _prescale_body(x_ref, dp_ref, o_ref, dis_ref):
    deg = dp_ref[0][:, 0:1] + dp_ref[1][:, 0:1] + 1.0
    dis = lax.rsqrt(jnp.maximum(deg, 1.0))
    o_ref[...] = x_ref[...] * dis
    dis_ref[...] = jnp.broadcast_to(dis, dis_ref.shape)


def _prescale(x_pad, degp):
    grid = (NP // BLK,)
    return pl.pallas_call(
        _prescale_body,
        grid=grid,
        in_specs=[
            pl.BlockSpec((BLK, x_pad.shape[1]), lambda i: (i, 0)),
            pl.BlockSpec((NC, BLK, PANEL), lambda i: (0, i, 0)),
        ],
        out_specs=[
            pl.BlockSpec((BLK, x_pad.shape[1]), lambda i: (i, 0)),
            pl.BlockSpec((BLK, PANEL), lambda i: (i, 0)),
        ],
        out_shape=[
            jax.ShapeDtypeStruct((NP, x_pad.shape[1]), jnp.float32),
            jax.ShapeDtypeStruct((NP, PANEL), jnp.float32),
        ],
    )(x_pad, degp)


def _layer_body(*refs, num_panels, relu, post):
    s_refs = refs[:num_panels]
    dis_ref, w_ref, b_ref, o_ref = refs[num_panels:]
    dis = dis_ref[:, 0:1]
    sacc = jnp.concatenate([r[0] + r[1] for r in s_refs], axis=1) * dis
    y = jnp.dot(sacc, w_ref[...], preferred_element_type=jnp.float32)
    y = y + b_ref[...]
    if relu:
        y = jnp.maximum(y, 0.0)
    if post:
        y = y * dis
    o_ref[...] = y


def _layer(parts, dis, W, b, relu=True, post=True):
    num_panels = len(parts)
    k, m = W.shape
    grid = (NP // BLK,)
    body = functools.partial(_layer_body, num_panels=num_panels,
                             relu=relu, post=post)
    in_specs = (
        [pl.BlockSpec((NC, BLK, PANEL), lambda i: (0, i, 0))] * num_panels
        + [pl.BlockSpec((BLK, PANEL), lambda i: (i, 0)),
           pl.BlockSpec((k, m), lambda i: (0, 0)),
           pl.BlockSpec((1, m), lambda i: (0, 0))]
    )
    return pl.pallas_call(
        body,
        grid=grid,
        in_specs=in_specs,
        out_specs=pl.BlockSpec((BLK, m), lambda i: (i, 0)),
        out_shape=jax.ShapeDtypeStruct((NP, m), jnp.float32),
    )(*parts, dis, W, b.reshape(1, m))


def _head_body(*refs, num_panels):
    s_refs = refs[:num_panels]
    dis_ref, w_ref, b_ref, wcat_ref, o_ref = refs[num_panels:]
    dis = dis_ref[:, 0:1]
    sacc = jnp.concatenate([r[0] + r[1] for r in s_refs], axis=1) * dis
    h = jnp.dot(sacc, w_ref[...], preferred_element_type=jnp.float32)
    h = jnp.maximum(h + b_ref[...], 0.0)
    o_ref[...] = jnp.dot(h, wcat_ref[...],
                         preferred_element_type=jnp.float32) * dis


def _head(parts, dis, W, b, Wcat):
    num_panels = len(parts)
    k, m = W.shape
    m2 = Wcat.shape[1]
    grid = (NP // BLK,)
    body = functools.partial(_head_body, num_panels=num_panels)
    in_specs = (
        [pl.BlockSpec((NC, BLK, PANEL), lambda i: (0, i, 0))] * num_panels
        + [pl.BlockSpec((BLK, PANEL), lambda i: (i, 0)),
           pl.BlockSpec((k, m), lambda i: (0, 0)),
           pl.BlockSpec((1, m), lambda i: (0, 0)),
           pl.BlockSpec((m, m2), lambda i: (0, 0))]
    )
    return pl.pallas_call(
        body,
        grid=grid,
        in_specs=in_specs,
        out_specs=pl.BlockSpec((BLK, m2), lambda i: (i, 0)),
        out_shape=jax.ShapeDtypeStruct((NP, m2), jnp.float32),
    )(*parts, dis, W, b.reshape(1, m), Wcat)


def _final_body(s_ref, dis_ref, b_ref, o_ref):
    dis = dis_ref[:, 0:1]
    o_ref[...] = (s_ref[0] + s_ref[1]) * dis + b_ref[...]


def _final(part, dis, bcat):
    m = bcat.shape[0]
    grid = (NP // BLK,)
    return pl.pallas_call(
        _final_body,
        grid=grid,
        in_specs=[
            pl.BlockSpec((NC, BLK, PANEL), lambda i: (0, i, 0)),
            pl.BlockSpec((BLK, PANEL), lambda i: (i, 0)),
            pl.BlockSpec((1, m), lambda i: (0, 0)),
        ],
        out_specs=pl.BlockSpec((BLK, m), lambda i: (i, 0)),
        out_shape=jax.ShapeDtypeStruct((NP, m), jnp.float32),
    )(part, dis, bcat.reshape(1, m))



def _panels(h):
    return [h[:, p * PANEL:(p + 1) * PANEL] for p in range(h.shape[1] // PANEL)]


def kernel(x, edge_index, W1, b1, W2, b2, W3, b3, Wmu, bmu, Wls, bls):
    n, in_dim = x.shape
    e = edge_index.shape[1]
    cpw = -(-e // (NW * CHUNK))
    ep = NW * cpw * CHUNK

    ei = edge_index.astype(jnp.int32)
    pad_idx = jnp.full((ep - e,), N_NODES, jnp.int32)
    src3 = jnp.concatenate([ei[0], pad_idx]).reshape(NW, cpw, CHUNK)
    dst3 = jnp.concatenate([ei[1], pad_idx]).reshape(NW, cpw, CHUNK)
    x_pad = jnp.pad(x, ((0, NP - n), (0, 0)))

    zeros128 = jnp.zeros((ROWS_PER_TILE, PANEL), jnp.float32)
    ones128 = jnp.ones((CHUNK, PANEL), jnp.float32)

    degp = _make_deg_kernel(cpw)(dst3, zeros128, ones128)

    xs, dis = _prescale(x_pad, degp)

    s1 = _make_agg_kernel(1, cpw)(xs, src3, dst3, zeros128)
    h2 = _layer(s1, dis, W1, b1)

    s2 = _make_agg_kernel(2, cpw)(*_panels(h2), src3, dst3, zeros128)
    h3 = _layer(s2, dis, W2, b2)

    s3 = _make_agg_kernel(4, cpw)(*_panels(h3), src3, dst3, zeros128)
    Wcat = jnp.concatenate([Wmu, Wls], axis=1)
    g = _head(s3, dis, W3, b3, Wcat)

    s4 = _make_agg_kernel(1, cpw)(g, src3, dst3, zeros128)
    bcat = jnp.concatenate([bmu, bls])
    out = _final(s4[0], dis, bcat)

    half = Wmu.shape[1]
    return out[:n, :half], out[:n, half:2 * half]

# --- scband reference (transcript-rebuilt; emitter-appended) ---
"""Pipeline reference for scband-variational-gcnencoder-45638322487854 (READ-ONLY COPY).

The authoritative reference and input builder live on the scoring server;
editing this copy changes nothing except your own understanding.
"""

import jax, jax.numpy as jnp
import numpy as np

N = 10000
E = 320000
IN = 128
OUT = 64


def _glorot(key, shape):
    fan_in, fan_out = shape
    lim = (6.0 / (fan_in + fan_out)) ** 0.5
    return jax.random.uniform(key, shape, minval=-lim, maxval=lim, dtype=jnp.float32)


def setup_inputs(seed: int = 0) -> dict:
    key = jax.random.key(seed)
    ks = jax.random.split(key, 12)
    x = jax.random.normal(ks[0], (N, IN), dtype=jnp.float32)
    edge_index = jax.random.randint(ks[1], (2, E), 0, N)
    W1 = _glorot(ks[2], (IN, 2 * IN))
    b1 = jnp.zeros((2 * IN,), dtype=jnp.float32)
    W2 = _glorot(ks[3], (2 * IN, 4 * IN))
    b2 = jnp.zeros((4 * IN,), dtype=jnp.float32)
    W3 = _glorot(ks[4], (4 * IN, 8 * IN))
    b3 = jnp.zeros((8 * IN,), dtype=jnp.float32)
    Wmu = _glorot(ks[5], (8 * IN, OUT))
    bmu = jnp.zeros((OUT,), dtype=jnp.float32)
    Wls = _glorot(ks[6], (8 * IN, OUT))
    bls = jnp.zeros((OUT,), dtype=jnp.float32)
    return {"x": x, "edge_index": edge_index, "W1": W1, "b1": b1, "W2": W2, "b2": b2,
            "W3": W3, "b3": b3, "Wmu": Wmu, "bmu": bmu, "Wls": Wls, "bls": bls}


def _gcn_conv(x, W, b, src, dst, norm, n):
    # GCNConv: D^{-1/2} (A + I) D^{-1/2} X W + b
    h = x @ W
    msg = jnp.take(h, src, axis=0) * norm[:, None]
    agg = jax.ops.segment_sum(msg, dst, num_segments=n)
    return agg + b


def reference(x, edge_index, W1, b1, W2, b2, W3, b3, Wmu, bmu, Wls, bls):
    n = x.shape[0]
    loop = jnp.arange(n, dtype=edge_index.dtype)
    src = jnp.concatenate([edge_index[0], loop])
    dst = jnp.concatenate([edge_index[1], loop])
    deg = jax.ops.segment_sum(jnp.ones_like(dst, dtype=x.dtype), dst, num_segments=n)
    dis = jax.lax.rsqrt(jnp.maximum(deg, 1.0))
    norm = jnp.take(dis, src) * jnp.take(dis, dst)
    h = jax.nn.relu(_gcn_conv(x, W1, b1, src, dst, norm, n))
    h = jax.nn.relu(_gcn_conv(h, W2, b2, src, dst, norm, n))
    h = jax.nn.relu(_gcn_conv(h, W3, b3, src, dst, norm, n))
    mu = _gcn_conv(h, Wmu, bmu, src, dst, norm, n)
    logstd = _gcn_conv(h, Wls, bls, src, dst, norm, n)
    return (mu, logstd)

if __name__ == "__main__":
    import jax
    _d = setup_inputs()
    print(jax.jit(kernel)(*tuple(_d.values())))

</pallas_src>

<mosaic_0001>
#map = affine_map<(d0, d1) -> (0, 0)>
#map1 = affine_map<(d0, d1) -> (0, 0, 0)>
module attributes {stable_mosaic.version = 14 : i64} {
  func.func @agg_kernel(%arg0: i32, %arg1: i32, %arg2: memref<10240x128xf32, #tpu.memory_space<hbm>>, %arg3: memref<32x79x128xi32, #tpu.memory_space<hbm>>, %arg4: memref<32x79x128xi32, #tpu.memory_space<hbm>>, %arg5: memref<640x128xf32, #tpu.memory_space<hbm>>, %arg6: memref<2x10240x128xf32, #tpu.memory_space<hbm>>, %arg7: memref<10240x128xf32, #tpu.memory_space<vmem_shared>>, %arg8: memref<79x128xi32, #tpu.memory_space<vmem>>, %arg9: memref<79x128xi32, #tpu.memory_space<vmem>>, %arg10: memref<128x128xf32, #tpu.memory_space<vmem>>) attributes {dimension_semantics = [#tpu.dimension_semantics<core_parallel>, #tpu.dimension_semantics<subcore_parallel>], iteration_bounds = array<i64: 2, 16>, scalar_prefetch = 0 : i64, scratch_operands = 4 : i64, tpu.core_type = #tpu.core_type<sc_vector_subcore>, window_params = [{transform_indices = #map}, {transform_indices = #map1}, {transform_indices = #map1}, {transform_indices = #map}, {transform_indices = #map1}]} {
    %mul3A = arith.constant 16 : i32
    %mul3A_0 = arith.muli %arg0, %mul3A : i32
    %add3A = arith.addi %mul3A_0, %arg1 : i32
    %mul3A_1 = arith.constant 640 : i32
    %mul3A_2 = arith.muli %arg1, %mul3A_1 : i32
    "tpu.region"() ({
      %run_scoped3A = tpu.sem_alloc : memref<!tpu.dma_semaphore, #tpu.memory_space<semaphore_mem>>
      %dma_start3A = arith.constant 0 : i32
      %dma_start3A_16 = arith.constant 0 : i32
      %dma_start3A_17 = tpu.memref_slice %arg3[%add3A, %dma_start3A, %dma_start3A_16] : memref<32x79x128xi32, #tpu.memory_space<hbm>> -> memref<1x79x128xi32, #tpu.memory_space<hbm>>
      %dma_start3A_18 = tpu.memref_squeeze %dma_start3A_17 : memref<1x79x128xi32, #tpu.memory_space<hbm>> -> memref<79x128xi32, #tpu.memory_space<hbm>>
      %dma_start3A_19 = arith.constant 0 : i32
      %dma_start3A_20 = arith.constant 0 : i32
      %dma_start3A_21 = tpu.memref_slice %arg3[%add3A, %dma_start3A_19, %dma_start3A_20] : memref<32x79x128xi32, #tpu.memory_space<hbm>> -> memref<1x79x128xi32, #tpu.memory_space<hbm>>
      %dma_start3A_22 = tpu.memref_squeeze %dma_start3A_21 : memref<1x79x128xi32, #tpu.memory_space<hbm>> -> memref<79x128xi32, #tpu.memory_space<hbm>>
      tpu.enqueue_dma source(%dma_start3A_22 : memref<79x128xi32, #tpu.memory_space<hbm>>) target(%arg8 : memref<79x128xi32, #tpu.memory_space<vmem>>) target_semaphore(%run_scoped3A : memref<!tpu.dma_semaphore, #tpu.memory_space<semaphore_mem>>)
      %dma_wait3A = arith.constant 0 : i32
      %dma_wait3A_23 = arith.constant 0 : i32
      %dma_wait3A_24 = tpu.memref_slice %arg3[%add3A, %dma_wait3A, %dma_wait3A_23] : memref<32x79x128xi32, #tpu.memory_space<hbm>> -> memref<1x79x128xi32, #tpu.memory_space<hbm>>
      %dma_wait3A_25 = tpu.memref_squeeze %dma_wait3A_24 : memref<1x79x128xi32, #tpu.memory_space<hbm>> -> memref<79x128xi32, #tpu.memory_space<hbm>>
      %dma_wait3A_26 = arith.constant 0 : i32
      %dma_wait3A_27 = arith.constant 0 : i32
      %dma_wait3A_28 = tpu.memref_slice %arg3[%add3A, %dma_wait3A_26, %dma_wait3A_27] : memref<32x79x128xi32, #tpu.memory_space<hbm>> -> memref<1x79x128xi32, #tpu.memory_space<hbm>>
      %dma_wait3A_29 = tpu.memref_squeeze %dma_wait3A_28 : memref<1x79x128xi32, #tpu.memory_space<hbm>> -> memref<79x128xi32, #tpu.memory_space<hbm>>
      tpu.wait_dma2 semaphore(%run_scoped3A : memref<!tpu.dma_semaphore, #tpu.memory_space<semaphore_mem>>) src(%dma_wait3A_29 : memref<79x128xi32, #tpu.memory_space<hbm>>) dst(%arg8 : memref<79x128xi32, #tpu.memory_space<vmem>>)
      tpu.yield
    }) : () -> ()
    "tpu.region"() ({
      %run_scoped3A = tpu.sem_alloc : memref<!tpu.dma_semaphore, #tpu.memory_space<semaphore_mem>>
      %dma_start3A = arith.constant 0 : i32
      %dma_start3A_16 = arith.constant 0 : i32
      %dma_start3A_17 = tpu.memref_slice %arg4[%add3A, %dma_start3A, %dma_start3A_16] : memref<32x79x128xi32, #tpu.memory_space<hbm>> -> memref<1x79x128xi32, #tpu.memory_space<hbm>>
      %dma_start3A_18 = tpu.memref_squeeze %dma_start3A_17 : memref<1x79x128xi32, #tpu.memory_space<hbm>> -> memref<79x128xi32, #tpu.memory_space<hbm>>
      %dma_start3A_19 = arith.constant 0 : i32
      %dma_start3A_20 = arith.constant 0 : i32
      %dma_start3A_21 = tpu.memref_slice %arg4[%add3A, %dma_start3A_19, %dma_start3A_20] : memref<32x79x128xi32, #tpu.memory_space<hbm>> -> memref<1x79x128xi32, #tpu.memory_space<hbm>>
      %dma_start3A_22 = tpu.memref_squeeze %dma_start3A_21 : memref<1x79x128xi32, #tpu.memory_space<hbm>> -> memref<79x128xi32, #tpu.memory_space<hbm>>
      tpu.enqueue_dma source(%dma_start3A_22 : memref<79x128xi32, #tpu.memory_space<hbm>>) target(%arg9 : memref<79x128xi32, #tpu.memory_space<vmem>>) target_semaphore(%run_scoped3A : memref<!tpu.dma_semaphore, #tpu.memory_space<semaphore_mem>>)
      %dma_wait3A = arith.constant 0 : i32
      %dma_wait3A_23 = arith.constant 0 : i32
      %dma_wait3A_24 = tpu.memref_slice %arg4[%add3A, %dma_wait3A, %dma_wait3A_23] : memref<32x79x128xi32, #tpu.memory_space<hbm>> -> memref<1x79x128xi32, #tpu.memory_space<hbm>>
      %dma_wait3A_25 = tpu.memref_squeeze %dma_wait3A_24 : memref<1x79x128xi32, #tpu.memory_space<hbm>> -> memref<79x128xi32, #tpu.memory_space<hbm>>
      %dma_wait3A_26 = arith.constant 0 : i32
      %dma_wait3A_27 = arith.constant 0 : i32
      %dma_wait3A_28 = tpu.memref_slice %arg4[%add3A, %dma_wait3A_26, %dma_wait3A_27] : memref<32x79x128xi32, #tpu.memory_space<hbm>> -> memref<1x79x128xi32, #tpu.memory_space<hbm>>
      %dma_wait3A_29 = tpu.memref_squeeze %dma_wait3A_28 : memref<1x79x128xi32, #tpu.memory_space<hbm>> -> memref<79x128xi32, #tpu.memory_space<hbm>>
      tpu.wait_dma2 semaphore(%run_scoped3A : memref<!tpu.dma_semaphore, #tpu.memory_space<semaphore_mem>>) src(%dma_wait3A_29 : memref<79x128xi32, #tpu.memory_space<hbm>>) dst(%arg9 : memref<79x128xi32, #tpu.memory_space<vmem>>)
      tpu.yield
    }) : () -> ()
    %eq3A = arith.constant 0 : i32
    %eq3A_3 = arith.cmpi eq, %arg0, %eq3A : i32
    %convert_element_type3A = arith.extui %eq3A_3 : i1 to i32
    %cond3A = arith.constant 0 : i32
    %cond3A_4 = arith.cmpi ne, %convert_element_type3A, %cond3A : i32
    scf.if %cond3A_4 {
      "tpu.region"() ({
        %run_scoped3A = tpu.sem_alloc : memref<!tpu.dma_semaphore, #tpu.memory_space<semaphore_mem>>
        %dma_start3A = arith.constant 0 : i32
        %dma_start3A_16 = tpu.memref_slice %arg7[%mul3A_2, %dma_start3A] : memref<10240x128xf32, #tpu.memory_space<vmem_shared>> -> memref<640x128xf32, #tpu.memory_space<vmem_shared>>
        %dma_start3A_17 = arith.constant 0 : i32
        %dma_start3A_18 = tpu.memref_slice %arg2[%mul3A_2, %dma_start3A_17] : memref<10240x128xf32, #tpu.memory_space<hbm>> -> memref<640x128xf32, #tpu.memory_space<hbm>>
        tpu.enqueue_dma source(%dma_start3A_18 : memref<640x128xf32, #tpu.memory_space<hbm>>) target(%dma_start3A_16 : memref<640x128xf32, #tpu.memory_space<vmem_shared>>) target_semaphore(%run_scoped3A : memref<!tpu.dma_semaphore, #tpu.memory_space<semaphore_mem>>)
        %dma_wait3A = arith.constant 0 : i32
        %dma_wait3A_19 = tpu.memref_slice %arg7[%mul3A_2, %dma_wait3A] : memref<10240x128xf32, #tpu.memory_space<vmem_shared>> -> memref<640x128xf32, #tpu.memory_space<vmem_shared>>
        %dma_wait3A_20 = arith.constant 0 : i32
        %dma_wait3A_21 = tpu.memref_slice %arg2[%mul3A_2, %dma_wait3A_20] : memref<10240x128xf32, #tpu.memory_space<hbm>> -> memref<640x128xf32, #tpu.memory_space<hbm>>
        tpu.wait_dma2 semaphore(%run_scoped3A : memref<!tpu.dma_semaphore, #tpu.memory_space<semaphore_mem>>) src(%dma_wait3A_21 : memref<640x128xf32, #tpu.memory_space<hbm>>) dst(%dma_wait3A_19 : memref<640x128xf32, #tpu.memory_space<vmem_shared>>)
        tpu.yield
      }) : () -> ()
    } else {
    }
    %ne3A = arith.constant 0 : i32
    %ne3A_5 = arith.cmpi ne, %arg0, %ne3A : i32
    %convert_element_type3A_6 = arith.extui %ne3A_5 : i1 to i32
    %cond3A_7 = arith.constant 0 : i32
    %cond3A_8 = arith.cmpi ne, %convert_element_type3A_6, %cond3A_7 : i32
    scf.if %cond3A_8 {
      "tpu.region"() ({
        %run_scoped3A = tpu.sem_alloc : memref<!tpu.dma_semaphore, #tpu.memory_space<semaphore_mem>>
        %dma_start3A = arith.constant 0 : i32
        %dma_start3A_16 = tpu.memref_slice %arg7[%mul3A_2, %dma_start3A] : memref<10240x128xf32, #tpu.memory_space<vmem_shared>> -> memref<640x128xf32, #tpu.memory_space<vmem_shared>>
        tpu.enqueue_dma source(%arg5 : memref<640x128xf32, #tpu.memory_space<hbm>>) target(%dma_start3A_16 : memref<640x128xf32, #tpu.memory_space<vmem_shared>>) target_semaphore(%run_scoped3A : memref<!tpu.dma_semaphore, #tpu.memory_space<semaphore_mem>>)
        %dma_wait3A = arith.constant 0 : i32
        %dma_wait3A_17 = tpu.memref_slice %arg7[%mul3A_2, %dma_wait3A] : memref<10240x128xf32, #tpu.memory_space<vmem_shared>> -> memref<640x128xf32, #tpu.memory_space<vmem_shared>>
        tpu.wait_dma2 semaphore(%run_scoped3A : memref<!tpu.dma_semaphore, #tpu.memory_space<semaphore_mem>>) src(%arg5 : memref<640x128xf32, #tpu.memory_space<hbm>>) dst(%dma_wait3A_17 : memref<640x128xf32, #tpu.memory_space<vmem_shared>>)
        tpu.yield
      }) : () -> ()
    } else {
    }
    %barrier3A = arith.constant 0 : index
    tpu.barrier barrier_id(%barrier3A)
    %scan3A = arith.constant 0 : i32
    %scan3A_9 = arith.constant 0 : i32
    %scan3A_10 = arith.constant 79 : i32
    %scan3A_11 = arith.addi %scan3A_9, %scan3A_10 : i32
    %scan3A_12 = arith.constant 1 : i32
    scf.for %scan3A_16 = %scan3A_9 to %scan3A_11 step %scan3A_12  : i32 {
      "tpu.region"() ({
        %run_scoped3A = tpu.sem_alloc : memref<!tpu.dma_semaphore, #tpu.memory_space<semaphore_mem>>
        %dma_start3A = arith.constant 0 : i32
        %dma_start3A_17 = tpu.memref_slice %arg8[%scan3A_16, %dma_start3A] : memref<79x128xi32, #tpu.memory_space<vmem>> -> memref<1x128xi32, #tpu.memory_space<vmem>>
        %dma_start3A_18 = tpu.memref_squeeze %dma_start3A_17 : memref<1x128xi32, #tpu.memory_space<vmem>> -> memref<128xi32, #tpu.memory_space<vmem>>
        %dma_start3A_19 = arith.constant 0 : i32
        %dma_start3A_20 = arith.constant 0 : i32
        %dma_start3A_21 = tpu.memref_slice %arg2[%dma_start3A_19, %dma_start3A_20] : memref<10240x128xf32, #tpu.memory_space<hbm>> -> memref<10240x128xf32, #tpu.memory_space<hbm>>
        tpu.enqueue_indirect_dma source(%dma_start3A_21 : memref<10240x128xf32, #tpu.memory_space<hbm>>) target(%arg10 : memref<128x128xf32, #tpu.memory_space<vmem>>) offsets(%dma_start3A_18 : memref<128xi32, #tpu.memory_space<vmem>>) semaphore(%run_scoped3A : memref<!tpu.dma_semaphore, #tpu.memory_space<semaphore_mem>>)
        %dma_wait3A = arith.constant 0 : i32
        %dma_wait3A_22 = tpu.memref_slice %arg8[%scan3A_16, %dma_wait3A] : memref<79x128xi32, #tpu.memory_space<vmem>> -> memref<1x128xi32, #tpu.memory_space<vmem>>
        %dma_wait3A_23 = tpu.memref_squeeze %dma_wait3A_22 : memref<1x128xi32, #tpu.memory_space<vmem>> -> memref<128xi32, #tpu.memory_space<vmem>>
        %dma_wait3A_24 = arith.constant 0 : i32
        %dma_wait3A_25 = arith.constant 0 : i32
        %dma_wait3A_26 = tpu.memref_slice %arg2[%dma_wait3A_24, %dma_wait3A_25] : memref<10240x128xf32, #tpu.memory_space<hbm>> -> memref<10240x128xf32, #tpu.memory_space<hbm>>
        tpu.wait_indirect_dma semaphore(%run_scoped3A : memref<!tpu.dma_semaphore, #tpu.memory_space<semaphore_mem>>) src(%dma_wait3A_26 : memref<10240x128xf32, #tpu.memory_space<hbm>>) dst(%arg10 : memref<128x128xf32, #tpu.memory_space<vmem>>)
        tpu.yield
      }) : () -> ()
      "tpu.region"() ({
        %run_scoped3A = tpu.sem_alloc : memref<!tpu.dma_semaphore, #tpu.memory_space<semaphore_mem>>
        %dma_start3A = arith.constant 0 : i32
        %dma_start3A_17 = tpu.memref_slice %arg9[%scan3A_16, %dma_start3A] : memref<79x128xi32, #tpu.memory_space<vmem>> -> memref<1x128xi32, #tpu.memory_space<vmem>>
        %dma_start3A_18 = tpu.memref_squeeze %dma_start3A_17 : memref<1x128xi32, #tpu.memory_space<vmem>> -> memref<128xi32, #tpu.memory_space<vmem>>
        %dma_start3A_19 = arith.constant 0 : i32
        %dma_start3A_20 = arith.constant 0 : i32
        %dma_start3A_21 = tpu.memref_slice %arg7[%dma_start3A_19, %dma_start3A_20] : memref<10240x128xf32, #tpu.memory_space<vmem_shared>> -> memref<10240x128xf32, #tpu.memory_space<vmem_shared>>
        tpu.enqueue_indirect_dma source(%arg10 : memref<128x128xf32, #tpu.memory_space<vmem>>) target(%dma_start3A_21 : memref<10240x128xf32, #tpu.memory_space<vmem_shared>>) offsets(%dma_start3A_18 : memref<128xi32, #tpu.memory_space<vmem>>) semaphore(%run_scoped3A : memref<!tpu.dma_semaphore, #tpu.memory_space<semaphore_mem>>) {add = true}
        %dma_wait3A = arith.constant 0 : i32
        %dma_wait3A_22 = tpu.memref_slice %arg9[%scan3A_16, %dma_wait3A] : memref<79x128xi32, #tpu.memory_space<vmem>> -> memref<1x128xi32, #tpu.memory_space<vmem>>
        %dma_wait3A_23 = tpu.memref_squeeze %dma_wait3A_22 : memref<1x128xi32, #tpu.memory_space<vmem>> -> memref<128xi32, #tpu.memory_space<vmem>>
        %dma_wait3A_24 = arith.constant 0 : i32
        %dma_wait3A_25 = arith.constant 0 : i32
        %dma_wait3A_26 = tpu.memref_slice %arg7[%dma_wait3A_24, %dma_wait3A_25] : memref<10240x128xf32, #tpu.memory_space<vmem_shared>> -> memref<10240x128xf32, #tpu.memory_space<vmem_shared>>
        tpu.wait_indirect_dma semaphore(%run_scoped3A : memref<!tpu.dma_semaphore, #tpu.memory_space<semaphore_mem>>) src(%arg10 : memref<128x128xf32, #tpu.memory_space<vmem>>) dst(%dma_wait3A_26 : memref<10240x128xf32, #tpu.memory_space<vmem_shared>>)
        tpu.yield
      }) : () -> ()
    }
    %scan3A_13 = arith.constant 79 : i32
    %barrier3A_14 = arith.constant 0 : index
    tpu.barrier barrier_id(%barrier3A_14)
    "tpu.region"() ({
      %run_scoped3A = tpu.sem_alloc : memref<!tpu.dma_semaphore, #tpu.memory_space<semaphore_mem>>
      %dma_start3A = arith.constant 0 : i32
      %dma_start3A_16 = tpu.memref_slice %arg6[%arg0, %mul3A_2, %dma_start3A] : memref<2x10240x128xf32, #tpu.memory_space<hbm>> -> memref<1x640x128xf32, #tpu.memory_space<hbm>>
      %dma_start3A_17 = tpu.memref_squeeze %dma_start3A_16 : memref<1x640x128xf32, #tpu.memory_space<hbm>> -> memref<640x128xf32, #tpu.memory_space<hbm>>
      %dma_start3A_18 = arith.constant 0 : i32
      %dma_start3A_19 = tpu.memref_slice %arg7[%mul3A_2, %dma_start3A_18] : memref<10240x128xf32, #tpu.memory_space<vmem_shared>> -> memref<640x128xf32, #tpu.memory_space<vmem_shared>>
      tpu.enqueue_dma source(%dma_start3A_19 : memref<640x128xf32, #tpu.memory_space<vmem_shared>>) target(%dma_start3A_17 : memref<640x128xf32, #tpu.memory_space<hbm>>) target_semaphore(%run_scoped3A : memref<!tpu.dma_semaphore, #tpu.memory_space<semaphore_mem>>)
      %dma_wait3A = arith.constant 0 : i32
      %dma_wait3A_20 = tpu.memref_slice %arg6[%arg0, %mul3A_2, %dma_wait3A] : memref<2x10240x128xf32, #tpu.memory_space<hbm>> -> memref<1x640x128xf32, #tpu.memory_space<hbm>>
      %dma_wait3A_21 = tpu.memref_squeeze %dma_wait3A_20 : memref<1x640x128xf32, #tpu.memory_space<hbm>> -> memref<640x128xf32, #tpu.memory_space<hbm>>
      %dma_wait3A_22 = arith.constant 0 : i32
      %dma_wait3A_23 = tpu.memref_slice %arg7[%mul3A_2, %dma_wait3A_22] : memref<10240x128xf32, #tpu.memory_space<vmem_shared>> -> memref<640x128xf32, #tpu.memory_space<vmem_shared>>
      tpu.wait_dma2 semaphore(%run_scoped3A : memref<!tpu.dma_semaphore, #tpu.memory_space<semaphore_mem>>) src(%dma_wait3A_23 : memref<640x128xf32, #tpu.memory_space<vmem_shared>>) dst(%dma_wait3A_21 : memref<640x128xf32, #tpu.memory_space<hbm>>)
      tpu.yield
    }) : () -> ()
    %barrier3A_15 = arith.constant 0 : index
    tpu.barrier barrier_id(%barrier3A_15)
    return
  }
}

#map = affine_map<(d0, d1) -> (0, 0, 0)>
#map1 = affine_map<(d0, d1) -> (0, 0)>
module attributes {stable_mosaic.version = 14 : i64} {
  func.func @deg_kernel(%arg0: i32, %arg1: i32, %arg2: memref<32x79x128xi32, #tpu.memory_space<hbm>>, %arg3: memref<640x128xf32, #tpu.memory_space<hbm>>, %arg4: memref<128x128xf32, #tpu.memory_space<hbm>>, %arg5: memref<2x10240x128xf32, #tpu.memory_space<hbm>>, %arg6: memref<10240x128xf32, #tpu.memory_space<vmem_shared>>, %arg7: memref<79x128xi32, #tpu.memory_space<vmem>>, %arg8: memref<128x128xf32, #tpu.memory_space<vmem>>) attributes {dimension_semantics = [#tpu.dimension_semantics<core_parallel>, #tpu.dimension_semantics<subcore_parallel>], iteration_bounds = array<i64: 2, 16>, scalar_prefetch = 0 : i64, scratch_operands = 3 : i64, tpu.core_type = #tpu.core_type<sc_vector_subcore>, window_params = [{transform_indices = #map}, {transform_indices = #map1}, {transform_indices = #map1}, {transform_indices = #map}]} {
    %mul3A = arith.constant 16 : i32
    %mul3A_0 = arith.muli %arg0, %mul3A : i32
    %add3A = arith.addi %mul3A_0, %arg1 : i32
    %mul3A_1 = arith.constant 640 : i32
    %mul3A_2 = arith.muli %arg1, %mul3A_1 : i32
    "tpu.region"() ({
      %run_scoped3A = tpu.sem_alloc : memref<!tpu.dma_semaphore, #tpu.memory_space<semaphore_mem>>
      %dma_start3A = arith.constant 0 : i32
      %dma_start3A_9 = tpu.memref_slice %arg6[%mul3A_2, %dma_start3A] : memref<10240x128xf32, #tpu.memory_space<vmem_shared>> -> memref<640x128xf32, #tpu.memory_space<vmem_shared>>
      tpu.enqueue_dma source(%arg3 : memref<640x128xf32, #tpu.memory_space<hbm>>) target(%dma_start3A_9 : memref<640x128xf32, #tpu.memory_space<vmem_shared>>) target_semaphore(%run_scoped3A : memref<!tpu.dma_semaphore, #tpu.memory_space<semaphore_mem>>)
      %dma_wait3A = arith.constant 0 : i32
      %dma_wait3A_10 = tpu.memref_slice %arg6[%mul3A_2, %dma_wait3A] : memref<10240x128xf32, #tpu.memory_space<vmem_shared>> -> memref<640x128xf32, #tpu.memory_space<vmem_shared>>
      tpu.wait_dma2 semaphore(%run_scoped3A : memref<!tpu.dma_semaphore, #tpu.memory_space<semaphore_mem>>) src(%arg3 : memref<640x128xf32, #tpu.memory_space<hbm>>) dst(%dma_wait3A_10 : memref<640x128xf32, #tpu.memory_space<vmem_shared>>)
      tpu.yield
    }) : () -> ()
    "tpu.region"() ({
      %run_scoped3A = tpu.sem_alloc : memref<!tpu.dma_semaphore, #tpu.memory_space<semaphore_mem>>
      tpu.enqueue_dma source(%arg4 : memref<128x128xf32, #tpu.memory_space<hbm>>) target(%arg8 : memref<128x128xf32, #tpu.memory_space<vmem>>) target_semaphore(%run_scoped3A : memref<!tpu.dma_semaphore, #tpu.memory_space<semaphore_mem>>)
      tpu.wait_dma2 semaphore(%run_scoped3A : memref<!tpu.dma_semaphore, #tpu.memory_space<semaphore_mem>>) src(%arg4 : memref<128x128xf32, #tpu.memory_space<hbm>>) dst(%arg8 : memref<128x128xf32, #tpu.memory_space<vmem>>)
      tpu.yield
    }) : () -> ()
    "tpu.region"() ({
      %run_scoped3A = tpu.sem_alloc : memref<!tpu.dma_semaphore, #tpu.memory_space<semaphore_mem>>
      %dma_start3A = arith.constant 0 : i32
      %dma_start3A_9 = arith.constant 0 : i32
      %dma_start3A_10 = tpu.memref_slice %arg2[%add3A, %dma_start3A, %dma_start3A_9] : memref<32x79x128xi32, #tpu.memory_space<hbm>> -> memref<1x79x128xi32, #tpu.memory_space<hbm>>
      %dma_start3A_11 = tpu.memref_squeeze %dma_start3A_10 : memref<1x79x128xi32, #tpu.memory_space<hbm>> -> memref<79x128xi32, #tpu.memory_space<hbm>>
      %dma_start3A_12 = arith.constant 0 : i32
      %dma_start3A_13 = arith.constant 0 : i32
      %dma_start3A_14 = tpu.memref_slice %arg2[%add3A, %dma_start3A_12, %dma_start3A_13] : memref<32x79x128xi32, #tpu.memory_space<hbm>> -> memref<1x79x128xi32, #tpu.memory_space<hbm>>
      %dma_start3A_15 = tpu.memref_squeeze %dma_start3A_14 : memref<1x79x128xi32, #tpu.memory_space<hbm>> -> memref<79x128xi32, #tpu.memory_space<hbm>>
      tpu.enqueue_dma source(%dma_start3A_15 : memref<79x128xi32, #tpu.memory_space<hbm>>) target(%arg7 : memref<79x128xi32, #tpu.memory_space<vmem>>) target_semaphore(%run_scoped3A : memref<!tpu.dma_semaphore, #tpu.memory_space<semaphore_mem>>)
      %dma_wait3A = arith.constant 0 : i32
      %dma_wait3A_16 = arith.constant 0 : i32
      %dma_wait3A_17 = tpu.memref_slice %arg2[%add3A, %dma_wait3A, %dma_wait3A_16] : memref<32x79x128xi32, #tpu.memory_space<hbm>> -> memref<1x79x128xi32, #tpu.memory_space<hbm>>
      %dma_wait3A_18 = tpu.memref_squeeze %dma_wait3A_17 : memref<1x79x128xi32, #tpu.memory_space<hbm>> -> memref<79x128xi32, #tpu.memory_space<hbm>>
      %dma_wait3A_19 = arith.constant 0 : i32
      %dma_wait3A_20 = arith.constant 0 : i32
      %dma_wait3A_21 = tpu.memref_slice %arg2[%add3A, %dma_wait3A_19, %dma_wait3A_20] : memref<32x79x128xi32, #tpu.memory_space<hbm>> -> memref<1x79x128xi32, #tpu.memory_space<hbm>>
      %dma_wait3A_22 = tpu.memref_squeeze %dma_wait3A_21 : memref<1x79x128xi32, #tpu.memory_space<hbm>> -> memref<79x128xi32, #tpu.memory_space<hbm>>
      tpu.wait_dma2 semaphore(%run_scoped3A : memref<!tpu.dma_semaphore, #tpu.memory_space<semaphore_mem>>) src(%dma_wait3A_22 : memref<79x128xi32, #tpu.memory_space<hbm>>) dst(%arg7 : memref<79x128xi32, #tpu.memory_space<vmem>>)
      tpu.yield
    }) : () -> ()
    %barrier3A = arith.constant 0 : index
    tpu.barrier barrier_id(%barrier3A)
    %scan3A = arith.constant 0 : i32
    %scan3A_3 = arith.constant 0 : i32
    %scan3A_4 = arith.constant 79 : i32
    %scan3A_5 = arith.addi %scan3A_3, %scan3A_4 : i32
    %scan3A_6 = arith.constant 1 : i32
    scf.for %scan3A_9 = %scan3A_3 to %scan3A_5 step %scan3A_6  : i32 {
      "tpu.region"() ({
        %run_scoped3A = tpu.sem_alloc : memref<!tpu.dma_semaphore, #tpu.memory_space<semaphore_mem>>
        %dma_start3A = arith.constant 0 : i32
        %dma_start3A_10 = tpu.memref_slice %arg7[%scan3A_9, %dma_start3A] : memref<79x128xi32, #tpu.memory_space<vmem>> -> memref<1x128xi32, #tpu.memory_space<vmem>>
        %dma_start3A_11 = tpu.memref_squeeze %dma_start3A_10 : memref<1x128xi32, #tpu.memory_space<vmem>> -> memref<128xi32, #tpu.memory_space<vmem>>
        %dma_start3A_12 = arith.constant 0 : i32
        %dma_start3A_13 = arith.constant 0 : i32
        %dma_start3A_14 = tpu.memref_slice %arg6[%dma_start3A_12, %dma_start3A_13] : memref<10240x128xf32, #tpu.memory_space<vmem_shared>> -> memref<10240x128xf32, #tpu.memory_space<vmem_shared>>
        tpu.enqueue_indirect_dma source(%arg8 : memref<128x128xf32, #tpu.memory_space<vmem>>) target(%dma_start3A_14 : memref<10240x128xf32, #tpu.memory_space<vmem_shared>>) offsets(%dma_start3A_11 : memref<128xi32, #tpu.memory_space<vmem>>) semaphore(%run_scoped3A : memref<!tpu.dma_semaphore, #tpu.memory_space<semaphore_mem>>) {add = true}
        %dma_wait3A = arith.constant 0 : i32
        %dma_wait3A_15 = tpu.memref_slice %arg7[%scan3A_9, %dma_wait3A] : memref<79x128xi32, #tpu.memory_space<vmem>> -> memref<1x128xi32, #tpu.memory_space<vmem>>
        %dma_wait3A_16 = tpu.memref_squeeze %dma_wait3A_15 : memref<1x128xi32, #tpu.memory_space<vmem>> -> memref<128xi32, #tpu.memory_space<vmem>>
        %dma_wait3A_17 = arith.constant 0 : i32
        %dma_wait3A_18 = arith.constant 0 : i32
        %dma_wait3A_19 = tpu.memref_slice %arg6[%dma_wait3A_17, %dma_wait3A_18] : memref<10240x128xf32, #tpu.memory_space<vmem_shared>> -> memref<10240x128xf32, #tpu.memory_space<vmem_shared>>
        tpu.wait_indirect_dma semaphore(%run_scoped3A : memref<!tpu.dma_semaphore, #tpu.memory_space<semaphore_mem>>) src(%arg8 : memref<128x128xf32, #tpu.memory_space<vmem>>) dst(%dma_wait3A_19 : memref<10240x128xf32, #tpu.memory_space<vmem_shared>>)
        tpu.yield
      }) : () -> ()
    }
    %scan3A_7 = arith.constant 79 : i32
    %barrier3A_8 = arith.constant 0 : index
    tpu.barrier barrier_id(%barrier3A_8)
    "tpu.region"() ({
      %run_scoped3A = tpu.sem_alloc : memref<!tpu.dma_semaphore, #tpu.memory_space<semaphore_mem>>
      %dma_start3A = arith.constant 0 : i32
      %dma_start3A_9 = tpu.memref_slice %arg5[%arg0, %mul3A_2, %dma_start3A] : memref<2x10240x128xf32, #tpu.memory_space<hbm>> -> memref<1x640x128xf32, #tpu.memory_space<hbm>>
      %dma_start3A_10 = tpu.memref_squeeze %dma_start3A_9 : memref<1x640x128xf32, #tpu.memory_space<hbm>> -> memref<640x128xf32, #tpu.memory_space<hbm>>
      %dma_start3A_11 = arith.constant 0 : i32
      %dma_start3A_12 = tpu.memref_slice %arg6[%mul3A_2, %dma_start3A_11] : memref<10240x128xf32, #tpu.memory_space<vmem_shared>> -> memref<640x128xf32, #tpu.memory_space<vmem_shared>>
      tpu.enqueue_dma source(%dma_start3A_12 : memref<640x128xf32, #tpu.memory_space<vmem_shared>>) target(%dma_start3A_10 : memref<640x128xf32, #tpu.memory_space<hbm>>) target_semaphore(%run_scoped3A : memref<!tpu.dma_semaphore, #tpu.memory_space<semaphore_mem>>)
      %dma_wait3A = arith.constant 0 : i32
      %dma_wait3A_13 = tpu.memref_slice %arg5[%arg0, %mul3A_2, %dma_wait3A] : memref<2x10240x128xf32, #tpu.memory_space<hbm>> -> memref<1x640x128xf32, #tpu.memory_space<hbm>>
      %dma_wait3A_14 = tpu.memref_squeeze %dma_wait3A_13 : memref<1x640x128xf32, #tpu.memory_space<hbm>> -> memref<640x128xf32, #tpu.memory_space<hbm>>
      %dma_wait3A_15 = arith.constant 0 : i32
      %dma_wait3A_16 = tpu.memref_slice %arg6[%mul3A_2, %dma_wait3A_15] : memref<10240x128xf32, #tpu.memory_space<vmem_shared>> -> memref<640x128xf32, #tpu.memory_space<vmem_shared>>
      tpu.wait_dma2 semaphore(%run_scoped3A : memref<!tpu.dma_semaphore, #tpu.memory_space<semaphore_mem>>) src(%dma_wait3A_16 : memref<640x128xf32, #tpu.memory_space<vmem_shared>>) dst(%dma_wait3A_14 : memref<640x128xf32, #tpu.memory_space<hbm>>)
      tpu.yield
    }) : () -> ()
    return
  }
}

#map = affine_map<(d0, d1) -> (0, 0)>
#map1 = affine_map<(d0, d1) -> (0, 0, 0)>
module attributes {stable_mosaic.version = 14 : i64} {
  func.func @agg_kernel(%arg0: i32, %arg1: i32, %arg2: memref<10240x128xf32, #tpu.memory_space<hbm>>, %arg3: memref<10240x128xf32, #tpu.memory_space<hbm>>, %arg4: memref<10240x128xf32, #tpu.memory_space<hbm>>, %arg5: memref<10240x128xf32, #tpu.memory_space<hbm>>, %arg6: memref<32x79x128xi32, #tpu.memory_space<hbm>>, %arg7: memref<32x79x128xi32, #tpu.memory_space<hbm>>, %arg8: memref<640x128xf32, #tpu.memory_space<hbm>>, %arg9: memref<2x10240x128xf32, #tpu.memory_space<hbm>>, %arg10: memref<2x10240x128xf32, #tpu.memory_space<hbm>>, %arg11: memref<2x10240x128xf32, #tpu.memory_space<hbm>>, %arg12: memref<2x10240x128xf32, #tpu.memory_space<hbm>>, %arg13: memref<10240x128xf32, #tpu.memory_space<vmem_shared>>, %arg14: memref<79x128xi32, #tpu.memory_space<vmem>>, %arg15: memref<79x128xi32, #tpu.memory_space<vmem>>, %arg16: memref<128x128xf32, #tpu.memory_space<vmem>>) attributes {dimension_semantics = [#tpu.dimension_semantics<core_parallel>, #tpu.dimension_semantics<subcore_parallel>], iteration_bounds = array<i64: 2, 16>, scalar_prefetch = 0 : i64, scratch_operands = 4 : i64, tpu.core_type = #tpu.core_type<sc_vector_subcore>, window_params = [{transform_indices = #map}, {transform_indices = #map}, {transform_indices = #map}, {transform_indices = #map}, {transform_indices = #map1}, {transform_indices = #map1}, {transform_indices = #map}, {transform_indices = #map1}, {transform_indices = #map1}, {transform_indices = #map1}, {transform_indices = #map1}]} {
    %mul3A = arith.constant 16 : i32
    %mul3A_0 = arith.muli %arg0, %mul3A : i32
    %add3A = arith.addi %mul3A_0, %arg1 : i32
    %mul3A_1 = arith.constant 640 : i32
    %mul3A_2 = arith.muli %arg1, %mul3A_1 : i32
    "tpu.region"() ({
      %run_scoped3A = tpu.sem_alloc : memref<!tpu.dma_semaphore, #tpu.memory_space<semaphore_mem>>
      %dma_start3A = arith.constant 0 : i32
      %dma_start3A_73 = arith.constant 0 : i32
      %dma_start3A_74 = tpu.memref_slice %arg6[%add3A, %dma_start3A, %dma_start3A_73] : memref<32x79x128xi32, #tpu.memory_space<hbm>> -> memref<1x79x128xi32, #tpu.memory_space<hbm>>
      %dma_start3A_75 = tpu.memref_squeeze %dma_start3A_74 : memref<1x79x128xi32, #tpu.memory_space<hbm>> -> memref<79x128xi32, #tpu.memory_space<hbm>>
      %dma_start3A_76 = arith.constant 0 : i32
      %dma_start3A_77 = arith.constant 0 : i32
      %dma_start3A_78 = tpu.memref_slice %arg6[%add3A, %dma_start3A_76, %dma_start3A_77] : memref<32x79x128xi32, #tpu.memory_space<hbm>> -> memref<1x79x128xi32, #tpu.memory_space<hbm>>
      %dma_start3A_79 = tpu.memref_squeeze %dma_start3A_78 : memref<1x79x128xi32, #tpu.memory_space<hbm>> -> memref<79x128xi32, #tpu.memory_space<hbm>>
      tpu.enqueue_dma source(%dma_start3A_79 : memref<79x128xi32, #tpu.memory_space<hbm>>) target(%arg14 : memref<79x128xi32, #tpu.memory_space<vmem>>) target_semaphore(%run_scoped3A : memref<!tpu.dma_semaphore, #tpu.memory_space<semaphore_mem>>)
      %dma_wait3A = arith.constant 0 : i32
      %dma_wait3A_80 = arith.constant 0 : i32
      %dma_wait3A_81 = tpu.memref_slice %arg6[%add3A, %dma_wait3A, %dma_wait3A_80] : memref<32x79x128xi32, #tpu.memory_space<hbm>> -> memref<1x79x128xi32, #tpu.memory_space<hbm>>
      %dma_wait3A_82 = tpu.memref_squeeze %dma_wait3A_81 : memref<1x79x128xi32, #tpu.memory_space<hbm>> -> memref<79x128xi32, #tpu.memory_space<hbm>>
      %dma_wait3A_83 = arith.constant 0 : i32
      %dma_wait3A_84 = arith.constant 0 : i32
      %dma_wait3A_85 = tpu.memref_slice %arg6[%add3A, %dma_wait3A_83, %dma_wait3A_84] : memref<32x79x128xi32, #tpu.memory_space<hbm>> -> memref<1x79x128xi32, #tpu.memory_space<hbm>>
      %dma_wait3A_86 = tpu.memref_squeeze %dma_wait3A_85 : memref<1x79x128xi32, #tpu.memory_space<hbm>> -> memref<79x128xi32, #tpu.memory_space<hbm>>
      tpu.wait_dma2 semaphore(%run_scoped3A : memref<!tpu.dma_semaphore, #tpu.memory_space<semaphore_mem>>) src(%dma_wait3A_86 : memref<79x128xi32, #tpu.memory_space<hbm>>) dst(%arg14 : memref<79x128xi32, #tpu.memory_space<vmem>>)
      tpu.yield
    }) : () -> ()
    "tpu.region"() ({
      %run_scoped3A = tpu.sem_alloc : memref<!tpu.dma_semaphore, #tpu.memory_space<semaphore_mem>>
      %dma_start3A = arith.constant 0 : i32
      %dma_start3A_73 = arith.constant 0 : i32
      %dma_start3A_74 = tpu.memref_slice %arg7[%add3A, %dma_start3A, %dma_start3A_73] : memref<32x79x128xi32, #tpu.memory_space<hbm>> -> memref<1x79x128xi32, #tpu.memory_space<hbm>>
      %dma_start3A_75 = tpu.memref_squeeze %dma_start3A_74 : memref<1x79x128xi32, #tpu.memory_space<hbm>> -> memref<79x128xi32, #tpu.memory_space<hbm>>
      %dma_start3A_76 = arith.constant 0 : i32
      %dma_start3A_77 = arith.constant 0 : i32
      %dma_start3A_78 = tpu.memref_slice %arg7[%add3A, %dma_start3A_76, %dma_start3A_77] : memref<32x79x128xi32, #tpu.memory_space<hbm>> -> memref<1x79x128xi32, #tpu.memory_space<hbm>>
      %dma_start3A_79 = tpu.memref_squeeze %dma_start3A_78 : memref<1x79x128xi32, #tpu.memory_space<hbm>> -> memref<79x128xi32, #tpu.memory_space<hbm>>
      tpu.enqueue_dma source(%dma_start3A_79 : memref<79x128xi32, #tpu.memory_space<hbm>>) target(%arg15 : memref<79x128xi32, #tpu.memory_space<vmem>>) target_semaphore(%run_scoped3A : memref<!tpu.dma_semaphore, #tpu.memory_space<semaphore_mem>>)
      %dma_wait3A = arith.constant 0 : i32
      %dma_wait3A_80 = arith.constant 0 : i32
      %dma_wait3A_81 = tpu.memref_slice %arg7[%add3A, %dma_wait3A, %dma_wait3A_80] : memref<32x79x128xi32, #tpu.memory_space<hbm>> -> memref<1x79x128xi32, #tpu.memory_space<hbm>>
      %dma_wait3A_82 = tpu.memref_squeeze %dma_wait3A_81 : memref<1x79x128xi32, #tpu.memory_space<hbm>> -> memref<79x128xi32, #tpu.memory_space<hbm>>
      %dma_wait3A_83 = arith.constant 0 : i32
      %dma_wait3A_84 = arith.constant 0 : i32
      %dma_wait3A_85 = tpu.memref_slice %arg7[%add3A, %dma_wait3A_83, %dma_wait3A_84] : memref<32x79x128xi32, #tpu.memory_space<hbm>> -> memref<1x79x128xi32, #tpu.memory_space<hbm>>
      %dma_wait3A_86 = tpu.memref_squeeze %dma_wait3A_85 : memref<1x79x128xi32, #tpu.memory_space<hbm>> -> memref<79x128xi32, #tpu.memory_space<hbm>>
      tpu.wait_dma2 semaphore(%run_scoped3A : memref<!tpu.dma_semaphore, #tpu.memory_space<semaphore_mem>>) src(%dma_wait3A_86 : memref<79x128xi32, #tpu.memory_space<hbm>>) dst(%arg15 : memref<79x128xi32, #tpu.memory_space<vmem>>)
      tpu.yield
    }) : () -> ()
    %eq3A = arith.constant 0 : i32
    %eq3A_3 = arith.cmpi eq, %arg0, %eq3A : i32
    %convert_element_type3A = arith.extui %eq3A_3 : i1 to i32
    %cond3A = arith.constant 0 : i32
    %cond3A_4 = arith.cmpi ne, %convert_element_type3A, %cond3A : i32
    scf.if %cond3A_4 {
      "tpu.region"() ({
        %run_scoped3A = tpu.sem_alloc : memref<!tpu.dma_semaphore, #tpu.memory_space<semaphore_mem>>
        %dma_start3A = arith.constant 0 : i32
        %dma_start3A_73 = tpu.memref_slice %arg13[%mul3A_2, %dma_start3A] : memref<10240x128xf32, #tpu.memory_space<vmem_shared>> -> memref<640x128xf32, #tpu.memory_space<vmem_shared>>
        %dma_start3A_74 = arith.constant 0 : i32
        %dma_start3A_75 = tpu.memref_slice %arg2[%mul3A_2, %dma_start3A_74] : memref<10240x128xf32, #tpu.memory_space<hbm>> -> memref<640x128xf32, #tpu.memory_space<hbm>>
        tpu.enqueue_dma source(%dma_start3A_75 : memref<640x128xf32, #tpu.memory_space<hbm>>) target(%dma_start3A_73 : memref<640x128xf32, #tpu.memory_space<vmem_shared>>) target_semaphore(%run_scoped3A : memref<!tpu.dma_semaphore, #tpu.memory_space<semaphore_mem>>)
        %dma_wait3A = arith.constant 0 : i32
        %dma_wait3A_76 = tpu.memref_slice %arg13[%mul3A_2, %dma_wait3A] : memref<10240x128xf32, #tpu.memory_space<vmem_shared>> -> memref<640x128xf32, #tpu.memory_space<vmem_shared>>
        %dma_wait3A_77 = arith.constant 0 : i32
        %dma_wait3A_78 = tpu.memref_slice %arg2[%mul3A_2, %dma_wait3A_77] : memref<10240x128xf32, #tpu.memory_space<hbm>> -> memref<640x128xf32, #tpu.memory_space<hbm>>
        tpu.wait_dma2 semaphore(%run_scoped3A : memref<!tpu.dma_semaphore, #tpu.memory_space<semaphore_mem>>) src(%dma_wait3A_78 : memref<640x128xf32, #tpu.memory_space<hbm>>) dst(%dma_wait3A_76 : memref<640x128xf32, #tpu.memory_space<vmem_shared>>)
        tpu.yield
      }) : () -> ()
    } else {
    }
    %ne3A = arith.constant 0 : i32
    %ne3A_5 = arith.cmpi ne, %arg0, %ne3A : i32
    %convert_element_type3A_6 = arith.extui %ne3A_5 : i1 to i32
    %cond3A_7 = arith.constant 0 : i32
    %cond3A_8 = arith.cmpi ne, %convert_element_type3A_6, %cond3A_7 : i32
    scf.if %cond3A_8 {
      "tpu.region"() ({
        %run_scoped3A = tpu.sem_alloc : memref<!tpu.dma_semaphore, #tpu.memory_space<semaphore_mem>>
        %dma_start3A = arith.constant 0 : i32
        %dma_start3A_73 = tpu.memref_slice %arg13[%mul3A_2, %dma_start3A] : memref<10240x128xf32, #tpu.memory_space<vmem_shared>> -> memref<640x128xf32, #tpu.memory_space<vmem_shared>>
        tpu.enqueue_dma source(%arg8 : memref<640x128xf32, #tpu.memory_space<hbm>>) target(%dma_start3A_73 : memref<640x128xf32, #tpu.memory_space<vmem_shared>>) target_semaphore(%run_scoped3A : memref<!tpu.dma_semaphore, #tpu.memory_space<semaphore_mem>>)
        %dma_wait3A = arith.constant 0 : i32
        %dma_wait3A_74 = tpu.memref_slice %arg13[%mul3A_2, %dma_wait3A] : memref<10240x128xf32, #tpu.memory_space<vmem_shared>> -> memref<640x128xf32, #tpu.memory_space<vmem_shared>>
        tpu.wait_dma2 semaphore(%run_scoped3A : memref<!tpu.dma_semaphore, #tpu.memory_space<semaphore_mem>>) src(%arg8 : memref<640x128xf32, #tpu.memory_space<hbm>>) dst(%dma_wait3A_74 : memref<640x128xf32, #tpu.memory_space<vmem_shared>>)
        tpu.yield
      }) : () -> ()
    } else {
    }
    %barrier3A = arith.constant 0 : index
    tpu.barrier barrier_id(%barrier3A)
    %scan3A = arith.constant 0 : i32
    %scan3A_9 = arith.constant 0 : i32
    %scan3A_10 = arith.constant 79 : i32
    %scan3A_11 = arith.addi %scan3A_9, %scan3A_10 : i32
    %scan3A_12 = arith.constant 1 : i32
    scf.for %scan3A_73 = %scan3A_9 to %scan3A_11 step %scan3A_12  : i32 {
      "tpu.region"() ({
        %run_scoped3A = tpu.sem_alloc : memref<!tpu.dma_semaphore, #tpu.memory_space<semaphore_mem>>
        %dma_start3A = arith.constant 0 : i32
        %dma_start3A_74 = tpu.memref_slice %arg14[%scan3A_73, %dma_start3A] : memref<79x128xi32, #tpu.memory_space<vmem>> -> memref<1x128xi32, #tpu.memory_space<vmem>>
        %dma_start3A_75 = tpu.memref_squeeze %dma_start3A_74 : memref<1x128xi32, #tpu.memory_space<vmem>> -> memref<128xi32, #tpu.memory_space<vmem>>
        %dma_start3A_76 = arith.constant 0 : i32
        %dma_start3A_77 = arith.constant 0 : i32
        %dma_start3A_78 = tpu.memref_slice %arg2[%dma_start3A_76, %dma_start3A_77] : memref<10240x128xf32, #tpu.memory_space<hbm>> -> memref<10240x128xf32, #tpu.memory_space<hbm>>
        tpu.enqueue_indirect_dma source(%dma_start3A_78 : memref<10240x128xf32, #tpu.memory_space<hbm>>) target(%arg16 : memref<128x128xf32, #tpu.memory_space<vmem>>) offsets(%dma_start3A_75 : memref<128xi32, #tpu.memory_space<vmem>>) semaphore(%run_scoped3A : memref<!tpu.dma_semaphore, #tpu.memory_space<semaphore_mem>>)
        %dma_wait3A = arith.constant 0 : i32
        %dma_wait3A_79 = tpu.memref_slice %arg14[%scan3A_73, %dma_wait3A] : memref<79x128xi32, #tpu.memory_space<vmem>> -> memref<1x128xi32, #tpu.memory_space<vmem>>
        %dma_wait3A_80 = tpu.memref_squeeze %dma_wait3A_79 : memref<1x128xi32, #tpu.memory_space<vmem>> -> memref<128xi32, #tpu.memory_space<vmem>>
        %dma_wait3A_81 = arith.constant 0 : i32
        %dma_wait3A_82 = arith.constant 0 : i32
        %dma_wait3A_83 = tpu.memref_slice %arg2[%dma_wait3A_81, %dma_wait3A_82] : memref<10240x128xf32, #tpu.memory_space<hbm>> -> memref<10240x128xf32, #tpu.memory_space<hbm>>
        tpu.wait_indirect_dma semaphore(%run_scoped3A : memref<!tpu.dma_semaphore, #tpu.memory_space<semaphore_mem>>) src(%dma_wait3A_83 : memref<10240x128xf32, #tpu.memory_space<hbm>>) dst(%arg16 : memref<128x128xf32, #tpu.memory_space<vmem>>)
        tpu.yield
      }) : () -> ()
      "tpu.region"() ({
        %run_scoped3A = tpu.sem_alloc : memref<!tpu.dma_semaphore, #tpu.memory_space<semaphore_mem>>
        %dma_start3A = arith.constant 0 : i32
        %dma_start3A_74 = tpu.memref_slice %arg15[%scan3A_73, %dma_start3A] : memref<79x128xi32, #tpu.memory_space<vmem>> -> memref<1x128xi32, #tpu.memory_space<vmem>>
        %dma_start3A_75 = tpu.memref_squeeze %dma_start3A_74 : memref<1x128xi32, #tpu.memory_space<vmem>> -> memref<128xi32, #tpu.memory_space<vmem>>
        %dma_start3A_76 = arith.constant 0 : i32
        %dma_start3A_77 = arith.constant 0 : i32
        %dma_start3A_78 = tpu.memref_slice %arg13[%dma_start3A_76, %dma_start3A_77] : memref<10240x128xf32, #tpu.memory_space<vmem_shared>> -> memref<10240x128xf32, #tpu.memory_space<vmem_shared>>
        tpu.enqueue_indirect_dma source(%arg16 : memref<128x128xf32, #tpu.memory_space<vmem>>) target(%dma_start3A_78 : memref<10240x128xf32, #tpu.memory_space<vmem_shared>>) offsets(%dma_start3A_75 : memref<128xi32, #tpu.memory_space<vmem>>) semaphore(%run_scoped3A : memref<!tpu.dma_semaphore, #tpu.memory_space<semaphore_mem>>) {add = true}
        %dma_wait3A = arith.constant 0 : i32
        %dma_wait3A_79 = tpu.memref_slice %arg15[%scan3A_73, %dma_wait3A] : memref<79x128xi32, #tpu.memory_space<vmem>> -> memref<1x128xi32, #tpu.memory_space<vmem>>
        %dma_wait3A_80 = tpu.memref_squeeze %dma_wait3A_79 : memref<1x128xi32, #tpu.memory_space<vmem>> -> memref<128xi32, #tpu.memory_space<vmem>>
        %dma_wait3A_81 = arith.constant 0 : i32
        %dma_wait3A_82 = arith.constant 0 : i32
        %dma_wait3A_83 = tpu.memref_slice %arg13[%dma_wait3A_81, %dma_wait3A_82] : memref<10240x128xf32, #tpu.memory_space<vmem_shared>> -> memref<10240x128xf32, #tpu.memory_space<vmem_shared>>
        tpu.wait_indirect_dma semaphore(%run_scoped3A : memref<!tpu.dma_semaphore, #tpu.memory_space<semaphore_mem>>) src(%arg16 : memref<128x128xf32, #tpu.memory_space<vmem>>) dst(%dma_wait3A_83 : memref<10240x128xf32, #tpu.memory_space<vmem_shared>>)
        tpu.yield
      }) : () -> ()
    }
    %scan3A_13 = arith.constant 79 : i32
    %barrier3A_14 = arith.constant 0 : index
    tpu.barrier barrier_id(%barrier3A_14)
    "tpu.region"() ({
      %run_scoped3A = tpu.sem_alloc : memref<!tpu.dma_semaphore, #tpu.memory_space<semaphore_mem>>
      %dma_start3A = arith.constant 0 : i32
      %dma_start3A_73 = tpu.memref_slice %arg9[%arg0, %mul3A_2, %dma_start3A] : memref<2x10240x128xf32, #tpu.memory_space<hbm>> -> memref<1x640x128xf32, #tpu.memory_space<hbm>>
      %dma_start3A_74 = tpu.memref_squeeze %dma_start3A_73 : memref<1x640x128xf32, #tpu.memory_space<hbm>> -> memref<640x128xf32, #tpu.memory_space<hbm>>
      %dma_start3A_75 = arith.constant 0 : i32
      %dma_start3A_76 = tpu.memref_slice %arg13[%mul3A_2, %dma_start3A_75] : memref<10240x128xf32, #tpu.memory_space<vmem_shared>> -> memref<640x128xf32, #tpu.memory_space<vmem_shared>>
      tpu.enqueue_dma source(%dma_start3A_76 : memref<640x128xf32, #tpu.memory_space<vmem_shared>>) target(%dma_start3A_74 : memref<640x128xf32, #tpu.memory_space<hbm>>) target_semaphore(%run_scoped3A : memref<!tpu.dma_semaphore, #tpu.memory_space<semaphore_mem>>)
      %dma_wait3A = arith.constant 0 : i32
      %dma_wait3A_77 = tpu.memref_slice %arg9[%arg0, %mul3A_2, %dma_wait3A] : memref<2x10240x128xf32, #tpu.memory_space<hbm>> -> memref<1x640x128xf32, #tpu.memory_space<hbm>>
      %dma_wait3A_78 = tpu.memref_squeeze %dma_wait3A_77 : memref<1x640x128xf32, #tpu.memory_space<hbm>> -> memref<640x128xf32, #tpu.memory_space<hbm>>
      %dma_wait3A_79 = arith.constant 0 : i32
      %dma_wait3A_80 = tpu.memref_slice %arg13[%mul3A_2, %dma_wait3A_79] : memref<10240x128xf32, #tpu.memory_space<vmem_shared>> -> memref<640x128xf32, #tpu.memory_space<vmem_shared>>
      tpu.wait_dma2 semaphore(%run_scoped3A : memref<!tpu.dma_semaphore, #tpu.memory_space<semaphore_mem>>) src(%dma_wait3A_80 : memref<640x128xf32, #tpu.memory_space<vmem_shared>>) dst(%dma_wait3A_78 : memref<640x128xf32, #tpu.memory_space<hbm>>)
      tpu.yield
    }) : () -> ()
    %barrier3A_15 = arith.constant 0 : index
    tpu.barrier barrier_id(%barrier3A_15)
    %eq3A_16 = arith.constant 0 : i32
    %eq3A_17 = arith.cmpi eq, %arg0, %eq3A_16 : i32
    %convert_element_type3A_18 = arith.extui %eq3A_17 : i1 to i32
    %cond3A_19 = arith.constant 0 : i32
    %cond3A_20 = arith.cmpi ne, %convert_element_type3A_18, %cond3A_19 : i32
    scf.if %cond3A_20 {
      "tpu.region"() ({
        %run_scoped3A = tpu.sem_alloc : memref<!tpu.dma_semaphore, #tpu.memory_space<semaphore_mem>>
        %dma_start3A = arith.constant 0 : i32
        %dma_start3A_73 = tpu.memref_slice %arg13[%mul3A_2, %dma_start3A] : memref<10240x128xf32, #tpu.memory_space<vmem_shared>> -> memref<640x128xf32, #tpu.memory_space<vmem_shared>>
        %dma_start3A_74 = arith.constant 0 : i32
        %dma_start3A_75 = tpu.memref_slice %arg3[%mul3A_2, %dma_start3A_74] : memref<10240x128xf32, #tpu.memory_space<hbm>> -> memref<640x128xf32, #tpu.memory_space<hbm>>
        tpu.enqueue_dma source(%dma_start3A_75 : memref<640x128xf32, #tpu.memory_space<hbm>>) target(%dma_start3A_73 : memref<640x128xf32, #tpu.memory_space<vmem_shared>>) target_semaphore(%run_scoped3A : memref<!tpu.dma_semaphore, #tpu.memory_space<semaphore_mem>>)
        %dma_wait3A = arith.constant 0 : i32
        %dma_wait3A_76 = tpu.memref_slice %arg13[%mul3A_2, %dma_wait3A] : memref<10240x128xf32, #tpu.memory_space<vmem_shared>> -> memref<640x128xf32, #tpu.memory_space<vmem_shared>>
        %dma_wait3A_77 = arith.constant 0 : i32
        %dma_wait3A_78 = tpu.memref_slice %arg3[%mul3A_2, %dma_wait3A_77] : memref<10240x128xf32, #tpu.memory_space<hbm>> -> memref<640x128xf32, #tpu.memory_space<hbm>>
        tpu.wait_dma2 semaphore(%run_scoped3A : memref<!tpu.dma_semaphore, #tpu.memory_space<semaphore_mem>>) src(%dma_wait3A_78 : memref<640x128xf32, #tpu.memory_space<hbm>>) dst(%dma_wait3A_76 : memref<640x128xf32, #tpu.memory_space<vmem_shared>>)
        tpu.yield
      }) : () -> ()
    } else {
    }
    %ne3A_21 = arith.constant 0 : i32
    %ne3A_22 = arith.cmpi ne, %arg0, %ne3A_21 : i32
    %convert_element_type3A_23 = arith.extui %ne3A_22 : i1 to i32
    %cond3A_24 = arith.constant 0 : i32
    %cond3A_25 = arith.cmpi ne, %convert_element_type3A_23, %cond3A_24 : i32
    scf.if %cond3A_25 {
      "tpu.region"() ({
        %run_scoped3A = tpu.sem_alloc : memref<!tpu.dma_semaphore, #tpu.memory_space<semaphore_mem>>
        %dma_start3A = arith.constant 0 : i32
        %dma_start3A_73 = tpu.memref_slice %arg13[%mul3A_2, %dma_start3A] : memref<10240x128xf32, #tpu.memory_space<vmem_shared>> -> memref<640x128xf32, #tpu.memory_space<vmem_shared>>
        tpu.enqueue_dma source(%arg8 : memref<640x128xf32, #tpu.memory_space<hbm>>) target(%dma_start3A_73 : memref<640x128xf32, #tpu.memory_space<vmem_shared>>) target_semaphore(%run_scoped3A : memref<!tpu.dma_semaphore, #tpu.memory_space<semaphore_mem>>)
        %dma_wait3A = arith.constant 0 : i32
        %dma_wait3A_74 = tpu.memref_slice %arg13[%mul3A_2, %dma_wait3A] : memref<10240x128xf32, #tpu.memory_space<vmem_shared>> -> memref<640x128xf32, #tpu.memory_space<vmem_shared>>
        tpu.wait_dma2 semaphore(%run_scoped3A : memref<!tpu.dma_semaphore, #tpu.memory_space<semaphore_mem>>) src(%arg8 : memref<640x128xf32, #tpu.memory_space<hbm>>) dst(%dma_wait3A_74 : memref<640x128xf32, #tpu.memory_space<vmem_shared>>)
        tpu.yield
      }) : () -> ()
    } else {
    }
    %barrier3A_26 = arith.constant 0 : index
    tpu.barrier barrier_id(%barrier3A_26)
    %scan3A_27 = arith.constant 0 : i32
    %scan3A_28 = arith.constant 0 : i32
    %scan3A_29 = arith.constant 79 : i32
    %scan3A_30 = arith.addi %scan3A_28, %scan3A_29 : i32
    %scan3A_31 = arith.constant 1 : i32
    scf.for %scan3A_73 = %scan3A_28 to %scan3A_30 step %scan3A_31  : i32 {
      "tpu.region"() ({
        %run_scoped3A = tpu.sem_alloc : memref<!tpu.dma_semaphore, #tpu.memory_space<semaphore_mem>>
        %dma_start3A = arith.constant 0 : i32
        %dma_start3A_74 = tpu.memref_slice %arg14[%scan3A_73, %dma_start3A] : memref<79x128xi32, #tpu.memory_space<vmem>> -> memref<1x128xi32, #tpu.memory_space<vmem>>
        %dma_start3A_75 = tpu.memref_squeeze %dma_start3A_74 : memref<1x128xi32, #tpu.memory_space<vmem>> -> memref<128xi32, #tpu.memory_space<vmem>>
        %dma_start3A_76 = arith.constant 0 : i32
        %dma_start3A_77 = arith.constant 0 : i32
        %dma_start3A_78 = tpu.memref_slice %arg3[%dma_start3A_76, %dma_start3A_77] : memref<10240x128xf32, #tpu.memory_space<hbm>> -> memref<10240x128xf32, #tpu.memory_space<hbm>>
        tpu.enqueue_indirect_dma source(%dma_start3A_78 : memref<10240x128xf32, #tpu.memory_space<hbm>>) target(%arg16 : memref<128x128xf32, #tpu.memory_space<vmem>>) offsets(%dma_start3A_75 : memref<128xi32, #tpu.memory_space<vmem>>) semaphore(%run_scoped3A : memref<!tpu.dma_semaphore, #tpu.memory_space<semaphore_mem>>)
        %dma_wait3A = arith.constant 0 : i32
        %dma_wait3A_79 = tpu.memref_slice %arg14[%scan3A_73, %dma_wait3A] : memref<79x128xi32, #tpu.memory_space<vmem>> -> memref<1x128xi32, #tpu.memory_space<vmem>>
        %dma_wait3A_80 = tpu.memref_squeeze %dma_wait3A_79 : memref<1x128xi32, #tpu.memory_space<vmem>> -> memref<128xi32, #tpu.memory_space<vmem>>
        %dma_wait3A_81 = arith.constant 0 : i32
        %dma_wait3A_82 = arith.constant 0 : i32
        %dma_wait3A_83 = tpu.memref_slice %arg3[%dma_wait3A_81, %dma_wait3A_82] : memref<10240x128xf32, #tpu.memory_space<hbm>> -> memref<10240x128xf32, #tpu.memory_space<hbm>>
        tpu.wait_indirect_dma semaphore(%run_scoped3A : memref<!tpu.dma_semaphore, #tpu.memory_space<semaphore_mem>>) src(%dma_wait3A_83 : memref<10240x128xf32, #tpu.memory_space<hbm>>) dst(%arg16 : memref<128x128xf32, #tpu.memory_space<vmem>>)
        tpu.yield
      }) : () -> ()
      "tpu.region"() ({
        %run_scoped3A = tpu.sem_alloc : memref<!tpu.dma_semaphore, #tpu.memory_space<semaphore_mem>>
        %dma_start3A = arith.constant 0 : i32
        %dma_start3A_74 = tpu.memref_slice %arg15[%scan3A_73, %dma_start3A] : memref<79x128xi32, #tpu.memory_space<vmem>> -> memref<1x128xi32, #tpu.memory_space<vmem>>
        %dma_start3A_75 = tpu.memref_squeeze %dma_start3A_74 : memref<1x128xi32, #tpu.memory_space<vmem>> -> memref<128xi32, #tpu.memory_space<vmem>>
        %dma_start3A_76 = arith.constant 0 : i32
        %dma_start3A_77 = arith.constant 0 : i32
        %dma_start3A_78 = tpu.memref_slice %arg13[%dma_start3A_76, %dma_start3A_77] : memref<10240x128xf32, #tpu.memory_space<vmem_shared>> -> memref<10240x128xf32, #tpu.memory_space<vmem_shared>>
        tpu.enqueue_indirect_dma source(%arg16 : memref<128x128xf32, #tpu.memory_space<vmem>>) target(%dma_start3A_78 : memref<10240x128xf32, #tpu.memory_space<vmem_shared>>) offsets(%dma_start3A_75 : memref<128xi32, #tpu.memory_space<vmem>>) semaphore(%run_scoped3A : memref<!tpu.dma_semaphore, #tpu.memory_space<semaphore_mem>>) {add = true}
        %dma_wait3A = arith.constant 0 : i32
        %dma_wait3A_79 = tpu.memref_slice %arg15[%scan3A_73, %dma_wait3A] : memref<79x128xi32, #tpu.memory_space<vmem>> -> memref<1x128xi32, #tpu.memory_space<vmem>>
        %dma_wait3A_80 = tpu.memref_squeeze %dma_wait3A_79 : memref<1x128xi32, #tpu.memory_space<vmem>> -> memref<128xi32, #tpu.memory_space<vmem>>
        %dma_wait3A_81 = arith.constant 0 : i32
        %dma_wait3A_82 = arith.constant 0 : i32
        %dma_wait3A_83 = tpu.memref_slice %arg13[%dma_wait3A_81, %dma_wait3A_82] : memref<10240x128xf32, #tpu.memory_space<vmem_shared>> -> memref<10240x128xf32, #tpu.memory_space<vmem_shared>>
        tpu.wait_indirect_dma semaphore(%run_scoped3A : memref<!tpu.dma_semaphore, #tpu.memory_space<semaphore_mem>>) src(%arg16 : memref<128x128xf32, #tpu.memory_space<vmem>>) dst(%dma_wait3A_83 : memref<10240x128xf32, #tpu.memory_space<vmem_shared>>)
        tpu.yield
      }) : () -> ()
    }
    %scan3A_32 = arith.constant 79 : i32
    %barrier3A_33 = arith.constant 0 : index
    tpu.barrier barrier_id(%barrier3A_33)
    "tpu.region"() ({
      %run_scoped3A = tpu.sem_alloc : memref<!tpu.dma_semaphore, #tpu.memory_space<semaphore_mem>>
      %dma_start3A = arith.constant 0 : i32
      %dma_start3A_73 = tpu.memref_slice %arg10[%arg0, %mul3A_2, %dma_start3A] : memref<2x10240x128xf32, #tpu.memory_space<hbm>> -> memref<1x640x128xf32, #tpu.memory_space<hbm>>
      %dma_start3A_74 = tpu.memref_squeeze %dma_start3A_73 : memref<1x640x128xf32, #tpu.memory_space<hbm>> -> memref<640x128xf32, #tpu.memory_space<hbm>>
      %dma_start3A_75 = arith.constant 0 : i32
      %dma_start3A_76 = tpu.memref_slice %arg13[%mul3A_2, %dma_start3A_75] : memref<10240x128xf32, #tpu.memory_space<vmem_shared>> -> memref<640x128xf32, #tpu.memory_space<vmem_shared>>
      tpu.enqueue_dma source(%dma_start3A_76 : memref<640x128xf32, #tpu.memory_space<vmem_shared>>) target(%dma_start3A_74 : memref<640x128xf32, #tpu.memory_space<hbm>>) target_semaphore(%run_scoped3A : memref<!tpu.dma_semaphore, #tpu.memory_space<semaphore_mem>>)
      %dma_wait3A = arith.constant 0 : i32
      %dma_wait3A_77 = tpu.memref_slice %arg10[%arg0, %mul3A_2, %dma_wait3A] : memref<2x10240x128xf32, #tpu.memory_space<hbm>> -> memref<1x640x128xf32, #tpu.memory_space<hbm>>
      %dma_wait3A_78 = tpu.memref_squeeze %dma_wait3A_77 : memref<1x640x128xf32, #tpu.memory_space<hbm>> -> memref<640x128xf32, #tpu.memory_space<hbm>>
      %dma_wait3A_79 = arith.constant 0 : i32
      %dma_wait3A_80 = tpu.memref_slice %arg13[%mul3A_2, %dma_wait3A_79] : memref<10240x128xf32, #tpu.memory_space<vmem_shared>> -> memref<640x128xf32, #tpu.memory_space<vmem_shared>>
      tpu.wait_dma2 semaphore(%run_scoped3A : memref<!tpu.dma_semaphore, #tpu.memory_space<semaphore_mem>>) src(%dma_wait3A_80 : memref<640x128xf32, #tpu.memory_space<vmem_shared>>) dst(%dma_wait3A_78 : memref<640x128xf32, #tpu.memory_space<hbm>>)
      tpu.yield
    }) : () -> ()
    %barrier3A_34 = arith.constant 0 : index
    tpu.barrier barrier_id(%barrier3A_34)
    %eq3A_35 = arith.constant 0 : i32
    %eq3A_36 = arith.cmpi eq, %arg0, %eq3A_35 : i32
    %convert_element_type3A_37 = arith.extui %eq3A_36 : i1 to i32
    %cond3A_38 = arith.constant 0 : i32
    %cond3A_39 = arith.cmpi ne, %convert_element_type3A_37, %cond3A_38 : i32
    scf.if %cond3A_39 {
      "tpu.region"() ({
        %run_scoped3A = tpu.sem_alloc : memref<!tpu.dma_semaphore, #tpu.memory_space<semaphore_mem>>
        %dma_start3A = arith.constant 0 : i32
        %dma_start3A_73 = tpu.memref_slice %arg13[%mul3A_2, %dma_start3A] : memref<10240x128xf32, #tpu.memory_space<vmem_shared>> -> memref<640x128xf32, #tpu.memory_space<vmem_shared>>
        %dma_start3A_74 = arith.constant 0 : i32
        %dma_start3A_75 = tpu.memref_slice %arg4[%mul3A_2, %dma_start3A_74] : memref<10240x128xf32, #tpu.memory_space<hbm>> -> memref<640x128xf32, #tpu.memory_space<hbm>>
        tpu.enqueue_dma source(%dma_start3A_75 : memref<640x128xf32, #tpu.memory_space<hbm>>) target(%dma_start3A_73 : memref<640x128xf32, #tpu.memory_space<vmem_shared>>) target_semaphore(%run_scoped3A : memref<!tpu.dma_semaphore, #tpu.memory_space<semaphore_mem>>)
        %dma_wait3A = arith.constant 0 : i32
        %dma_wait3A_76 = tpu.memref_slice %arg13[%mul3A_2, %dma_wait3A] : memref<10240x128xf32, #tpu.memory_space<vmem_shared>> -> memref<640x128xf32, #tpu.memory_space<vmem_shared>>
        %dma_wait3A_77 = arith.constant 0 : i32
        %dma_wait3A_78 = tpu.memref_slice %arg4[%mul3A_2, %dma_wait3A_77] : memref<10240x128xf32, #tpu.memory_space<hbm>> -> memref<640x128xf32, #tpu.memory_space<hbm>>
        tpu.wait_dma2 semaphore(%run_scoped3A : memref<!tpu.dma_semaphore, #tpu.memory_space<semaphore_mem>>) src(%dma_wait3A_78 : memref<640x128xf32, #tpu.memory_space<hbm>>) dst(%dma_wait3A_76 : memref<640x128xf32, #tpu.memory_space<vmem_shared>>)
        tpu.yield
      }) : () -> ()
    } else {
    }
    %ne3A_40 = arith.constant 0 : i32
    %ne3A_41 = arith.cmpi ne, %arg0, %ne3A_40 : i32
    %convert_element_type3A_42 = arith.extui %ne3A_41 : i1 to i32
    %cond3A_43 = arith.constant 0 : i32
    %cond3A_44 = arith.cmpi ne, %convert_element_type3A_42, %cond3A_43 : i32
    scf.if %cond3A_44 {
      "tpu.region"() ({
        %run_scoped3A = tpu.sem_alloc : memref<!tpu.dma_semaphore, #tpu.memory_space<semaphore_mem>>
        %dma_start3A = arith.constant 0 : i32
        %dma_start3A_73 = tpu.memref_slice %arg13[%mul3A_2, %dma_start3A] : memref<10240x128xf32, #tpu.memory_space<vmem_shared>> -> memref<640x128xf32, #tpu.memory_space<vmem_shared>>
        tpu.enqueue_dma source(%arg8 : memref<640x128xf32, #tpu.memory_space<hbm>>) target(%dma_start3A_73 : memref<640x128xf32, #tpu.memory_space<vmem_shared>>) target_semaphore(%run_scoped3A : memref<!tpu.dma_semaphore, #tpu.memory_space<semaphore_mem>>)
        %dma_wait3A = arith.constant 0 : i32
        %dma_wait3A_74 = tpu.memref_slice %arg13[%mul3A_2, %dma_wait3A] : memref<10240x128xf32, #tpu.memory_space<vmem_shared>> -> memref<640x128xf32, #tpu.memory_space<vmem_shared>>
        tpu.wait_dma2 semaphore(%run_scoped3A : memref<!tpu.dma_semaphore, #tpu.memory_space<semaphore_mem>>) src(%arg8 : memref<640x128xf32, #tpu.memory_space<hbm>>) dst(%dma_wait3A_74 : memref<640x128xf32, #tpu.memory_space<vmem_shared>>)
        tpu.yield
      }) : () -> ()
    } else {
    }
    %barrier3A_45 = arith.constant 0 : index
    tpu.barrier barrier_id(%barrier3A_45)
    %scan3A_46 = arith.constant 0 : i32
    %scan3A_47 = arith.constant 0 : i32
    %scan3A_48 = arith.constant 79 : i32
    %scan3A_49 = arith.addi %scan3A_47, %scan3A_48 : i32
    %scan3A_50 = arith.constant 1 : i32
    scf.for %scan3A_73 = %scan3A_47 to %scan3A_49 step %scan3A_50  : i32 {
      "tpu.region"() ({
        %run_scoped3A = tpu.sem_alloc : memref<!tpu.dma_semaphore, #tpu.memory_space<semaphore_mem>>
        %dma_start3A = arith.constant 0 : i32
        %dma_start3A_74 = tpu.memref_slice %arg14[%scan3A_73, %dma_start3A] : memref<79x128xi32, #tpu.memory_space<vmem>> -> memref<1x128xi32, #tpu.memory_space<vmem>>
        %dma_start3A_75 = tpu.memref_squeeze %dma_start3A_74 : memref<1x128xi32, #tpu.memory_space<vmem>> -> memref<128xi32, #tpu.memory_space<vmem>>
        %dma_start3A_76 = arith.constant 0 : i32
        %dma_start3A_77 = arith.constant 0 : i32
        %dma_start3A_78 = tpu.memref_slice %arg4[%dma_start3A_76, %dma_start3A_77] : memref<10240x128xf32, #tpu.memory_space<hbm>> -> memref<10240x128xf32, #tpu.memory_space<hbm>>
        tpu.enqueue_indirect_dma source(%dma_start3A_78 : memref<10240x128xf32, #tpu.memory_space<hbm>>) target(%arg16 : memref<128x128xf32, #tpu.memory_space<vmem>>) offsets(%dma_start3A_75 : memref<128xi32, #tpu.memory_space<vmem>>) semaphore(%run_scoped3A : memref<!tpu.dma_semaphore, #tpu.memory_space<semaphore_mem>>)
        %dma_wait3A = arith.constant 0 : i32
        %dma_wait3A_79 = tpu.memref_slice %arg14[%scan3A_73, %dma_wait3A] : memref<79x128xi32, #tpu.memory_space<vmem>> -> memref<1x128xi32, #tpu.memory_space<vmem>>
        %dma_wait3A_80 = tpu.memref_squeeze %dma_wait3A_79 : memref<1x128xi32, #tpu.memory_space<vmem>> -> memref<128xi32, #tpu.memory_space<vmem>>
        %dma_wait3A_81 = arith.constant 0 : i32
        %dma_wait3A_82 = arith.constant 0 : i32
        %dma_wait3A_83 = tpu.memref_slice %arg4[%dma_wait3A_81, %dma_wait3A_82] : memref<10240x128xf32, #tpu.memory_space<hbm>> -> memref<10240x128xf32, #tpu.memory_space<hbm>>
        tpu.wait_indirect_dma semaphore(%run_scoped3A : memref<!tpu.dma_semaphore, #tpu.memory_space<semaphore_mem>>) src(%dma_wait3A_83 : memref<10240x128xf32, #tpu.memory_space<hbm>>) dst(%arg16 : memref<128x128xf32, #tpu.memory_space<vmem>>)
        tpu.yield
      }) : () -> ()
      "tpu.region"() ({
        %run_scoped3A = tpu.sem_alloc : memref<!tpu.dma_semaphore, #tpu.memory_space<semaphore_mem>>
        %dma_start3A = arith.constant 0 : i32
        %dma_start3A_74 = tpu.memref_slice %arg15[%scan3A_73, %dma_start3A] : memref<79x128xi32, #tpu.memory_space<vmem>> -> memref<1x128xi32, #tpu.memory_space<vmem>>
        %dma_start3A_75 = tpu.memref_squeeze %dma_start3A_74 : memref<1x128xi32, #tpu.memory_space<vmem>> -> memref<128xi32, #tpu.memory_space<vmem>>
        %dma_start3A_76 = arith.constant 0 : i32
        %dma_start3A_77 = arith.constant 0 : i32
        %dma_start3A_78 = tpu.memref_slice %arg13[%dma_start3A_76, %dma_start3A_77] : memref<10240x128xf32, #tpu.memory_space<vmem_shared>> -> memref<10240x128xf32, #tpu.memory_space<vmem_shared>>
        tpu.enqueue_indirect_dma source(%arg16 : memref<128x128xf32, #tpu.memory_space<vmem>>) target(%dma_start3A_78 : memref<10240x128xf32, #tpu.memory_space<vmem_shared>>) offsets(%dma_start3A_75 : memref<128xi32, #tpu.memory_space<vmem>>) semaphore(%run_scoped3A : memref<!tpu.dma_semaphore, #tpu.memory_space<semaphore_mem>>) {add = true}
        %dma_wait3A = arith.constant 0 : i32
        %dma_wait3A_79 = tpu.memref_slice %arg15[%scan3A_73, %dma_wait3A] : memref<79x128xi32, #tpu.memory_space<vmem>> -> memref<1x128xi32, #tpu.memory_space<vmem>>
        %dma_wait3A_80 = tpu.memref_squeeze %dma_wait3A_79 : memref<1x128xi32, #tpu.memory_space<vmem>> -> memref<128xi32, #tpu.memory_space<vmem>>
        %dma_wait3A_81 = arith.constant 0 : i32
        %dma_wait3A_82 = arith.constant 0 : i32
        %dma_wait3A_83 = tpu.memref_slice %arg13[%dma_wait3A_81, %dma_wait3A_82] : memref<10240x128xf32, #tpu.memory_space<vmem_shared>> -> memref<10240x128xf32, #tpu.memory_space<vmem_shared>>
        tpu.wait_indirect_dma semaphore(%run_scoped3A : memref<!tpu.dma_semaphore, #tpu.memory_space<semaphore_mem>>) src(%arg16 : memref<128x128xf32, #tpu.memory_space<vmem>>) dst(%dma_wait3A_83 : memref<10240x128xf32, #tpu.memory_space<vmem_shared>>)
        tpu.yield
      }) : () -> ()
    }
    %scan3A_51 = arith.constant 79 : i32
    %barrier3A_52 = arith.constant 0 : index
    tpu.barrier barrier_id(%barrier3A_52)
    "tpu.region"() ({
      %run_scoped3A = tpu.sem_alloc : memref<!tpu.dma_semaphore, #tpu.memory_space<semaphore_mem>>
      %dma_start3A = arith.constant 0 : i32
      %dma_start3A_73 = tpu.memref_slice %arg11[%arg0, %mul3A_2, %dma_start3A] : memref<2x10240x128xf32, #tpu.memory_space<hbm>> -> memref<1x640x128xf32, #tpu.memory_space<hbm>>
      %dma_start3A_74 = tpu.memref_squeeze %dma_start3A_73 : memref<1x640x128xf32, #tpu.memory_space<hbm>> -> memref<640x128xf32, #tpu.memory_space<hbm>>
      %dma_start3A_75 = arith.constant 0 : i32
      %dma_start3A_76 = tpu.memref_slice %arg13[%mul3A_2, %dma_start3A_75] : memref<10240x128xf32, #tpu.memory_space<vmem_shared>> -> memref<640x128xf32, #tpu.memory_space<vmem_shared>>
      tpu.enqueue_dma source(%dma_start3A_76 : memref<640x128xf32, #tpu.memory_space<vmem_shared>>) target(%dma_start3A_74 : memref<640x128xf32, #tpu.memory_space<hbm>>) target_semaphore(%run_scoped3A : memref<!tpu.dma_semaphore, #tpu.memory_space<semaphore_mem>>)
      %dma_wait3A = arith.constant 0 : i32
      %dma_wait3A_77 = tpu.memref_slice %arg11[%arg0, %mul3A_2, %dma_wait3A] : memref<2x10240x128xf32, #tpu.memory_space<hbm>> -> memref<1x640x128xf32, #tpu.memory_space<hbm>>
      %dma_wait3A_78 = tpu.memref_squeeze %dma_wait3A_77 : memref<1x640x128xf32, #tpu.memory_space<hbm>> -> memref<640x128xf32, #tpu.memory_space<hbm>>
      %dma_wait3A_79 = arith.constant 0 : i32
      %dma_wait3A_80 = tpu.memref_slice %arg13[%mul3A_2, %dma_wait3A_79] : memref<10240x128xf32, #tpu.memory_space<vmem_shared>> -> memref<640x128xf32, #tpu.memory_space<vmem_shared>>
      tpu.wait_dma2 semaphore(%run_scoped3A : memref<!tpu.dma_semaphore, #tpu.memory_space<semaphore_mem>>) src(%dma_wait3A_80 : memref<640x128xf32, #tpu.memory_space<vmem_shared>>) dst(%dma_wait3A_78 : memref<640x128xf32, #tpu.memory_space<hbm>>)
      tpu.yield
    }) : () -> ()
    %barrier3A_53 = arith.constant 0 : index
    tpu.barrier barrier_id(%barrier3A_53)
    %eq3A_54 = arith.constant 0 : i32
    %eq3A_55 = arith.cmpi eq, %arg0, %eq3A_54 : i32
    %convert_element_type3A_56 = arith.extui %eq3A_55 : i1 to i32
    %cond3A_57 = arith.constant 0 : i32
    %cond3A_58 = arith.cmpi ne, %convert_element_type3A_56, %cond3A_57 : i32
    scf.if %cond3A_58 {
      "tpu.region"() ({
        %run_scoped3A = tpu.sem_alloc : memref<!tpu.dma_semaphore, #tpu.memory_space<semaphore_mem>>
        %dma_start3A = arith.constant 0 : i32
        %dma_start3A_73 = tpu.memref_slice %arg13[%mul3A_2, %dma_start3A] : memref<10240x128xf32, #tpu.memory_space<vmem_shared>> -> memref<640x128xf32, #tpu.memory_space<vmem_shared>>
        %dma_start3A_74 = arith.constant 0 : i32
        %dma_start3A_75 = tpu.memref_slice %arg5[%mul3A_2, %dma_start3A_74] : memref<10240x128xf32, #tpu.memory_space<hbm>> -> memref<640x128xf32, #tpu.memory_space<hbm>>
        tpu.enqueue_dma source(%dma_start3A_75 : memref<640x128xf32, #tpu.memory_space<hbm>>) target(%dma_start3A_73 : memref<640x128xf32, #tpu.memory_space<vmem_shared>>) target_semaphore(%run_scoped3A : memref<!tpu.dma_semaphore, #tpu.memory_space<semaphore_mem>>)
        %dma_wait3A = arith.constant 0 : i32
        %dma_wait3A_76 = tpu.memref_slice %arg13[%mul3A_2, %dma_wait3A] : memref<10240x128xf32, #tpu.memory_space<vmem_shared>> -> memref<640x128xf32, #tpu.memory_space<vmem_shared>>
        %dma_wait3A_77 = arith.constant 0 : i32
        %dma_wait3A_78 = tpu.memref_slice %arg5[%mul3A_2, %dma_wait3A_77] : memref<10240x128xf32, #tpu.memory_space<hbm>> -> memref<640x128xf32, #tpu.memory_space<hbm>>
        tpu.wait_dma2 semaphore(%run_scoped3A : memref<!tpu.dma_semaphore, #tpu.memory_space<semaphore_mem>>) src(%dma_wait3A_78 : memref<640x128xf32, #tpu.memory_space<hbm>>) dst(%dma_wait3A_76 : memref<640x128xf32, #tpu.memory_space<vmem_shared>>)
        tpu.yield
      }) : () -> ()
    } else {
    }
    %ne3A_59 = arith.constant 0 : i32
    %ne3A_60 = arith.cmpi ne, %arg0, %ne3A_59 : i32
    %convert_element_type3A_61 = arith.extui %ne3A_60 : i1 to i32
    %cond3A_62 = arith.constant 0 : i32
    %cond3A_63 = arith.cmpi ne, %convert_element_type3A_61, %cond3A_62 : i32
    scf.if %cond3A_63 {
      "tpu.region"() ({
        %run_scoped3A = tpu.sem_alloc : memref<!tpu.dma_semaphore, #tpu.memory_space<semaphore_mem>>
        %dma_start3A = arith.constant 0 : i32
        %dma_start3A_73 = tpu.memref_slice %arg13[%mul3A_2, %dma_start3A] : memref<10240x128xf32, #tpu.memory_space<vmem_shared>> -> memref<640x128xf32, #tpu.memory_space<vmem_shared>>
        tpu.enqueue_dma source(%arg8 : memref<640x128xf32, #tpu.memory_space<hbm>>) target(%dma_start3A_73 : memref<640x128xf32, #tpu.memory_space<vmem_shared>>) target_semaphore(%run_scoped3A : memref<!tpu.dma_semaphore, #tpu.memory_space<semaphore_mem>>)
        %dma_wait3A = arith.constant 0 : i32
        %dma_wait3A_74 = tpu.memref_slice %arg13[%mul3A_2, %dma_wait3A] : memref<10240x128xf32, #tpu.memory_space<vmem_shared>> -> memref<640x128xf32, #tpu.memory_space<vmem_shared>>
        tpu.wait_dma2 semaphore(%run_scoped3A : memref<!tpu.dma_semaphore, #tpu.memory_space<semaphore_mem>>) src(%arg8 : memref<640x128xf32, #tpu.memory_space<hbm>>) dst(%dma_wait3A_74 : memref<640x128xf32, #tpu.memory_space<vmem_shared>>)
        tpu.yield
      }) : () -> ()
    } else {
    }
    %barrier3A_64 = arith.constant 0 : index
    tpu.barrier barrier_id(%barrier3A_64)
    %scan3A_65 = arith.constant 0 : i32
    %scan3A_66 = arith.constant 0 : i32
    %scan3A_67 = arith.constant 79 : i32
    %scan3A_68 = arith.addi %scan3A_66, %scan3A_67 : i32
    %scan3A_69 = arith.constant 1 : i32
    scf.for %scan3A_73 = %scan3A_66 to %scan3A_68 step %scan3A_69  : i32 {
      "tpu.region"() ({
        %run_scoped3A = tpu.sem_alloc : memref<!tpu.dma_semaphore, #tpu.memory_space<semaphore_mem>>
        %dma_start3A = arith.constant 0 : i32
        %dma_start3A_74 = tpu.memref_slice %arg14[%scan3A_73, %dma_start3A] : memref<79x128xi32, #tpu.memory_space<vmem>> -> memref<1x128xi32, #tpu.memory_space<vmem>>
        %dma_start3A_75 = tpu.memref_squeeze %dma_start3A_74 : memref<1x128xi32, #tpu.memory_space<vmem>> -> memref<128xi32, #tpu.memory_space<vmem>>
        %dma_start3A_76 = arith.constant 0 : i32
        %dma_start3A_77 = arith.constant 0 : i32
        %dma_start3A_78 = tpu.memref_slice %arg5[%dma_start3A_76, %dma_start3A_77] : memref<10240x128xf32, #tpu.memory_space<hbm>> -> memref<10240x128xf32, #tpu.memory_space<hbm>>
        tpu.enqueue_indirect_dma source(%dma_start3A_78 : memref<10240x128xf32, #tpu.memory_space<hbm>>) target(%arg16 : memref<128x128xf32, #tpu.memory_space<vmem>>) offsets(%dma_start3A_75 : memref<128xi32, #tpu.memory_space<vmem>>) semaphore(%run_scoped3A : memref<!tpu.dma_semaphore, #tpu.memory_space<semaphore_mem>>)
        %dma_wait3A = arith.constant 0 : i32
        %dma_wait3A_79 = tpu.memref_slice %arg14[%scan3A_73, %dma_wait3A] : memref<79x128xi32, #tpu.memory_space<vmem>> -> memref<1x128xi32, #tpu.memory_space<vmem>>
        %dma_wait3A_80 = tpu.memref_squeeze %dma_wait3A_79 : memref<1x128xi32, #tpu.memory_space<vmem>> -> memref<128xi32, #tpu.memory_space<vmem>>
        %dma_wait3A_81 = arith.constant 0 : i32
        %dma_wait3A_82 = arith.constant 0 : i32
        %dma_wait3A_83 = tpu.memref_slice %arg5[%dma_wait3A_81, %dma_wait3A_82] : memref<10240x128xf32, #tpu.memory_space<hbm>> -> memref<10240x128xf32, #tpu.memory_space<hbm>>
        tpu.wait_indirect_dma semaphore(%run_scoped3A : memref<!tpu.dma_semaphore, #tpu.memory_space<semaphore_mem>>) src(%dma_wait3A_83 : memref<10240x128xf32, #tpu.memory_space<hbm>>) dst(%arg16 : memref<128x128xf32, #tpu.memory_space<vmem>>)
        tpu.yield
      }) : () -> ()
      "tpu.region"() ({
        %run_scoped3A = tpu.sem_alloc : memref<!tpu.dma_semaphore, #tpu.memory_space<semaphore_mem>>
        %dma_start3A = arith.constant 0 : i32
        %dma_start3A_74 = tpu.memref_slice %arg15[%scan3A_73, %dma_start3A] : memref<79x128xi32, #tpu.memory_space<vmem>> -> memref<1x128xi32, #tpu.memory_space<vmem>>
        %dma_start3A_75 = tpu.memref_squeeze %dma_start3A_74 : memref<1x128xi32, #tpu.memory_space<vmem>> -> memref<128xi32, #tpu.memory_space<vmem>>
        %dma_start3A_76 = arith.constant 0 : i32
        %dma_start3A_77 = arith.constant 0 : i32
        %dma_start3A_78 = tpu.memref_slice %arg13[%dma_start3A_76, %dma_start3A_77] : memref<10240x128xf32, #tpu.memory_space<vmem_shared>> -> memref<10240x128xf32, #tpu.memory_space<vmem_shared>>
        tpu.enqueue_indirect_dma source(%arg16 : memref<128x128xf32, #tpu.memory_space<vmem>>) target(%dma_start3A_78 : memref<10240x128xf32, #tpu.memory_space<vmem_shared>>) offsets(%dma_start3A_75 : memref<128xi32, #tpu.memory_space<vmem>>) semaphore(%run_scoped3A : memref<!tpu.dma_semaphore, #tpu.memory_space<semaphore_mem>>) {add = true}
        %dma_wait3A = arith.constant 0 : i32
        %dma_wait3A_79 = tpu.memref_slice %arg15[%scan3A_73, %dma_wait3A] : memref<79x128xi32, #tpu.memory_space<vmem>> -> memref<1x128xi32, #tpu.memory_space<vmem>>
        %dma_wait3A_80 = tpu.memref_squeeze %dma_wait3A_79 : memref<1x128xi32, #tpu.memory_space<vmem>> -> memref<128xi32, #tpu.memory_space<vmem>>
        %dma_wait3A_81 = arith.constant 0 : i32
        %dma_wait3A_82 = arith.constant 0 : i32
        %dma_wait3A_83 = tpu.memref_slice %arg13[%dma_wait3A_81, %dma_wait3A_82] : memref<10240x128xf32, #tpu.memory_space<vmem_shared>> -> memref<10240x128xf32, #tpu.memory_space<vmem_shared>>
        tpu.wait_indirect_dma semaphore(%run_scoped3A : memref<!tpu.dma_semaphore, #tpu.memory_space<semaphore_mem>>) src(%arg16 : memref<128x128xf32, #tpu.memory_space<vmem>>) dst(%dma_wait3A_83 : memref<10240x128xf32, #tpu.memory_space<vmem_shared>>)
        tpu.yield
      }) : () -> ()
    }
    %scan3A_70 = arith.constant 79 : i32
    %barrier3A_71 = arith.constant 0 : index
    tpu.barrier barrier_id(%barrier3A_71)
    "tpu.region"() ({
      %run_scoped3A = tpu.sem_alloc : memref<!tpu.dma_semaphore, #tpu.memory_space<semaphore_mem>>
      %dma_start3A = arith.constant 0 : i32
      %dma_start3A_73 = tpu.memref_slice %arg12[%arg0, %mul3A_2, %dma_start3A] : memref<2x10240x128xf32, #tpu.memory_space<hbm>> -> memref<1x640x128xf32, #tpu.memory_space<hbm>>
      %dma_start3A_74 = tpu.memref_squeeze %dma_start3A_73 : memref<1x640x128xf32, #tpu.memory_space<hbm>> -> memref<640x128xf32, #tpu.memory_space<hbm>>
      %dma_start3A_75 = arith.constant 0 : i32
      %dma_start3A_76 = tpu.memref_slice %arg13[%mul3A_2, %dma_start3A_75] : memref<10240x128xf32, #tpu.memory_space<vmem_shared>> -> memref<640x128xf32, #tpu.memory_space<vmem_shared>>
      tpu.enqueue_dma source(%dma_start3A_76 : memref<640x128xf32, #tpu.memory_space<vmem_shared>>) target(%dma_start3A_74 : memref<640x128xf32, #tpu.memory_space<hbm>>) target_semaphore(%run_scoped3A : memref<!tpu.dma_semaphore, #tpu.memory_space<semaphore_mem>>)
      %dma_wait3A = arith.constant 0 : i32
      %dma_wait3A_77 = tpu.memref_slice %arg12[%arg0, %mul3A_2, %dma_wait3A] : memref<2x10240x128xf32, #tpu.memory_space<hbm>> -> memref<1x640x128xf32, #tpu.memory_space<hbm>>
      %dma_wait3A_78 = tpu.memref_squeeze %dma_wait3A_77 : memref<1x640x128xf32, #tpu.memory_space<hbm>> -> memref<640x128xf32, #tpu.memory_space<hbm>>
      %dma_wait3A_79 = arith.constant 0 : i32
      %dma_wait3A_80 = tpu.memref_slice %arg13[%mul3A_2, %dma_wait3A_79] : memref<10240x128xf32, #tpu.memory_space<vmem_shared>> -> memref<640x128xf32, #tpu.memory_space<vmem_shared>>
      tpu.wait_dma2 semaphore(%run_scoped3A : memref<!tpu.dma_semaphore, #tpu.memory_space<semaphore_mem>>) src(%dma_wait3A_80 : memref<640x128xf32, #tpu.memory_space<vmem_shared>>) dst(%dma_wait3A_78 : memref<640x128xf32, #tpu.memory_space<hbm>>)
      tpu.yield
    }) : () -> ()
    %barrier3A_72 = arith.constant 0 : index
    tpu.barrier barrier_id(%barrier3A_72)
    return
  }
}

#map = affine_map<(d0, d1) -> (0, 0)>
#map1 = affine_map<(d0, d1) -> (0, 0, 0)>
module attributes {stable_mosaic.version = 14 : i64} {
  func.func @agg_kernel(%arg0: i32, %arg1: i32, %arg2: memref<10240x128xf32, #tpu.memory_space<hbm>>, %arg3: memref<10240x128xf32, #tpu.memory_space<hbm>>, %arg4: memref<32x79x128xi32, #tpu.memory_space<hbm>>, %arg5: memref<32x79x128xi32, #tpu.memory_space<hbm>>, %arg6: memref<640x128xf32, #tpu.memory_space<hbm>>, %arg7: memref<2x10240x128xf32, #tpu.memory_space<hbm>>, %arg8: memref<2x10240x128xf32, #tpu.memory_space<hbm>>, %arg9: memref<10240x128xf32, #tpu.memory_space<vmem_shared>>, %arg10: memref<79x128xi32, #tpu.memory_space<vmem>>, %arg11: memref<79x128xi32, #tpu.memory_space<vmem>>, %arg12: memref<128x128xf32, #tpu.memory_space<vmem>>) attributes {dimension_semantics = [#tpu.dimension_semantics<core_parallel>, #tpu.dimension_semantics<subcore_parallel>], iteration_bounds = array<i64: 2, 16>, scalar_prefetch = 0 : i64, scratch_operands = 4 : i64, tpu.core_type = #tpu.core_type<sc_vector_subcore>, window_params = [{transform_indices = #map}, {transform_indices = #map}, {transform_indices = #map1}, {transform_indices = #map1}, {transform_indices = #map}, {transform_indices = #map1}, {transform_indices = #map1}]} {
    %mul3A = arith.constant 16 : i32
    %mul3A_0 = arith.muli %arg0, %mul3A : i32
    %add3A = arith.addi %mul3A_0, %arg1 : i32
    %mul3A_1 = arith.constant 640 : i32
    %mul3A_2 = arith.muli %arg1, %mul3A_1 : i32
    "tpu.region"() ({
      %run_scoped3A = tpu.sem_alloc : memref<!tpu.dma_semaphore, #tpu.memory_space<semaphore_mem>>
      %dma_start3A = arith.constant 0 : i32
      %dma_start3A_35 = arith.constant 0 : i32
      %dma_start3A_36 = tpu.memref_slice %arg4[%add3A, %dma_start3A, %dma_start3A_35] : memref<32x79x128xi32, #tpu.memory_space<hbm>> -> memref<1x79x128xi32, #tpu.memory_space<hbm>>
      %dma_start3A_37 = tpu.memref_squeeze %dma_start3A_36 : memref<1x79x128xi32, #tpu.memory_space<hbm>> -> memref<79x128xi32, #tpu.memory_space<hbm>>
      %dma_start3A_38 = arith.constant 0 : i32
      %dma_start3A_39 = arith.constant 0 : i32
      %dma_start3A_40 = tpu.memref_slice %arg4[%add3A, %dma_start3A_38, %dma_start3A_39] : memref<32x79x128xi32, #tpu.memory_space<hbm>> -> memref<1x79x128xi32, #tpu.memory_space<hbm>>
      %dma_start3A_41 = tpu.memref_squeeze %dma_start3A_40 : memref<1x79x128xi32, #tpu.memory_space<hbm>> -> memref<79x128xi32, #tpu.memory_space<hbm>>
      tpu.enqueue_dma source(%dma_start3A_41 : memref<79x128xi32, #tpu.memory_space<hbm>>) target(%arg10 : memref<79x128xi32, #tpu.memory_space<vmem>>) target_semaphore(%run_scoped3A : memref<!tpu.dma_semaphore, #tpu.memory_space<semaphore_mem>>)
      %dma_wait3A = arith.constant 0 : i32
      %dma_wait3A_42 = arith.constant 0 : i32
      %dma_wait3A_43 = tpu.memref_slice %arg4[%add3A, %dma_wait3A, %dma_wait3A_42] : memref<32x79x128xi32, #tpu.memory_space<hbm>> -> memref<1x79x128xi32, #tpu.memory_space<hbm>>
      %dma_wait3A_44 = tpu.memref_squeeze %dma_wait3A_43 : memref<1x79x128xi32, #tpu.memory_space<hbm>> -> memref<79x128xi32, #tpu.memory_space<hbm>>
      %dma_wait3A_45 = arith.constant 0 : i32
      %dma_wait3A_46 = arith.constant 0 : i32
      %dma_wait3A_47 = tpu.memref_slice %arg4[%add3A, %dma_wait3A_45, %dma_wait3A_46] : memref<32x79x128xi32, #tpu.memory_space<hbm>> -> memref<1x79x128xi32, #tpu.memory_space<hbm>>
      %dma_wait3A_48 = tpu.memref_squeeze %dma_wait3A_47 : memref<1x79x128xi32, #tpu.memory_space<hbm>> -> memref<79x128xi32, #tpu.memory_space<hbm>>
      tpu.wait_dma2 semaphore(%run_scoped3A : memref<!tpu.dma_semaphore, #tpu.memory_space<semaphore_mem>>) src(%dma_wait3A_48 : memref<79x128xi32, #tpu.memory_space<hbm>>) dst(%arg10 : memref<79x128xi32, #tpu.memory_space<vmem>>)
      tpu.yield
    }) : () -> ()
    "tpu.region"() ({
      %run_scoped3A = tpu.sem_alloc : memref<!tpu.dma_semaphore, #tpu.memory_space<semaphore_mem>>
      %dma_start3A = arith.constant 0 : i32
      %dma_start3A_35 = arith.constant 0 : i32
      %dma_start3A_36 = tpu.memref_slice %arg5[%add3A, %dma_start3A, %dma_start3A_35] : memref<32x79x128xi32, #tpu.memory_space<hbm>> -> memref<1x79x128xi32, #tpu.memory_space<hbm>>
      %dma_start3A_37 = tpu.memref_squeeze %dma_start3A_36 : memref<1x79x128xi32, #tpu.memory_space<hbm>> -> memref<79x128xi32, #tpu.memory_space<hbm>>
      %dma_start3A_38 = arith.constant 0 : i32
      %dma_start3A_39 = arith.constant 0 : i32
      %dma_start3A_40 = tpu.memref_slice %arg5[%add3A, %dma_start3A_38, %dma_start3A_39] : memref<32x79x128xi32, #tpu.memory_space<hbm>> -> memref<1x79x128xi32, #tpu.memory_space<hbm>>
      %dma_start3A_41 = tpu.memref_squeeze %dma_start3A_40 : memref<1x79x128xi32, #tpu.memory_space<hbm>> -> memref<79x128xi32, #tpu.memory_space<hbm>>
      tpu.enqueue_dma source(%dma_start3A_41 : memref<79x128xi32, #tpu.memory_space<hbm>>) target(%arg11 : memref<79x128xi32, #tpu.memory_space<vmem>>) target_semaphore(%run_scoped3A : memref<!tpu.dma_semaphore, #tpu.memory_space<semaphore_mem>>)
      %dma_wait3A = arith.constant 0 : i32
      %dma_wait3A_42 = arith.constant 0 : i32
      %dma_wait3A_43 = tpu.memref_slice %arg5[%add3A, %dma_wait3A, %dma_wait3A_42] : memref<32x79x128xi32, #tpu.memory_space<hbm>> -> memref<1x79x128xi32, #tpu.memory_space<hbm>>
      %dma_wait3A_44 = tpu.memref_squeeze %dma_wait3A_43 : memref<1x79x128xi32, #tpu.memory_space<hbm>> -> memref<79x128xi32, #tpu.memory_space<hbm>>
      %dma_wait3A_45 = arith.constant 0 : i32
      %dma_wait3A_46 = arith.constant 0 : i32
      %dma_wait3A_47 = tpu.memref_slice %arg5[%add3A, %dma_wait3A_45, %dma_wait3A_46] : memref<32x79x128xi32, #tpu.memory_space<hbm>> -> memref<1x79x128xi32, #tpu.memory_space<hbm>>
      %dma_wait3A_48 = tpu.memref_squeeze %dma_wait3A_47 : memref<1x79x128xi32, #tpu.memory_space<hbm>> -> memref<79x128xi32, #tpu.memory_space<hbm>>
      tpu.wait_dma2 semaphore(%run_scoped3A : memref<!tpu.dma_semaphore, #tpu.memory_space<semaphore_mem>>) src(%dma_wait3A_48 : memref<79x128xi32, #tpu.memory_space<hbm>>) dst(%arg11 : memref<79x128xi32, #tpu.memory_space<vmem>>)
      tpu.yield
    }) : () -> ()
    %eq3A = arith.constant 0 : i32
    %eq3A_3 = arith.cmpi eq, %arg0, %eq3A : i32
    %convert_element_type3A = arith.extui %eq3A_3 : i1 to i32
    %cond3A = arith.constant 0 : i32
    %cond3A_4 = arith.cmpi ne, %convert_element_type3A, %cond3A : i32
    scf.if %cond3A_4 {
      "tpu.region"() ({
        %run_scoped3A = tpu.sem_alloc : memref<!tpu.dma_semaphore, #tpu.memory_space<semaphore_mem>>
        %dma_start3A = arith.constant 0 : i32
        %dma_start3A_35 = tpu.memref_slice %arg9[%mul3A_2, %dma_start3A] : memref<10240x128xf32, #tpu.memory_space<vmem_shared>> -> memref<640x128xf32, #tpu.memory_space<vmem_shared>>
        %dma_start3A_36 = arith.constant 0 : i32
        %dma_start3A_37 = tpu.memref_slice %arg2[%mul3A_2, %dma_start3A_36] : memref<10240x128xf32, #tpu.memory_space<hbm>> -> memref<640x128xf32, #tpu.memory_space<hbm>>
        tpu.enqueue_dma source(%dma_start3A_37 : memref<640x128xf32, #tpu.memory_space<hbm>>) target(%dma_start3A_35 : memref<640x128xf32, #tpu.memory_space<vmem_shared>>) target_semaphore(%run_scoped3A : memref<!tpu.dma_semaphore, #tpu.memory_space<semaphore_mem>>)
        %dma_wait3A = arith.constant 0 : i32
        %dma_wait3A_38 = tpu.memref_slice %arg9[%mul3A_2, %dma_wait3A] : memref<10240x128xf32, #tpu.memory_space<vmem_shared>> -> memref<640x128xf32, #tpu.memory_space<vmem_shared>>
        %dma_wait3A_39 = arith.constant 0 : i32
        %dma_wait3A_40 = tpu.memref_slice %arg2[%mul3A_2, %dma_wait3A_39] : memref<10240x128xf32, #tpu.memory_space<hbm>> -> memref<640x128xf32, #tpu.memory_space<hbm>>
        tpu.wait_dma2 semaphore(%run_scoped3A : memref<!tpu.dma_semaphore, #tpu.memory_space<semaphore_mem>>) src(%dma_wait3A_40 : memref<640x128xf32, #tpu.memory_space<hbm>>) dst(%dma_wait3A_38 : memref<640x128xf32, #tpu.memory_space<vmem_shared>>)
        tpu.yield
      }) : () -> ()
    } else {
    }
    %ne3A = arith.constant 0 : i32
    %ne3A_5 = arith.cmpi ne, %arg0, %ne3A : i32
    %convert_element_type3A_6 = arith.extui %ne3A_5 : i1 to i32
    %cond3A_7 = arith.constant 0 : i32
    %cond3A_8 = arith.cmpi ne, %convert_element_type3A_6, %cond3A_7 : i32
    scf.if %cond3A_8 {
      "tpu.region"() ({
        %run_scoped3A = tpu.sem_alloc : memref<!tpu.dma_semaphore, #tpu.memory_space<semaphore_mem>>
        %dma_start3A = arith.constant 0 : i32
        %dma_start3A_35 = tpu.memref_slice %arg9[%mul3A_2, %dma_start3A] : memref<10240x128xf32, #tpu.memory_space<vmem_shared>> -> memref<640x128xf32, #tpu.memory_space<vmem_shared>>
        tpu.enqueue_dma source(%arg6 : memref<640x128xf32, #tpu.memory_space<hbm>>) target(%dma_start3A_35 : memref<640x128xf32, #tpu.memory_space<vmem_shared>>) target_semaphore(%run_scoped3A : memref<!tpu.dma_semaphore, #tpu.memory_space<semaphore_mem>>)
        %dma_wait3A = arith.constant 0 : i32
        %dma_wait3A_36 = tpu.memref_slice %arg9[%mul3A_2, %dma_wait3A] : memref<10240x128xf32, #tpu.memory_space<vmem_shared>> -> memref<640x128xf32, #tpu.memory_space<vmem_shared>>
        tpu.wait_dma2 semaphore(%run_scoped3A : memref<!tpu.dma_semaphore, #tpu.memory_space<semaphore_mem>>) src(%arg6 : memref<640x128xf32, #tpu.memory_space<hbm>>) dst(%dma_wait3A_36 : memref<640x128xf32, #tpu.memory_space<vmem_shared>>)
        tpu.yield
      }) : () -> ()
    } else {
    }
    %barrier3A = arith.constant 0 : index
    tpu.barrier barrier_id(%barrier3A)
    %scan3A = arith.constant 0 : i32
    %scan3A_9 = arith.constant 0 : i32
    %scan3A_10 = arith.constant 79 : i32
    %scan3A_11 = arith.addi %scan3A_9, %scan3A_10 : i32
    %scan3A_12 = arith.constant 1 : i32
    scf.for %scan3A_35 = %scan3A_9 to %scan3A_11 step %scan3A_12  : i32 {
      "tpu.region"() ({
        %run_scoped3A = tpu.sem_alloc : memref<!tpu.dma_semaphore, #tpu.memory_space<semaphore_mem>>
        %dma_start3A = arith.constant 0 : i32
        %dma_start3A_36 = tpu.memref_slice %arg10[%scan3A_35, %dma_start3A] : memref<79x128xi32, #tpu.memory_space<vmem>> -> memref<1x128xi32, #tpu.memory_space<vmem>>
        %dma_start3A_37 = tpu.memref_squeeze %dma_start3A_36 : memref<1x128xi32, #tpu.memory_space<vmem>> -> memref<128xi32, #tpu.memory_space<vmem>>
        %dma_start3A_38 = arith.constant 0 : i32
        %dma_start3A_39 = arith.constant 0 : i32
        %dma_start3A_40 = tpu.memref_slice %arg2[%dma_start3A_38, %dma_start3A_39] : memref<10240x128xf32, #tpu.memory_space<hbm>> -> memref<10240x128xf32, #tpu.memory_space<hbm>>
        tpu.enqueue_indirect_dma source(%dma_start3A_40 : memref<10240x128xf32, #tpu.memory_space<hbm>>) target(%arg12 : memref<128x128xf32, #tpu.memory_space<vmem>>) offsets(%dma_start3A_37 : memref<128xi32, #tpu.memory_space<vmem>>) semaphore(%run_scoped3A : memref<!tpu.dma_semaphore, #tpu.memory_space<semaphore_mem>>)
        %dma_wait3A = arith.constant 0 : i32
        %dma_wait3A_41 = tpu.memref_slice %arg10[%scan3A_35, %dma_wait3A] : memref<79x128xi32, #tpu.memory_space<vmem>> -> memref<1x128xi32, #tpu.memory_space<vmem>>
        %dma_wait3A_42 = tpu.memref_squeeze %dma_wait3A_41 : memref<1x128xi32, #tpu.memory_space<vmem>> -> memref<128xi32, #tpu.memory_space<vmem>>
        %dma_wait3A_43 = arith.constant 0 : i32
        %dma_wait3A_44 = arith.constant 0 : i32
        %dma_wait3A_45 = tpu.memref_slice %arg2[%dma_wait3A_43, %dma_wait3A_44] : memref<10240x128xf32, #tpu.memory_space<hbm>> -> memref<10240x128xf32, #tpu.memory_space<hbm>>
        tpu.wait_indirect_dma semaphore(%run_scoped3A : memref<!tpu.dma_semaphore, #tpu.memory_space<semaphore_mem>>) src(%dma_wait3A_45 : memref<10240x128xf32, #tpu.memory_space<hbm>>) dst(%arg12 : memref<128x128xf32, #tpu.memory_space<vmem>>)
        tpu.yield
      }) : () -> ()
      "tpu.region"() ({
        %run_scoped3A = tpu.sem_alloc : memref<!tpu.dma_semaphore, #tpu.memory_space<semaphore_mem>>
        %dma_start3A = arith.constant 0 : i32
        %dma_start3A_36 = tpu.memref_slice %arg11[%scan3A_35, %dma_start3A] : memref<79x128xi32, #tpu.memory_space<vmem>> -> memref<1x128xi32, #tpu.memory_space<vmem>>
        %dma_start3A_37 = tpu.memref_squeeze %dma_start3A_36 : memref<1x128xi32, #tpu.memory_space<vmem>> -> memref<128xi32, #tpu.memory_space<vmem>>
        %dma_start3A_38 = arith.constant 0 : i32
        %dma_start3A_39 = arith.constant 0 : i32
        %dma_start3A_40 = tpu.memref_slice %arg9[%dma_start3A_38, %dma_start3A_39] : memref<10240x128xf32, #tpu.memory_space<vmem_shared>> -> memref<10240x128xf32, #tpu.memory_space<vmem_shared>>
        tpu.enqueue_indirect_dma source(%arg12 : memref<128x128xf32, #tpu.memory_space<vmem>>) target(%dma_start3A_40 : memref<10240x128xf32, #tpu.memory_space<vmem_shared>>) offsets(%dma_start3A_37 : memref<128xi32, #tpu.memory_space<vmem>>) semaphore(%run_scoped3A : memref<!tpu.dma_semaphore, #tpu.memory_space<semaphore_mem>>) {add = true}
        %dma_wait3A = arith.constant 0 : i32
        %dma_wait3A_41 = tpu.memref_slice %arg11[%scan3A_35, %dma_wait3A] : memref<79x128xi32, #tpu.memory_space<vmem>> -> memref<1x128xi32, #tpu.memory_space<vmem>>
        %dma_wait3A_42 = tpu.memref_squeeze %dma_wait3A_41 : memref<1x128xi32, #tpu.memory_space<vmem>> -> memref<128xi32, #tpu.memory_space<vmem>>
        %dma_wait3A_43 = arith.constant 0 : i32
        %dma_wait3A_44 = arith.constant 0 : i32
        %dma_wait3A_45 = tpu.memref_slice %arg9[%dma_wait3A_43, %dma_wait3A_44] : memref<10240x128xf32, #tpu.memory_space<vmem_shared>> -> memref<10240x128xf32, #tpu.memory_space<vmem_shared>>
        tpu.wait_indirect_dma semaphore(%run_scoped3A : memref<!tpu.dma_semaphore, #tpu.memory_space<semaphore_mem>>) src(%arg12 : memref<128x128xf32, #tpu.memory_space<vmem>>) dst(%dma_wait3A_45 : memref<10240x128xf32, #tpu.memory_space<vmem_shared>>)
        tpu.yield
      }) : () -> ()
    }
    %scan3A_13 = arith.constant 79 : i32
    %barrier3A_14 = arith.constant 0 : index
    tpu.barrier barrier_id(%barrier3A_14)
    "tpu.region"() ({
      %run_scoped3A = tpu.sem_alloc : memref<!tpu.dma_semaphore, #tpu.memory_space<semaphore_mem>>
      %dma_start3A = arith.constant 0 : i32
      %dma_start3A_35 = tpu.memref_slice %arg7[%arg0, %mul3A_2, %dma_start3A] : memref<2x10240x128xf32, #tpu.memory_space<hbm>> -> memref<1x640x128xf32, #tpu.memory_space<hbm>>
      %dma_start3A_36 = tpu.memref_squeeze %dma_start3A_35 : memref<1x640x128xf32, #tpu.memory_space<hbm>> -> memref<640x128xf32, #tpu.memory_space<hbm>>
      %dma_start3A_37 = arith.constant 0 : i32
      %dma_start3A_38 = tpu.memref_slice %arg9[%mul3A_2, %dma_start3A_37] : memref<10240x128xf32, #tpu.memory_space<vmem_shared>> -> memref<640x128xf32, #tpu.memory_space<vmem_shared>>
      tpu.enqueue_dma source(%dma_start3A_38 : memref<640x128xf32, #tpu.memory_space<vmem_shared>>) target(%dma_start3A_36 : memref<640x128xf32, #tpu.memory_space<hbm>>) target_semaphore(%run_scoped3A : memref<!tpu.dma_semaphore, #tpu.memory_space<semaphore_mem>>)
      %dma_wait3A = arith.constant 0 : i32
      %dma_wait3A_39 = tpu.memref_slice %arg7[%arg0, %mul3A_2, %dma_wait3A] : memref<2x10240x128xf32, #tpu.memory_space<hbm>> -> memref<1x640x128xf32, #tpu.memory_space<hbm>>
      %dma_wait3A_40 = tpu.memref_squeeze %dma_wait3A_39 : memref<1x640x128xf32, #tpu.memory_space<hbm>> -> memref<640x128xf32, #tpu.memory_space<hbm>>
      %dma_wait3A_41 = arith.constant 0 : i32
      %dma_wait3A_42 = tpu.memref_slice %arg9[%mul3A_2, %dma_wait3A_41] : memref<10240x128xf32, #tpu.memory_space<vmem_shared>> -> memref<640x128xf32, #tpu.memory_space<vmem_shared>>
      tpu.wait_dma2 semaphore(%run_scoped3A : memref<!tpu.dma_semaphore, #tpu.memory_space<semaphore_mem>>) src(%dma_wait3A_42 : memref<640x128xf32, #tpu.memory_space<vmem_shared>>) dst(%dma_wait3A_40 : memref<640x128xf32, #tpu.memory_space<hbm>>)
      tpu.yield
    }) : () -> ()
    %barrier3A_15 = arith.constant 0 : index
    tpu.barrier barrier_id(%barrier3A_15)
    %eq3A_16 = arith.constant 0 : i32
    %eq3A_17 = arith.cmpi eq, %arg0, %eq3A_16 : i32
    %convert_element_type3A_18 = arith.extui %eq3A_17 : i1 to i32
    %cond3A_19 = arith.constant 0 : i32
    %cond3A_20 = arith.cmpi ne, %convert_element_type3A_18, %cond3A_19 : i32
    scf.if %cond3A_20 {
      "tpu.region"() ({
        %run_scoped3A = tpu.sem_alloc : memref<!tpu.dma_semaphore, #tpu.memory_space<semaphore_mem>>
        %dma_start3A = arith.constant 0 : i32
        %dma_start3A_35 = tpu.memref_slice %arg9[%mul3A_2, %dma_start3A] : memref<10240x128xf32, #tpu.memory_space<vmem_shared>> -> memref<640x128xf32, #tpu.memory_space<vmem_shared>>
        %dma_start3A_36 = arith.constant 0 : i32
        %dma_start3A_37 = tpu.memref_slice %arg3[%mul3A_2, %dma_start3A_36] : memref<10240x128xf32, #tpu.memory_space<hbm>> -> memref<640x128xf32, #tpu.memory_space<hbm>>
        tpu.enqueue_dma source(%dma_start3A_37 : memref<640x128xf32, #tpu.memory_space<hbm>>) target(%dma_start3A_35 : memref<640x128xf32, #tpu.memory_space<vmem_shared>>) target_semaphore(%run_scoped3A : memref<!tpu.dma_semaphore, #tpu.memory_space<semaphore_mem>>)
        %dma_wait3A = arith.constant 0 : i32
        %dma_wait3A_38 = tpu.memref_slice %arg9[%mul3A_2, %dma_wait3A] : memref<10240x128xf32, #tpu.memory_space<vmem_shared>> -> memref<640x128xf32, #tpu.memory_space<vmem_shared>>
        %dma_wait3A_39 = arith.constant 0 : i32
        %dma_wait3A_40 = tpu.memref_slice %arg3[%mul3A_2, %dma_wait3A_39] : memref<10240x128xf32, #tpu.memory_space<hbm>> -> memref<640x128xf32, #tpu.memory_space<hbm>>
        tpu.wait_dma2 semaphore(%run_scoped3A : memref<!tpu.dma_semaphore, #tpu.memory_space<semaphore_mem>>) src(%dma_wait3A_40 : memref<640x128xf32, #tpu.memory_space<hbm>>) dst(%dma_wait3A_38 : memref<640x128xf32, #tpu.memory_space<vmem_shared>>)
        tpu.yield
      }) : () -> ()
    } else {
    }
    %ne3A_21 = arith.constant 0 : i32
    %ne3A_22 = arith.cmpi ne, %arg0, %ne3A_21 : i32
    %convert_element_type3A_23 = arith.extui %ne3A_22 : i1 to i32
    %cond3A_24 = arith.constant 0 : i32
    %cond3A_25 = arith.cmpi ne, %convert_element_type3A_23, %cond3A_24 : i32
    scf.if %cond3A_25 {
      "tpu.region"() ({
        %run_scoped3A = tpu.sem_alloc : memref<!tpu.dma_semaphore, #tpu.memory_space<semaphore_mem>>
        %dma_start3A = arith.constant 0 : i32
        %dma_start3A_35 = tpu.memref_slice %arg9[%mul3A_2, %dma_start3A] : memref<10240x128xf32, #tpu.memory_space<vmem_shared>> -> memref<640x128xf32, #tpu.memory_space<vmem_shared>>
        tpu.enqueue_dma source(%arg6 : memref<640x128xf32, #tpu.memory_space<hbm>>) target(%dma_start3A_35 : memref<640x128xf32, #tpu.memory_space<vmem_shared>>) target_semaphore(%run_scoped3A : memref<!tpu.dma_semaphore, #tpu.memory_space<semaphore_mem>>)
        %dma_wait3A = arith.constant 0 : i32
        %dma_wait3A_36 = tpu.memref_slice %arg9[%mul3A_2, %dma_wait3A] : memref<10240x128xf32, #tpu.memory_space<vmem_shared>> -> memref<640x128xf32, #tpu.memory_space<vmem_shared>>
        tpu.wait_dma2 semaphore(%run_scoped3A : memref<!tpu.dma_semaphore, #tpu.memory_space<semaphore_mem>>) src(%arg6 : memref<640x128xf32, #tpu.memory_space<hbm>>) dst(%dma_wait3A_36 : memref<640x128xf32, #tpu.memory_space<vmem_shared>>)
        tpu.yield
      }) : () -> ()
    } else {
    }
    %barrier3A_26 = arith.constant 0 : index
    tpu.barrier barrier_id(%barrier3A_26)
    %scan3A_27 = arith.constant 0 : i32
    %scan3A_28 = arith.constant 0 : i32
    %scan3A_29 = arith.constant 79 : i32
    %scan3A_30 = arith.addi %scan3A_28, %scan3A_29 : i32
    %scan3A_31 = arith.constant 1 : i32
    scf.for %scan3A_35 = %scan3A_28 to %scan3A_30 step %scan3A_31  : i32 {
      "tpu.region"() ({
        %run_scoped3A = tpu.sem_alloc : memref<!tpu.dma_semaphore, #tpu.memory_space<semaphore_mem>>
        %dma_start3A = arith.constant 0 : i32
        %dma_start3A_36 = tpu.memref_slice %arg10[%scan3A_35, %dma_start3A] : memref<79x128xi32, #tpu.memory_space<vmem>> -> memref<1x128xi32, #tpu.memory_space<vmem>>
        %dma_start3A_37 = tpu.memref_squeeze %dma_start3A_36 : memref<1x128xi32, #tpu.memory_space<vmem>> -> memref<128xi32, #tpu.memory_space<vmem>>
        %dma_start3A_38 = arith.constant 0 : i32
        %dma_start3A_39 = arith.constant 0 : i32
        %dma_start3A_40 = tpu.memref_slice %arg3[%dma_start3A_38, %dma_start3A_39] : memref<10240x128xf32, #tpu.memory_space<hbm>> -> memref<10240x128xf32, #tpu.memory_space<hbm>>
        tpu.enqueue_indirect_dma source(%dma_start3A_40 : memref<10240x128xf32, #tpu.memory_space<hbm>>) target(%arg12 : memref<128x128xf32, #tpu.memory_space<vmem>>) offsets(%dma_start3A_37 : memref<128xi32, #tpu.memory_space<vmem>>) semaphore(%run_scoped3A : memref<!tpu.dma_semaphore, #tpu.memory_space<semaphore_mem>>)
        %dma_wait3A = arith.constant 0 : i32
        %dma_wait3A_41 = tpu.memref_slice %arg10[%scan3A_35, %dma_wait3A] : memref<79x128xi32, #tpu.memory_space<vmem>> -> memref<1x128xi32, #tpu.memory_space<vmem>>
        %dma_wait3A_42 = tpu.memref_squeeze %dma_wait3A_41 : memref<1x128xi32, #tpu.memory_space<vmem>> -> memref<128xi32, #tpu.memory_space<vmem>>
        %dma_wait3A_43 = arith.constant 0 : i32
        %dma_wait3A_44 = arith.constant 0 : i32
        %dma_wait3A_45 = tpu.memref_slice %arg3[%dma_wait3A_43, %dma_wait3A_44] : memref<10240x128xf32, #tpu.memory_space<hbm>> -> memref<10240x128xf32, #tpu.memory_space<hbm>>
        tpu.wait_indirect_dma semaphore(%run_scoped3A : memref<!tpu.dma_semaphore, #tpu.memory_space<semaphore_mem>>) src(%dma_wait3A_45 : memref<10240x128xf32, #tpu.memory_space<hbm>>) dst(%arg12 : memref<128x128xf32, #tpu.memory_space<vmem>>)
        tpu.yield
      }) : () -> ()
      "tpu.region"() ({
        %run_scoped3A = tpu.sem_alloc : memref<!tpu.dma_semaphore, #tpu.memory_space<semaphore_mem>>
        %dma_start3A = arith.constant 0 : i32
        %dma_start3A_36 = tpu.memref_slice %arg11[%scan3A_35, %dma_start3A] : memref<79x128xi32, #tpu.memory_space<vmem>> -> memref<1x128xi32, #tpu.memory_space<vmem>>
        %dma_start3A_37 = tpu.memref_squeeze %dma_start3A_36 : memref<1x128xi32, #tpu.memory_space<vmem>> -> memref<128xi32, #tpu.memory_space<vmem>>
        %dma_start3A_38 = arith.constant 0 : i32
        %dma_start3A_39 = arith.constant 0 : i32
        %dma_start3A_40 = tpu.memref_slice %arg9[%dma_start3A_38, %dma_start3A_39] : memref<10240x128xf32, #tpu.memory_space<vmem_shared>> -> memref<10240x128xf32, #tpu.memory_space<vmem_shared>>
        tpu.enqueue_indirect_dma source(%arg12 : memref<128x128xf32, #tpu.memory_space<vmem>>) target(%dma_start3A_40 : memref<10240x128xf32, #tpu.memory_space<vmem_shared>>) offsets(%dma_start3A_37 : memref<128xi32, #tpu.memory_space<vmem>>) semaphore(%run_scoped3A : memref<!tpu.dma_semaphore, #tpu.memory_space<semaphore_mem>>) {add = true}
        %dma_wait3A = arith.constant 0 : i32
        %dma_wait3A_41 = tpu.memref_slice %arg11[%scan3A_35, %dma_wait3A] : memref<79x128xi32, #tpu.memory_space<vmem>> -> memref<1x128xi32, #tpu.memory_space<vmem>>
        %dma_wait3A_42 = tpu.memref_squeeze %dma_wait3A_41 : memref<1x128xi32, #tpu.memory_space<vmem>> -> memref<128xi32, #tpu.memory_space<vmem>>
        %dma_wait3A_43 = arith.constant 0 : i32
        %dma_wait3A_44 = arith.constant 0 : i32
        %dma_wait3A_45 = tpu.memref_slice %arg9[%dma_wait3A_43, %dma_wait3A_44] : memref<10240x128xf32, #tpu.memory_space<vmem_shared>> -> memref<10240x128xf32, #tpu.memory_space<vmem_shared>>
        tpu.wait_indirect_dma semaphore(%run_scoped3A : memref<!tpu.dma_semaphore, #tpu.memory_space<semaphore_mem>>) src(%arg12 : memref<128x128xf32, #tpu.memory_space<vmem>>) dst(%dma_wait3A_45 : memref<10240x128xf32, #tpu.memory_space<vmem_shared>>)
        tpu.yield
      }) : () -> ()
    }
    %scan3A_32 = arith.constant 79 : i32
    %barrier3A_33 = arith.constant 0 : index
    tpu.barrier barrier_id(%barrier3A_33)
    "tpu.region"() ({
      %run_scoped3A = tpu.sem_alloc : memref<!tpu.dma_semaphore, #tpu.memory_space<semaphore_mem>>
      %dma_start3A = arith.constant 0 : i32
      %dma_start3A_35 = tpu.memref_slice %arg8[%arg0, %mul3A_2, %dma_start3A] : memref<2x10240x128xf32, #tpu.memory_space<hbm>> -> memref<1x640x128xf32, #tpu.memory_space<hbm>>
      %dma_start3A_36 = tpu.memref_squeeze %dma_start3A_35 : memref<1x640x128xf32, #tpu.memory_space<hbm>> -> memref<640x128xf32, #tpu.memory_space<hbm>>
      %dma_start3A_37 = arith.constant 0 : i32
      %dma_start3A_38 = tpu.memref_slice %arg9[%mul3A_2, %dma_start3A_37] : memref<10240x128xf32, #tpu.memory_space<vmem_shared>> -> memref<640x128xf32, #tpu.memory_space<vmem_shared>>
      tpu.enqueue_dma source(%dma_start3A_38 : memref<640x128xf32, #tpu.memory_space<vmem_shared>>) target(%dma_start3A_36 : memref<640x128xf32, #tpu.memory_space<hbm>>) target_semaphore(%run_scoped3A : memref<!tpu.dma_semaphore, #tpu.memory_space<semaphore_mem>>)
      %dma_wait3A = arith.constant 0 : i32
      %dma_wait3A_39 = tpu.memref_slice %arg8[%arg0, %mul3A_2, %dma_wait3A] : memref<2x10240x128xf32, #tpu.memory_space<hbm>> -> memref<1x640x128xf32, #tpu.memory_space<hbm>>
      %dma_wait3A_40 = tpu.memref_squeeze %dma_wait3A_39 : memref<1x640x128xf32, #tpu.memory_space<hbm>> -> memref<640x128xf32, #tpu.memory_space<hbm>>
      %dma_wait3A_41 = arith.constant 0 : i32
      %dma_wait3A_42 = tpu.memref_slice %arg9[%mul3A_2, %dma_wait3A_41] : memref<10240x128xf32, #tpu.memory_space<vmem_shared>> -> memref<640x128xf32, #tpu.memory_space<vmem_shared>>
      tpu.wait_dma2 semaphore(%run_scoped3A : memref<!tpu.dma_semaphore, #tpu.memory_space<semaphore_mem>>) src(%dma_wait3A_42 : memref<640x128xf32, #tpu.memory_space<vmem_shared>>) dst(%dma_wait3A_40 : memref<640x128xf32, #tpu.memory_space<hbm>>)
      tpu.yield
    }) : () -> ()
    %barrier3A_34 = arith.constant 0 : index
    tpu.barrier barrier_id(%barrier3A_34)
    return
  }
}

#map = affine_map<(d0, d1) -> (0, 0)>
#map1 = affine_map<(d0, d1) -> (0, 0, 0)>
module attributes {stable_mosaic.version = 14 : i64} {
  func.func @agg_kernel(%arg0: i32, %arg1: i32, %arg2: memref<10240x128xf32, #tpu.memory_space<hbm>>, %arg3: memref<32x79x128xi32, #tpu.memory_space<hbm>>, %arg4: memref<32x79x128xi32, #tpu.memory_space<hbm>>, %arg5: memref<640x128xf32, #tpu.memory_space<hbm>>, %arg6: memref<2x10240x128xf32, #tpu.memory_space<hbm>>, %arg7: memref<10240x128xf32, #tpu.memory_space<vmem_shared>>, %arg8: memref<79x128xi32, #tpu.memory_space<vmem>>, %arg9: memref<79x128xi32, #tpu.memory_space<vmem>>, %arg10: memref<128x128xf32, #tpu.memory_space<vmem>>) attributes {dimension_semantics = [#tpu.dimension_semantics<core_parallel>, #tpu.dimension_semantics<subcore_parallel>], iteration_bounds = array<i64: 2, 16>, scalar_prefetch = 0 : i64, scratch_operands = 4 : i64, tpu.core_type = #tpu.core_type<sc_vector_subcore>, window_params = [{transform_indices = #map}, {transform_indices = #map1}, {transform_indices = #map1}, {transform_indices = #map}, {transform_indices = #map1}]} {
    %mul3A = arith.constant 16 : i32
    %mul3A_0 = arith.muli %arg0, %mul3A : i32
    %add3A = arith.addi %mul3A_0, %arg1 : i32
    %mul3A_1 = arith.constant 640 : i32
    %mul3A_2 = arith.muli %arg1, %mul3A_1 : i32
    "tpu.region"() ({
      %run_scoped3A = tpu.sem_alloc : memref<!tpu.dma_semaphore, #tpu.memory_space<semaphore_mem>>
      %dma_start3A = arith.constant 0 : i32
      %dma_start3A_16 = arith.constant 0 : i32
      %dma_start3A_17 = tpu.memref_slice %arg3[%add3A, %dma_start3A, %dma_start3A_16] : memref<32x79x128xi32, #tpu.memory_space<hbm>> -> memref<1x79x128xi32, #tpu.memory_space<hbm>>
      %dma_start3A_18 = tpu.memref_squeeze %dma_start3A_17 : memref<1x79x128xi32, #tpu.memory_space<hbm>> -> memref<79x128xi32, #tpu.memory_space<hbm>>
      %dma_start3A_19 = arith.constant 0 : i32
      %dma_start3A_20 = arith.constant 0 : i32
      %dma_start3A_21 = tpu.memref_slice %arg3[%add3A, %dma_start3A_19, %dma_start3A_20] : memref<32x79x128xi32, #tpu.memory_space<hbm>> -> memref<1x79x128xi32, #tpu.memory_space<hbm>>
      %dma_start3A_22 = tpu.memref_squeeze %dma_start3A_21 : memref<1x79x128xi32, #tpu.memory_space<hbm>> -> memref<79x128xi32, #tpu.memory_space<hbm>>
      tpu.enqueue_dma source(%dma_start3A_22 : memref<79x128xi32, #tpu.memory_space<hbm>>) target(%arg8 : memref<79x128xi32, #tpu.memory_space<vmem>>) target_semaphore(%run_scoped3A : memref<!tpu.dma_semaphore, #tpu.memory_space<semaphore_mem>>)
      %dma_wait3A = arith.constant 0 : i32
      %dma_wait3A_23 = arith.constant 0 : i32
      %dma_wait3A_24 = tpu.memref_slice %arg3[%add3A, %dma_wait3A, %dma_wait3A_23] : memref<32x79x128xi32, #tpu.memory_space<hbm>> -> memref<1x79x128xi32, #tpu.memory_space<hbm>>
      %dma_wait3A_25 = tpu.memref_squeeze %dma_wait3A_24 : memref<1x79x128xi32, #tpu.memory_space<hbm>> -> memref<79x128xi32, #tpu.memory_space<hbm>>
      %dma_wait3A_26 = arith.constant 0 : i32
      %dma_wait3A_27 = arith.constant 0 : i32
      %dma_wait3A_28 = tpu.memref_slice %arg3[%add3A, %dma_wait3A_26, %dma_wait3A_27] : memref<32x79x128xi32, #tpu.memory_space<hbm>> -> memref<1x79x128xi32, #tpu.memory_space<hbm>>
      %dma_wait3A_29 = tpu.memref_squeeze %dma_wait3A_28 : memref<1x79x128xi32, #tpu.memory_space<hbm>> -> memref<79x128xi32, #tpu.memory_space<hbm>>
      tpu.wait_dma2 semaphore(%run_scoped3A : memref<!tpu.dma_semaphore, #tpu.memory_space<semaphore_mem>>) src(%dma_wait3A_29 : memref<79x128xi32, #tpu.memory_space<hbm>>) dst(%arg8 : memref<79x128xi32, #tpu.memory_space<vmem>>)
      tpu.yield
    }) : () -> ()
    "tpu.region"() ({
      %run_scoped3A = tpu.sem_alloc : memref<!tpu.dma_semaphore, #tpu.memory_space<semaphore_mem>>
      %dma_start3A = arith.constant 0 : i32
      %dma_start3A_16 = arith.constant 0 : i32
      %dma_start3A_17 = tpu.memref_slice %arg4[%add3A, %dma_start3A, %dma_start3A_16] : memref<32x79x128xi32, #tpu.memory_space<hbm>> -> memref<1x79x128xi32, #tpu.memory_space<hbm>>
      %dma_start3A_18 = tpu.memref_squeeze %dma_start3A_17 : memref<1x79x128xi32, #tpu.memory_space<hbm>> -> memref<79x128xi32, #tpu.memory_space<hbm>>
      %dma_start3A_19 = arith.constant 0 : i32
      %dma_start3A_20 = arith.constant 0 : i32
      %dma_start3A_21 = tpu.memref_slice %arg4[%add3A, %dma_start3A_19, %dma_start3A_20] : memref<32x79x128xi32, #tpu.memory_space<hbm>> -> memref<1x79x128xi32, #tpu.memory_space<hbm>>
      %dma_start3A_22 = tpu.memref_squeeze %dma_start3A_21 : memref<1x79x128xi32, #tpu.memory_space<hbm>> -> memref<79x128xi32, #tpu.memory_space<hbm>>
      tpu.enqueue_dma source(%dma_start3A_22 : memref<79x128xi32, #tpu.memory_space<hbm>>) target(%arg9 : memref<79x128xi32, #tpu.memory_space<vmem>>) target_semaphore(%run_scoped3A : memref<!tpu.dma_semaphore, #tpu.memory_space<semaphore_mem>>)
      %dma_wait3A = arith.constant 0 : i32
      %dma_wait3A_23 = arith.constant 0 : i32
      %dma_wait3A_24 = tpu.memref_slice %arg4[%add3A, %dma_wait3A, %dma_wait3A_23] : memref<32x79x128xi32, #tpu.memory_space<hbm>> -> memref<1x79x128xi32, #tpu.memory_space<hbm>>
      %dma_wait3A_25 = tpu.memref_squeeze %dma_wait3A_24 : memref<1x79x128xi32, #tpu.memory_space<hbm>> -> memref<79x128xi32, #tpu.memory_space<hbm>>
      %dma_wait3A_26 = arith.constant 0 : i32
      %dma_wait3A_27 = arith.constant 0 : i32
      %dma_wait3A_28 = tpu.memref_slice %arg4[%add3A, %dma_wait3A_26, %dma_wait3A_27] : memref<32x79x128xi32, #tpu.memory_space<hbm>> -> memref<1x79x128xi32, #tpu.memory_space<hbm>>
      %dma_wait3A_29 = tpu.memref_squeeze %dma_wait3A_28 : memref<1x79x128xi32, #tpu.memory_space<hbm>> -> memref<79x128xi32, #tpu.memory_space<hbm>>
      tpu.wait_dma2 semaphore(%run_scoped3A : memref<!tpu.dma_semaphore, #tpu.memory_space<semaphore_mem>>) src(%dma_wait3A_29 : memref<79x128xi32, #tpu.memory_space<hbm>>) dst(%arg9 : memref<79x128xi32, #tpu.memory_space<vmem>>)
      tpu.yield
    }) : () -> ()
    %eq3A = arith.constant 0 : i32
    %eq3A_3 = arith.cmpi eq, %arg0, %eq3A : i32
    %convert_element_type3A = arith.extui %eq3A_3 : i1 to i32
    %cond3A = arith.constant 0 : i32
    %cond3A_4 = arith.cmpi ne, %convert_element_type3A, %cond3A : i32
    scf.if %cond3A_4 {
      "tpu.region"() ({
        %run_scoped3A = tpu.sem_alloc : memref<!tpu.dma_semaphore, #tpu.memory_space<semaphore_mem>>
        %dma_start3A = arith.constant 0 : i32
        %dma_start3A_16 = tpu.memref_slice %arg7[%mul3A_2, %dma_start3A] : memref<10240x128xf32, #tpu.memory_space<vmem_shared>> -> memref<640x128xf32, #tpu.memory_space<vmem_shared>>
        %dma_start3A_17 = arith.constant 0 : i32
        %dma_start3A_18 = tpu.memref_slice %arg2[%mul3A_2, %dma_start3A_17] : memref<10240x128xf32, #tpu.memory_space<hbm>> -> memref<640x128xf32, #tpu.memory_space<hbm>>
        tpu.enqueue_dma source(%dma_start3A_18 : memref<640x128xf32, #tpu.memory_space<hbm>>) target(%dma_start3A_16 : memref<640x128xf32, #tpu.memory_space<vmem_shared>>) target_semaphore(%run_scoped3A : memref<!tpu.dma_semaphore, #tpu.memory_space<semaphore_mem>>)
        %dma_wait3A = arith.constant 0 : i32
        %dma_wait3A_19 = tpu.memref_slice %arg7[%mul3A_2, %dma_wait3A] : memref<10240x128xf32, #tpu.memory_space<vmem_shared>> -> memref<640x128xf32, #tpu.memory_space<vmem_shared>>
        %dma_wait3A_20 = arith.constant 0 : i32
        %dma_wait3A_21 = tpu.memref_slice %arg2[%mul3A_2, %dma_wait3A_20] : memref<10240x128xf32, #tpu.memory_space<hbm>> -> memref<640x128xf32, #tpu.memory_space<hbm>>
        tpu.wait_dma2 semaphore(%run_scoped3A : memref<!tpu.dma_semaphore, #tpu.memory_space<semaphore_mem>>) src(%dma_wait3A_21 : memref<640x128xf32, #tpu.memory_space<hbm>>) dst(%dma_wait3A_19 : memref<640x128xf32, #tpu.memory_space<vmem_shared>>)
        tpu.yield
      }) : () -> ()
    } else {
    }
    %ne3A = arith.constant 0 : i32
    %ne3A_5 = arith.cmpi ne, %arg0, %ne3A : i32
    %convert_element_type3A_6 = arith.extui %ne3A_5 : i1 to i32
    %cond3A_7 = arith.constant 0 : i32
    %cond3A_8 = arith.cmpi ne, %convert_element_type3A_6, %cond3A_7 : i32
    scf.if %cond3A_8 {
      "tpu.region"() ({
        %run_scoped3A = tpu.sem_alloc : memref<!tpu.dma_semaphore, #tpu.memory_space<semaphore_mem>>
        %dma_start3A = arith.constant 0 : i32
        %dma_start3A_16 = tpu.memref_slice %arg7[%mul3A_2, %dma_start3A] : memref<10240x128xf32, #tpu.memory_space<vmem_shared>> -> memref<640x128xf32, #tpu.memory_space<vmem_shared>>
        tpu.enqueue_dma source(%arg5 : memref<640x128xf32, #tpu.memory_space<hbm>>) target(%dma_start3A_16 : memref<640x128xf32, #tpu.memory_space<vmem_shared>>) target_semaphore(%run_scoped3A : memref<!tpu.dma_semaphore, #tpu.memory_space<semaphore_mem>>)
        %dma_wait3A = arith.constant 0 : i32
        %dma_wait3A_17 = tpu.memref_slice %arg7[%mul3A_2, %dma_wait3A] : memref<10240x128xf32, #tpu.memory_space<vmem_shared>> -> memref<640x128xf32, #tpu.memory_space<vmem_shared>>
        tpu.wait_dma2 semaphore(%run_scoped3A : memref<!tpu.dma_semaphore, #tpu.memory_space<semaphore_mem>>) src(%arg5 : memref<640x128xf32, #tpu.memory_space<hbm>>) dst(%dma_wait3A_17 : memref<640x128xf32, #tpu.memory_space<vmem_shared>>)
        tpu.yield
      }) : () -> ()
    } else {
    }
    %barrier3A = arith.constant 0 : index
    tpu.barrier barrier_id(%barrier3A)
    %scan3A = arith.constant 0 : i32
    %scan3A_9 = arith.constant 0 : i32
    %scan3A_10 = arith.constant 79 : i32
    %scan3A_11 = arith.addi %scan3A_9, %scan3A_10 : i32
    %scan3A_12 = arith.constant 1 : i32
    scf.for %scan3A_16 = %scan3A_9 to %scan3A_11 step %scan3A_12  : i32 {
      "tpu.region"() ({
        %run_scoped3A = tpu.sem_alloc : memref<!tpu.dma_semaphore, #tpu.memory_space<semaphore_mem>>
        %dma_start3A = arith.constant 0 : i32
        %dma_start3A_17 = tpu.memref_slice %arg8[%scan3A_16, %dma_start3A] : memref<79x128xi32, #tpu.memory_space<vmem>> -> memref<1x128xi32, #tpu.memory_space<vmem>>
        %dma_start3A_18 = tpu.memref_squeeze %dma_start3A_17 : memref<1x128xi32, #tpu.memory_space<vmem>> -> memref<128xi32, #tpu.memory_space<vmem>>
        %dma_start3A_19 = arith.constant 0 : i32
        %dma_start3A_20 = arith.constant 0 : i32
        %dma_start3A_21 = tpu.memref_slice %arg2[%dma_start3A_19, %dma_start3A_20] : memref<10240x128xf32, #tpu.memory_space<hbm>> -> memref<10240x128xf32, #tpu.memory_space<hbm>>
        tpu.enqueue_indirect_dma source(%dma_start3A_21 : memref<10240x128xf32, #tpu.memory_space<hbm>>) target(%arg10 : memref<128x128xf32, #tpu.memory_space<vmem>>) offsets(%dma_start3A_18 : memref<128xi32, #tpu.memory_space<vmem>>) semaphore(%run_scoped3A : memref<!tpu.dma_semaphore, #tpu.memory_space<semaphore_mem>>)
        %dma_wait3A = arith.constant 0 : i32
        %dma_wait3A_22 = tpu.memref_slice %arg8[%scan3A_16, %dma_wait3A] : memref<79x128xi32, #tpu.memory_space<vmem>> -> memref<1x128xi32, #tpu.memory_space<vmem>>
        %dma_wait3A_23 = tpu.memref_squeeze %dma_wait3A_22 : memref<1x128xi32, #tpu.memory_space<vmem>> -> memref<128xi32, #tpu.memory_space<vmem>>
        %dma_wait3A_24 = arith.constant 0 : i32
        %dma_wait3A_25 = arith.constant 0 : i32
        %dma_wait3A_26 = tpu.memref_slice %arg2[%dma_wait3A_24, %dma_wait3A_25] : memref<10240x128xf32, #tpu.memory_space<hbm>> -> memref<10240x128xf32, #tpu.memory_space<hbm>>
        tpu.wait_indirect_dma semaphore(%run_scoped3A : memref<!tpu.dma_semaphore, #tpu.memory_space<semaphore_mem>>) src(%dma_wait3A_26 : memref<10240x128xf32, #tpu.memory_space<hbm>>) dst(%arg10 : memref<128x128xf32, #tpu.memory_space<vmem>>)
        tpu.yield
      }) : () -> ()
      "tpu.region"() ({
        %run_scoped3A = tpu.sem_alloc : memref<!tpu.dma_semaphore, #tpu.memory_space<semaphore_mem>>
        %dma_start3A = arith.constant 0 : i32
        %dma_start3A_17 = tpu.memref_slice %arg9[%scan3A_16, %dma_start3A] : memref<79x128xi32, #tpu.memory_space<vmem>> -> memref<1x128xi32, #tpu.memory_space<vmem>>
        %dma_start3A_18 = tpu.memref_squeeze %dma_start3A_17 : memref<1x128xi32, #tpu.memory_space<vmem>> -> memref<128xi32, #tpu.memory_space<vmem>>
        %dma_start3A_19 = arith.constant 0 : i32
        %dma_start3A_20 = arith.constant 0 : i32
        %dma_start3A_21 = tpu.memref_slice %arg7[%dma_start3A_19, %dma_start3A_20] : memref<10240x128xf32, #tpu.memory_space<vmem_shared>> -> memref<10240x128xf32, #tpu.memory_space<vmem_shared>>
        tpu.enqueue_indirect_dma source(%arg10 : memref<128x128xf32, #tpu.memory_space<vmem>>) target(%dma_start3A_21 : memref<10240x128xf32, #tpu.memory_space<vmem_shared>>) offsets(%dma_start3A_18 : memref<128xi32, #tpu.memory_space<vmem>>) semaphore(%run_scoped3A : memref<!tpu.dma_semaphore, #tpu.memory_space<semaphore_mem>>) {add = true}
        %dma_wait3A = arith.constant 0 : i32
        %dma_wait3A_22 = tpu.memref_slice %arg9[%scan3A_16, %dma_wait3A] : memref<79x128xi32, #tpu.memory_space<vmem>> -> memref<1x128xi32, #tpu.memory_space<vmem>>
        %dma_wait3A_23 = tpu.memref_squeeze %dma_wait3A_22 : memref<1x128xi32, #tpu.memory_space<vmem>> -> memref<128xi32, #tpu.memory_space<vmem>>
        %dma_wait3A_24 = arith.constant 0 : i32
        %dma_wait3A_25 = arith.constant 0 : i32
        %dma_wait3A_26 = tpu.memref_slice %arg7[%dma_wait3A_24, %dma_wait3A_25] : memref<10240x128xf32, #tpu.memory_space<vmem_shared>> -> memref<10240x128xf32, #tpu.memory_space<vmem_shared>>
        tpu.wait_indirect_dma semaphore(%run_scoped3A : memref<!tpu.dma_semaphore, #tpu.memory_space<semaphore_mem>>) src(%arg10 : memref<128x128xf32, #tpu.memory_space<vmem>>) dst(%dma_wait3A_26 : memref<10240x128xf32, #tpu.memory_space<vmem_shared>>)
        tpu.yield
      }) : () -> ()
    }
    %scan3A_13 = arith.constant 79 : i32
    %barrier3A_14 = arith.constant 0 : index
    tpu.barrier barrier_id(%barrier3A_14)
    "tpu.region"() ({
      %run_scoped3A = tpu.sem_alloc : memref<!tpu.dma_semaphore, #tpu.memory_space<semaphore_mem>>
      %dma_start3A = arith.constant 0 : i32
      %dma_start3A_16 = tpu.memref_slice %arg6[%arg0, %mul3A_2, %dma_start3A] : memref<2x10240x128xf32, #tpu.memory_space<hbm>> -> memref<1x640x128xf32, #tpu.memory_space<hbm>>
      %dma_start3A_17 = tpu.memref_squeeze %dma_start3A_16 : memref<1x640x128xf32, #tpu.memory_space<hbm>> -> memref<640x128xf32, #tpu.memory_space<hbm>>
      %dma_start3A_18 = arith.constant 0 : i32
      %dma_start3A_19 = tpu.memref_slice %arg7[%mul3A_2, %dma_start3A_18] : memref<10240x128xf32, #tpu.memory_space<vmem_shared>> -> memref<640x128xf32, #tpu.memory_space<vmem_shared>>
      tpu.enqueue_dma source(%dma_start3A_19 : memref<640x128xf32, #tpu.memory_space<vmem_shared>>) target(%dma_start3A_17 : memref<640x128xf32, #tpu.memory_space<hbm>>) target_semaphore(%run_scoped3A : memref<!tpu.dma_semaphore, #tpu.memory_space<semaphore_mem>>)
      %dma_wait3A = arith.constant 0 : i32
      %dma_wait3A_20 = tpu.memref_slice %arg6[%arg0, %mul3A_2, %dma_wait3A] : memref<2x10240x128xf32, #tpu.memory_space<hbm>> -> memref<1x640x128xf32, #tpu.memory_space<hbm>>
      %dma_wait3A_21 = tpu.memref_squeeze %dma_wait3A_20 : memref<1x640x128xf32, #tpu.memory_space<hbm>> -> memref<640x128xf32, #tpu.memory_space<hbm>>
      %dma_wait3A_22 = arith.constant 0 : i32
      %dma_wait3A_23 = tpu.memref_slice %arg7[%mul3A_2, %dma_wait3A_22] : memref<10240x128xf32, #tpu.memory_space<vmem_shared>> -> memref<640x128xf32, #tpu.memory_space<vmem_shared>>
      tpu.wait_dma2 semaphore(%run_scoped3A : memref<!tpu.dma_semaphore, #tpu.memory_space<semaphore_mem>>) src(%dma_wait3A_23 : memref<640x128xf32, #tpu.memory_space<vmem_shared>>) dst(%dma_wait3A_21 : memref<640x128xf32, #tpu.memory_space<hbm>>)
      tpu.yield
    }) : () -> ()
    %barrier3A_15 = arith.constant 0 : index
    tpu.barrier barrier_id(%barrier3A_15)
    return
  }
}

module attributes {stable_mosaic.version = 14 : i64} {
  func.func @_layer_body(%arg0: i32, %arg1: memref<2x256x128xf32, #tpu.memory_space<vmem>>, %arg2: memref<256x128xf32, #tpu.memory_space<vmem>>, %arg3: memref<128x256xf32, #tpu.memory_space<vmem>>, %arg4: memref<1x256xf32, #tpu.memory_space<vmem>>, %arg5: memref<256x256xf32, #tpu.memory_space<vmem>>) attributes {dimension_semantics = [#tpu.dimension_semantics<arbitrary>], iteration_bounds = array<i64: 40>, scalar_prefetch = 0 : i64, scratch_operands = 0 : i64, tpu.core_type = #tpu.core_type<tc>, window_params = [{transform_indices = @transform_0, window_bounds = array<i64: 2, 256, 128>}, {transform_indices = @transform_1, window_bounds = array<i64: 256, 128>}, {pipeline_mode = #tpu.pipeline_mode<synchronous>, transform_indices = @transform_2, window_bounds = array<i64: 128, 256>}, {pipeline_mode = #tpu.pipeline_mode<synchronous>, transform_indices = @transform_3, window_bounds = array<i64: 1, 256>}, {transform_indices = @transform_4, window_bounds = array<i64: 256, 256>}]} {
    %get3A = arith.constant 0 : index
    %get3A_0 = arith.constant 0 : index
    %get3A_1 = vector.load %arg2[%get3A, %get3A_0] : memref<256x128xf32, #tpu.memory_space<vmem>>, vector<256x1xf32>
    %get3A_2 = arith.constant 0 : index
    %get3A_3 = arith.constant 0 : index
    %get3A_4 = arith.constant 0 : index
    %get3A_5 = vector.load %arg1[%get3A_2, %get3A_3, %get3A_4] : memref<2x256x128xf32, #tpu.memory_space<vmem>>, vector<1x256x128xf32>
    %get3A_6 = vector.shape_cast %get3A_5 : vector<1x256x128xf32> to vector<256x128xf32>
    %get3A_7 = arith.constant 1 : index
    %get3A_8 = arith.constant 0 : index
    %get3A_9 = arith.constant 0 : index
    %get3A_10 = vector.load %arg1[%get3A_7, %get3A_8, %get3A_9] : memref<2x256x128xf32, #tpu.memory_space<vmem>>, vector<1x256x128xf32>
    %get3A_11 = vector.shape_cast %get3A_10 : vector<1x256x128xf32> to vector<256x128xf32>
    %add3A = arith.addf %get3A_6, %get3A_11 : vector<256x128xf32>
    %mul3A = vector.broadcast %get3A_1 : vector<256x1xf32> to vector<256x128xf32>
    %mul3A_12 = arith.mulf %add3A, %mul3A : vector<256x128xf32>
    %get3A_13 = arith.constant 0 : index
    %get3A_14 = arith.constant 0 : index
    %get3A_15 = vector.load %arg3[%get3A_13, %get3A_14] : memref<128x256xf32, #tpu.memory_space<vmem>>, vector<128x256xf32>
    %dot_general3A = arith.constant dense<0.000000e+00> : vector<256x256xf32>
    %dot_general3A_16 = tpu.matmul %mul3A_12, %get3A_15, %dot_general3A {dimension_numbers = #tpu.dot_dimension_numbers<[1], [0], [0], [1], [0, 0, 1, 1], [], []>, transpose_lhs_hint = false} : vector<256x128xf32>, vector<128x256xf32>, vector<256x256xf32> -> vector<256x256xf32>
    %get3A_17 = arith.constant 0 : index
    %get3A_18 = arith.constant 0 : index
    %get3A_19 = vector.load %arg4[%get3A_17, %get3A_18] : memref<1x256xf32, #tpu.memory_space<vmem>>, vector<1x256xf32>
    %add3A_20 = vector.broadcast %get3A_19 : vector<1x256xf32> to vector<256x256xf32>
    %add3A_21 = arith.addf %dot_general3A_16, %add3A_20 : vector<256x256xf32>
    %max3A = arith.constant 0.000000e+00 : f32
    %max3A_22 = vector.broadcast %max3A : f32 to vector<256x256xf32>
    %max3A_23 = arith.maximumf %add3A_21, %max3A_22 : vector<256x256xf32>
    %mul3A_24 = vector.broadcast %get3A_1 : vector<256x1xf32> to vector<256x256xf32>
    %mul3A_25 = arith.mulf %max3A_23, %mul3A_24 : vector<256x256xf32>
    %swap3A = arith.constant 0 : index
    %swap3A_26 = arith.constant 0 : index
    %swap3A_27 = vector.load %arg5[%swap3A, %swap3A_26] : memref<256x256xf32, #tpu.memory_space<vmem>>, vector<256x256xf32>
    tpu.vector_store %arg5[%swap3A, %swap3A_26], %mul3A_25 {strides = array<i32>} : memref<256x256xf32, #tpu.memory_space<vmem>>, vector<256x256xf32>,
    return
  }
  func.func @transform_0(%arg0: i32) -> (i32, i32, i32) {
    %c0_i32 = arith.constant 0 : i32
    %c0_i32_0 = arith.constant 0 : i32
    %c0_i32_1 = arith.constant 0 : i32
    return %c0_i32, %arg0, %c0_i32_0 : i32, i32, i32
  }
  func.func @transform_1(%arg0: i32) -> (i32, i32) {
    %c0_i32 = arith.constant 0 : i32
    %c0_i32_0 = arith.constant 0 : i32
    return %arg0, %c0_i32 : i32, i32
  }
  func.func @transform_2(%arg0: i32) -> (i32, i32) {
    %c0_i32 = arith.constant 0 : i32
    %c0_i32_0 = arith.constant 0 : i32
    %c0_i32_1 = arith.constant 0 : i32
    return %c0_i32, %c0_i32_0 : i32, i32
  }
  func.func @transform_3(%arg0: i32) -> (i32, i32) {
    %c0_i32 = arith.constant 0 : i32
    %c0_i32_0 = arith.constant 0 : i32
    %c0_i32_1 = arith.constant 0 : i32
    return %c0_i32, %c0_i32_0 : i32, i32
  }
  func.func @transform_4(%arg0: i32) -> (i32, i32) {
    %c0_i32 = arith.constant 0 : i32
    %c0_i32_0 = arith.constant 0 : i32
    return %arg0, %c0_i32 : i32, i32
  }
}

module attributes {stable_mosaic.version = 14 : i64} {
  func.func @_prescale_body(%arg0: i32, %arg1: memref<256x128xf32, #tpu.memory_space<vmem>>, %arg2: memref<2x256x128xf32, #tpu.memory_space<vmem>>, %arg3: memref<256x128xf32, #tpu.memory_space<vmem>>, %arg4: memref<256x128xf32, #tpu.memory_space<vmem>>) attributes {dimension_semantics = [#tpu.dimension_semantics<arbitrary>], iteration_bounds = array<i64: 40>, scalar_prefetch = 0 : i64, scratch_operands = 0 : i64, tpu.core_type = #tpu.core_type<tc>, window_params = [{transform_indices = @transform_0, window_bounds = array<i64: 256, 128>}, {transform_indices = @transform_1, window_bounds = array<i64: 2, 256, 128>}, {transform_indices = @transform_2, window_bounds = array<i64: 256, 128>}, {transform_indices = @transform_3, window_bounds = array<i64: 256, 128>}]} {
    %get3A = arith.constant 0 : index
    %get3A_0 = arith.constant 0 : index
    %get3A_1 = arith.constant 0 : index
    %get3A_2 = vector.load %arg2[%get3A, %get3A_0, %get3A_1] : memref<2x256x128xf32, #tpu.memory_space<vmem>>, vector<1x256x128xf32>
    %get3A_3 = vector.shape_cast %get3A_2 : vector<1x256x128xf32> to vector<256x128xf32>
    %slice3A = vector.extract_strided_slice %get3A_3 {offsets = [0, 0], sizes = [256, 1], strides = [1, 1]} : vector<256x128xf32> to vector<256x1xf32>
    %get3A_4 = arith.constant 1 : index
    %get3A_5 = arith.constant 0 : index
    %get3A_6 = arith.constant 0 : index
    %get3A_7 = vector.load %arg2[%get3A_4, %get3A_5, %get3A_6] : memref<2x256x128xf32, #tpu.memory_space<vmem>>, vector<1x256x128xf32>
    %get3A_8 = vector.shape_cast %get3A_7 : vector<1x256x128xf32> to vector<256x128xf32>
    %slice3A_9 = vector.extract_strided_slice %get3A_8 {offsets = [0, 0], sizes = [256, 1], strides = [1, 1]} : vector<256x128xf32> to vector<256x1xf32>
    %add3A = arith.addf %slice3A, %slice3A_9 : vector<256x1xf32>
    %add3A_10 = arith.constant 1.000000e+00 : f32
    %add3A_11 = vector.broadcast %add3A_10 : f32 to vector<256x1xf32>
    %add3A_12 = arith.addf %add3A, %add3A_11 : vector<256x1xf32>
    %max3A = arith.constant 1.000000e+00 : f32
    %max3A_13 = vector.broadcast %max3A : f32 to vector<256x1xf32>
    %max3A_14 = arith.maximumf %add3A_12, %max3A_13 : vector<256x1xf32>
    %rsqrt3A = math.rsqrt %max3A_14 : vector<256x1xf32>
    %get3A_15 = arith.constant 0 : index
    %get3A_16 = arith.constant 0 : index
    %get3A_17 = vector.load %arg1[%get3A_15, %get3A_16] : memref<256x128xf32, #tpu.memory_space<vmem>>, vector<256x128xf32>
    %mul3A = vector.broadcast %rsqrt3A : vector<256x1xf32> to vector<256x128xf32>
    %mul3A_18 = arith.mulf %get3A_17, %mul3A : vector<256x128xf32>
    %swap3A = arith.constant 0 : index
    %swap3A_19 = arith.constant 0 : index
    %swap3A_20 = vector.load %arg3[%swap3A, %swap3A_19] : memref<256x128xf32, #tpu.memory_space<vmem>>, vector<256x128xf32>
    tpu.vector_store %arg3[%swap3A, %swap3A_19], %mul3A_18 {strides = array<i32>} : memref<256x128xf32, #tpu.memory_space<vmem>>, vector<256x128xf32>,
    %broadcast_in_dim3A = vector.shape_cast %rsqrt3A : vector<256x1xf32> to vector<256x1xf32>
    %broadcast_in_dim3A_21 = vector.broadcast %broadcast_in_dim3A : vector<256x1xf32> to vector<256x128xf32>
    %swap3A_22 = arith.constant 0 : index
    %swap3A_23 = arith.constant 0 : index
    %swap3A_24 = vector.load %arg4[%swap3A_22, %swap3A_23] : memref<256x128xf32, #tpu.memory_space<vmem>>, vector<256x128xf32>
    tpu.vector_store %arg4[%swap3A_22, %swap3A_23], %broadcast_in_dim3A_21 {strides = array<i32>} : memref<256x128xf32, #tpu.memory_space<vmem>>, vector<256x128xf32>,
    return
  }
  func.func @transform_0(%arg0: i32) -> (i32, i32) {
    %c0_i32 = arith.constant 0 : i32
    %c0_i32_0 = arith.constant 0 : i32
    return %arg0, %c0_i32 : i32, i32
  }
  func.func @transform_1(%arg0: i32) -> (i32, i32, i32) {
    %c0_i32 = arith.constant 0 : i32
    %c0_i32_0 = arith.constant 0 : i32
    %c0_i32_1 = arith.constant 0 : i32
    return %c0_i32, %arg0, %c0_i32_0 : i32, i32, i32
  }
  func.func @transform_2(%arg0: i32) -> (i32, i32) {
    %c0_i32 = arith.constant 0 : i32
    %c0_i32_0 = arith.constant 0 : i32
    return %arg0, %c0_i32 : i32, i32
  }
  func.func @transform_3(%arg0: i32) -> (i32, i32) {
    %c0_i32 = arith.constant 0 : i32
    %c0_i32_0 = arith.constant 0 : i32
    return %arg0, %c0_i32 : i32, i32
  }
}

module attributes {stable_mosaic.version = 14 : i64} {
  func.func @_layer_body(%arg0: i32, %arg1: memref<2x256x128xf32, #tpu.memory_space<vmem>>, %arg2: memref<2x256x128xf32, #tpu.memory_space<vmem>>, %arg3: memref<256x128xf32, #tpu.memory_space<vmem>>, %arg4: memref<256x512xf32, #tpu.memory_space<vmem>>, %arg5: memref<1x512xf32, #tpu.memory_space<vmem>>, %arg6: memref<256x512xf32, #tpu.memory_space<vmem>>) attributes {dimension_semantics = [#tpu.dimension_semantics<arbitrary>], iteration_bounds = array<i64: 40>, scalar_prefetch = 0 : i64, scratch_operands = 0 : i64, tpu.core_type = #tpu.core_type<tc>, window_params = [{transform_indices = @transform_0, window_bounds = array<i64: 2, 256, 128>}, {transform_indices = @transform_1, window_bounds = array<i64: 2, 256, 128>}, {transform_indices = @transform_2, window_bounds = array<i64: 256, 128>}, {pipeline_mode = #tpu.pipeline_mode<synchronous>, transform_indices = @transform_3, window_bounds = array<i64: 256, 512>}, {pipeline_mode = #tpu.pipeline_mode<synchronous>, transform_indices = @transform_4, window_bounds = array<i64: 1, 512>}, {transform_indices = @transform_5, window_bounds = array<i64: 256, 512>}]} {
    %get3A = arith.constant 0 : index
    %get3A_0 = arith.constant 0 : index
    %get3A_1 = vector.load %arg3[%get3A, %get3A_0] : memref<256x128xf32, #tpu.memory_space<vmem>>, vector<256x1xf32>
    %get3A_2 = arith.constant 0 : index
    %get3A_3 = arith.constant 0 : index
    %get3A_4 = arith.constant 0 : index
    %get3A_5 = vector.load %arg1[%get3A_2, %get3A_3, %get3A_4] : memref<2x256x128xf32, #tpu.memory_space<vmem>>, vector<1x256x128xf32>
    %get3A_6 = vector.shape_cast %get3A_5 : vector<1x256x128xf32> to vector<256x128xf32>
    %get3A_7 = arith.constant 1 : index
    %get3A_8 = arith.constant 0 : index
    %get3A_9 = arith.constant 0 : index
    %get3A_10 = vector.load %arg1[%get3A_7, %get3A_8, %get3A_9] : memref<2x256x128xf32, #tpu.memory_space<vmem>>, vector<1x256x128xf32>
    %get3A_11 = vector.shape_cast %get3A_10 : vector<1x256x128xf32> to vector<256x128xf32>
    %add3A = arith.addf %get3A_6, %get3A_11 : vector<256x128xf32>
    %get3A_12 = arith.constant 0 : index
    %get3A_13 = arith.constant 0 : index
    %get3A_14 = arith.constant 0 : index
    %get3A_15 = vector.load %arg2[%get3A_12, %get3A_13, %get3A_14] : memref<2x256x128xf32, #tpu.memory_space<vmem>>, vector<1x256x128xf32>
    %get3A_16 = vector.shape_cast %get3A_15 : vector<1x256x128xf32> to vector<256x128xf32>
    %get3A_17 = arith.constant 1 : index
    %get3A_18 = arith.constant 0 : index
    %get3A_19 = arith.constant 0 : index
    %get3A_20 = vector.load %arg2[%get3A_17, %get3A_18, %get3A_19] : memref<2x256x128xf32, #tpu.memory_space<vmem>>, vector<1x256x128xf32>
    %get3A_21 = vector.shape_cast %get3A_20 : vector<1x256x128xf32> to vector<256x128xf32>
    %add3A_22 = arith.addf %get3A_16, %get3A_21 : vector<256x128xf32>
    %concatenate3A = tpu.concatenate %add3A, %add3A_22 in 1 : vector<256x128xf32>, vector<256x128xf32> -> vector<256x256xf32>
    %mul3A = vector.broadcast %get3A_1 : vector<256x1xf32> to vector<256x256xf32>
    %mul3A_23 = arith.mulf %concatenate3A, %mul3A : vector<256x256xf32>
    %get3A_24 = arith.constant 0 : index
    %get3A_25 = arith.constant 0 : index
    %get3A_26 = vector.load %arg4[%get3A_24, %get3A_25] : memref<256x512xf32, #tpu.memory_space<vmem>>, vector<256x512xf32>
    %dot_general3A = arith.constant dense<0.000000e+00> : vector<256x512xf32>
    %dot_general3A_27 = tpu.matmul %mul3A_23, %get3A_26, %dot_general3A {dimension_numbers = #tpu.dot_dimension_numbers<[1], [0], [0], [1], [0, 0, 1, 1], [], []>, transpose_lhs_hint = false} : vector<256x256xf32>, vector<256x512xf32>, vector<256x512xf32> -> vector<256x512xf32>
    %get3A_28 = arith.constant 0 : index
    %get3A_29 = arith.constant 0 : index
    %get3A_30 = vector.load %arg5[%get3A_28, %get3A_29] : memref<1x512xf32, #tpu.memory_space<vmem>>, vector<1x512xf32>
    %add3A_31 = vector.broadcast %get3A_30 : vector<1x512xf32> to vector<256x512xf32>
    %add3A_32 = arith.addf %dot_general3A_27, %add3A_31 : vector<256x512xf32>
    %max3A = arith.constant 0.000000e+00 : f32
    %max3A_33 = vector.broadcast %max3A : f32 to vector<256x512xf32>
    %max3A_34 = arith.maximumf %add3A_32, %max3A_33 : vector<256x512xf32>
    %mul3A_35 = vector.broadcast %get3A_1 : vector<256x1xf32> to vector<256x512xf32>
    %mul3A_36 = arith.mulf %max3A_34, %mul3A_35 : vector<256x512xf32>
    %swap3A = arith.constant 0 : index
    %swap3A_37 = arith.constant 0 : index
    %swap3A_38 = vector.load %arg6[%swap3A, %swap3A_37] : memref<256x512xf32, #tpu.memory_space<vmem>>, vector<256x512xf32>
    tpu.vector_store %arg6[%swap3A, %swap3A_37], %mul3A_36 {strides = array<i32>} : memref<256x512xf32, #tpu.memory_space<vmem>>, vector<256x512xf32>,
    return
  }
  func.func @transform_0(%arg0: i32) -> (i32, i32, i32) {
    %c0_i32 = arith.constant 0 : i32
    %c0_i32_0 = arith.constant 0 : i32
    %c0_i32_1 = arith.constant 0 : i32
    return %c0_i32, %arg0, %c0_i32_0 : i32, i32, i32
  }
  func.func @transform_1(%arg0: i32) -> (i32, i32, i32) {
    %c0_i32 = arith.constant 0 : i32
    %c0_i32_0 = arith.constant 0 : i32
    %c0_i32_1 = arith.constant 0 : i32
    return %c0_i32, %arg0, %c0_i32_0 : i32, i32, i32
  }
  func.func @transform_2(%arg0: i32) -> (i32, i32) {
    %c0_i32 = arith.constant 0 : i32
    %c0_i32_0 = arith.constant 0 : i32
    return %arg0, %c0_i32 : i32, i32
  }
  func.func @transform_3(%arg0: i32) -> (i32, i32) {
    %c0_i32 = arith.constant 0 : i32
    %c0_i32_0 = arith.constant 0 : i32
    %c0_i32_1 = arith.constant 0 : i32
    return %c0_i32, %c0_i32_0 : i32, i32
  }
  func.func @transform_4(%arg0: i32) -> (i32, i32) {
    %c0_i32 = arith.constant 0 : i32
    %c0_i32_0 = arith.constant 0 : i32
    %c0_i32_1 = arith.constant 0 : i32
    return %c0_i32, %c0_i32_0 : i32, i32
  }
  func.func @transform_5(%arg0: i32) -> (i32, i32) {
    %c0_i32 = arith.constant 0 : i32
    %c0_i32_0 = arith.constant 0 : i32
    return %arg0, %c0_i32 : i32, i32
  }
}

module attributes {stable_mosaic.version = 14 : i64} {
  func.func @_head_body(%arg0: i32, %arg1: memref<2x256x128xf32, #tpu.memory_space<vmem>>, %arg2: memref<2x256x128xf32, #tpu.memory_space<vmem>>, %arg3: memref<2x256x128xf32, #tpu.memory_space<vmem>>, %arg4: memref<2x256x128xf32, #tpu.memory_space<vmem>>, %arg5: memref<256x128xf32, #tpu.memory_space<vmem>>, %arg6: memref<512x1024xf32, #tpu.memory_space<vmem>>, %arg7: memref<1x1024xf32, #tpu.memory_space<vmem>>, %arg8: memref<1024x128xf32, #tpu.memory_space<vmem>>, %arg9: memref<256x128xf32, #tpu.memory_space<vmem>>) attributes {dimension_semantics = [#tpu.dimension_semantics<arbitrary>], iteration_bounds = array<i64: 40>, scalar_prefetch = 0 : i64, scratch_operands = 0 : i64, tpu.core_type = #tpu.core_type<tc>, window_params = [{transform_indices = @transform_0, window_bounds = array<i64: 2, 256, 128>}, {transform_indices = @transform_1, window_bounds = array<i64: 2, 256, 128>}, {transform_indices = @transform_2, window_bounds = array<i64: 2, 256, 128>}, {transform_indices = @transform_3, window_bounds = array<i64: 2, 256, 128>}, {transform_indices = @transform_4, window_bounds = array<i64: 256, 128>}, {pipeline_mode = #tpu.pipeline_mode<synchronous>, transform_indices = @transform_5, window_bounds = array<i64: 512, 1024>}, {pipeline_mode = #tpu.pipeline_mode<synchronous>, transform_indices = @transform_6, window_bounds = array<i64: 1, 1024>}, {pipeline_mode = #tpu.pipeline_mode<synchronous>, transform_indices = @transform_7, window_bounds = array<i64: 1024, 128>}, {transform_indices = @transform_8, window_bounds = array<i64: 256, 128>}]} {
    %get3A = arith.constant 0 : index
    %get3A_0 = arith.constant 0 : index
    %get3A_1 = vector.load %arg5[%get3A, %get3A_0] : memref<256x128xf32, #tpu.memory_space<vmem>>, vector<256x1xf32>
    %get3A_2 = arith.constant 0 : index
    %get3A_3 = arith.constant 0 : index
    %get3A_4 = arith.constant 0 : index
    %get3A_5 = vector.load %arg1[%get3A_2, %get3A_3, %get3A_4] : memref<2x256x128xf32, #tpu.memory_space<vmem>>, vector<1x256x128xf32>
    %get3A_6 = vector.shape_cast %get3A_5 : vector<1x256x128xf32> to vector<256x128xf32>
    %get3A_7 = arith.constant 1 : index
    %get3A_8 = arith.constant 0 : index
    %get3A_9 = arith.constant 0 : index
    %get3A_10 = vector.load %arg1[%get3A_7, %get3A_8, %get3A_9] : memref<2x256x128xf32, #tpu.memory_space<vmem>>, vector<1x256x128xf32>
    %get3A_11 = vector.shape_cast %get3A_10 : vector<1x256x128xf32> to vector<256x128xf32>
    %add3A = arith.addf %get3A_6, %get3A_11 : vector<256x128xf32>
    %get3A_12 = arith.constant 0 : index
    %get3A_13 = arith.constant 0 : index
    %get3A_14 = arith.constant 0 : index
    %get3A_15 = vector.load %arg2[%get3A_12, %get3A_13, %get3A_14] : memref<2x256x128xf32, #tpu.memory_space<vmem>>, vector<1x256x128xf32>
    %get3A_16 = vector.shape_cast %get3A_15 : vector<1x256x128xf32> to vector<256x128xf32>
    %get3A_17 = arith.constant 1 : index
    %get3A_18 = arith.constant 0 : index
    %get3A_19 = arith.constant 0 : index
    %get3A_20 = vector.load %arg2[%get3A_17, %get3A_18, %get3A_19] : memref<2x256x128xf32, #tpu.memory_space<vmem>>, vector<1x256x128xf32>
    %get3A_21 = vector.shape_cast %get3A_20 : vector<1x256x128xf32> to vector<256x128xf32>
    %add3A_22 = arith.addf %get3A_16, %get3A_21 : vector<256x128xf32>
    %get3A_23 = arith.constant 0 : index
    %get3A_24 = arith.constant 0 : index
    %get3A_25 = arith.constant 0 : index
    %get3A_26 = vector.load %arg3[%get3A_23, %get3A_24, %get3A_25] : memref<2x256x128xf32, #tpu.memory_space<vmem>>, vector<1x256x128xf32>
    %get3A_27 = vector.shape_cast %get3A_26 : vector<1x256x128xf32> to vector<256x128xf32>
    %get3A_28 = arith.constant 1 : index
    %get3A_29 = arith.constant 0 : index
    %get3A_30 = arith.constant 0 : index
    %get3A_31 = vector.load %arg3[%get3A_28, %get3A_29, %get3A_30] : memref<2x256x128xf32, #tpu.memory_space<vmem>>, vector<1x256x128xf32>
    %get3A_32 = vector.shape_cast %get3A_31 : vector<1x256x128xf32> to vector<256x128xf32>
    %add3A_33 = arith.addf %get3A_27, %get3A_32 : vector<256x128xf32>
    %get3A_34 = arith.constant 0 : index
    %get3A_35 = arith.constant 0 : index
    %get3A_36 = arith.constant 0 : index
    %get3A_37 = vector.load %arg4[%get3A_34, %get3A_35, %get3A_36] : memref<2x256x128xf32, #tpu.memory_space<vmem>>, vector<1x256x128xf32>
    %get3A_38 = vector.shape_cast %get3A_37 : vector<1x256x128xf32> to vector<256x128xf32>
    %get3A_39 = arith.constant 1 : index
    %get3A_40 = arith.constant 0 : index
    %get3A_41 = arith.constant 0 : index
    %get3A_42 = vector.load %arg4[%get3A_39, %get3A_40, %get3A_41] : memref<2x256x128xf32, #tpu.memory_space<vmem>>, vector<1x256x128xf32>
    %get3A_43 = vector.shape_cast %get3A_42 : vector<1x256x128xf32> to vector<256x128xf32>
    %add3A_44 = arith.addf %get3A_38, %get3A_43 : vector<256x128xf32>
    %concatenate3A = tpu.concatenate %add3A, %add3A_22, %add3A_33, %add3A_44 in 1 : vector<256x128xf32>, vector<256x128xf32>, vector<256x128xf32>, vector<256x128xf32> -> vector<256x512xf32>
    %mul3A = vector.broadcast %get3A_1 : vector<256x1xf32> to vector<256x512xf32>
    %mul3A_45 = arith.mulf %concatenate3A, %mul3A : vector<256x512xf32>
    %get3A_46 = arith.constant 0 : index
    %get3A_47 = arith.constant 0 : index
    %get3A_48 = vector.load %arg6[%get3A_46, %get3A_47] : memref<512x1024xf32, #tpu.memory_space<vmem>>, vector<512x1024xf32>
    %dot_general3A = arith.constant dense<0.000000e+00> : vector<256x1024xf32>
    %dot_general3A_49 = tpu.matmul %mul3A_45, %get3A_48, %dot_general3A {dimension_numbers = #tpu.dot_dimension_numbers<[1], [0], [0], [1], [0, 0, 1, 1], [], []>, transpose_lhs_hint = false} : vector<256x512xf32>, vector<512x1024xf32>, vector<256x1024xf32> -> vector<256x1024xf32>
    %get3A_50 = arith.constant 0 : index
    %get3A_51 = arith.constant 0 : index
    %get3A_52 = vector.load %arg7[%get3A_50, %get3A_51] : memref<1x1024xf32, #tpu.memory_space<vmem>>, vector<1x1024xf32>
    %add3A_53 = vector.broadcast %get3A_52 : vector<1x1024xf32> to vector<256x1024xf32>
    %add3A_54 = arith.addf %dot_general3A_49, %add3A_53 : vector<256x1024xf32>
    %max3A = arith.constant 0.000000e+00 : f32
    %max3A_55 = vector.broadcast %max3A : f32 to vector<256x1024xf32>
    %max3A_56 = arith.maximumf %add3A_54, %max3A_55 : vector<256x1024xf32>
    %get3A_57 = arith.constant 0 : index
    %get3A_58 = arith.constant 0 : index
    %get3A_59 = vector.load %arg8[%get3A_57, %get3A_58] : memref<1024x128xf32, #tpu.memory_space<vmem>>, vector<1024x128xf32>
    %dot_general3A_60 = arith.constant dense<0.000000e+00> : vector<256x128xf32>
    %dot_general3A_61 = tpu.matmul %max3A_56, %get3A_59, %dot_general3A_60 {dimension_numbers = #tpu.dot_dimension_numbers<[1], [0], [0], [1], [0, 0, 1, 1], [], []>, transpose_lhs_hint = false} : vector<256x1024xf32>, vector<1024x128xf32>, vector<256x128xf32> -> vector<256x128xf32>
    %mul3A_62 = vector.broadcast %get3A_1 : vector<256x1xf32> to vector<256x128xf32>
    %mul3A_63 = arith.mulf %dot_general3A_61, %mul3A_62 : vector<256x128xf32>
    %swap3A = arith.constant 0 : index
    %swap3A_64 = arith.constant 0 : index
    %swap3A_65 = vector.load %arg9[%swap3A, %swap3A_64] : memref<256x128xf32, #tpu.memory_space<vmem>>, vector<256x128xf32>
    tpu.vector_store %arg9[%swap3A, %swap3A_64], %mul3A_63 {strides = array<i32>} : memref<256x128xf32, #tpu.memory_space<vmem>>, vector<256x128xf32>,
    return
  }
  func.func @transform_0(%arg0: i32) -> (i32, i32, i32) {
    %c0_i32 = arith.constant 0 : i32
    %c0_i32_0 = arith.constant 0 : i32
    %c0_i32_1 = arith.constant 0 : i32
    return %c0_i32, %arg0, %c0_i32_0 : i32, i32, i32
  }
  func.func @transform_1(%arg0: i32) -> (i32, i32, i32) {
    %c0_i32 = arith.constant 0 : i32
    %c0_i32_0 = arith.constant 0 : i32
    %c0_i32_1 = arith.constant 0 : i32
    return %c0_i32, %arg0, %c0_i32_0 : i32, i32, i32
  }
  func.func @transform_2(%arg0: i32) -> (i32, i32, i32) {
    %c0_i32 = arith.constant 0 : i32
    %c0_i32_0 = arith.constant 0 : i32
    %c0_i32_1 = arith.constant 0 : i32
    return %c0_i32, %arg0, %c0_i32_0 : i32, i32, i32
  }
  func.func @transform_3(%arg0: i32) -> (i32, i32, i32) {
    %c0_i32 = arith.constant 0 : i32
    %c0_i32_0 = arith.constant 0 : i32
    %c0_i32_1 = arith.constant 0 : i32
    return %c0_i32, %arg0, %c0_i32_0 : i32, i32, i32
  }
  func.func @transform_4(%arg0: i32) -> (i32, i32) {
    %c0_i32 = arith.constant 0 : i32
    %c0_i32_0 = arith.constant 0 : i32
    return %arg0, %c0_i32 : i32, i32
  }
  func.func @transform_5(%arg0: i32) -> (i32, i32) {
    %c0_i32 = arith.constant 0 : i32
    %c0_i32_0 = arith.constant 0 : i32
    %c0_i32_1 = arith.constant 0 : i32
    return %c0_i32, %c0_i32_0 : i32, i32
  }
  func.func @transform_6(%arg0: i32) -> (i32, i32) {
    %c0_i32 = arith.constant 0 : i32
    %c0_i32_0 = arith.constant 0 : i32
    %c0_i32_1 = arith.constant 0 : i32
    return %c0_i32, %c0_i32_0 : i32, i32
  }
  func.func @transform_7(%arg0: i32) -> (i32, i32) {
    %c0_i32 = arith.constant 0 : i32
    %c0_i32_0 = arith.constant 0 : i32
    %c0_i32_1 = arith.constant 0 : i32
    return %c0_i32, %c0_i32_0 : i32, i32
  }
  func.func @transform_8(%arg0: i32) -> (i32, i32) {
    %c0_i32 = arith.constant 0 : i32
    %c0_i32_0 = arith.constant 0 : i32
    return %arg0, %c0_i32 : i32, i32
  }
}

module attributes {stable_mosaic.version = 14 : i64} {
  func.func @_final_body(%arg0: i32, %arg1: memref<2x256x128xf32, #tpu.memory_space<vmem>>, %arg2: memref<256x128xf32, #tpu.memory_space<vmem>>, %arg3: memref<1x128xf32, #tpu.memory_space<vmem>>, %arg4: memref<256x128xf32, #tpu.memory_space<vmem>>) attributes {dimension_semantics = [#tpu.dimension_semantics<arbitrary>], iteration_bounds = array<i64: 40>, scalar_prefetch = 0 : i64, scratch_operands = 0 : i64, tpu.core_type = #tpu.core_type<tc>, window_params = [{transform_indices = @transform_0, window_bounds = array<i64: 2, 256, 128>}, {transform_indices = @transform_1, window_bounds = array<i64: 256, 128>}, {pipeline_mode = #tpu.pipeline_mode<synchronous>, transform_indices = @transform_2, window_bounds = array<i64: 1, 128>}, {transform_indices = @transform_3, window_bounds = array<i64: 256, 128>}]} {
    %get3A = arith.constant 0 : index
    %get3A_0 = arith.constant 0 : index
    %get3A_1 = vector.load %arg2[%get3A, %get3A_0] : memref<256x128xf32, #tpu.memory_space<vmem>>, vector<256x1xf32>
    %get3A_2 = arith.constant 0 : index
    %get3A_3 = arith.constant 0 : index
    %get3A_4 = arith.constant 0 : index
    %get3A_5 = vector.load %arg1[%get3A_2, %get3A_3, %get3A_4] : memref<2x256x128xf32, #tpu.memory_space<vmem>>, vector<1x256x128xf32>
    %get3A_6 = vector.shape_cast %get3A_5 : vector<1x256x128xf32> to vector<256x128xf32>
    %get3A_7 = arith.constant 1 : index
    %get3A_8 = arith.constant 0 : index
    %get3A_9 = arith.constant 0 : index
    %get3A_10 = vector.load %arg1[%get3A_7, %get3A_8, %get3A_9] : memref<2x256x128xf32, #tpu.memory_space<vmem>>, vector<1x256x128xf32>
    %get3A_11 = vector.shape_cast %get3A_10 : vector<1x256x128xf32> to vector<256x128xf32>
    %add3A = arith.addf %get3A_6, %get3A_11 : vector<256x128xf32>
    %mul3A = vector.broadcast %get3A_1 : vector<256x1xf32> to vector<256x128xf32>
    %mul3A_12 = arith.mulf %add3A, %mul3A : vector<256x128xf32>
    %get3A_13 = arith.constant 0 : index
    %get3A_14 = arith.constant 0 : index
    %get3A_15 = vector.load %arg3[%get3A_13, %get3A_14] : memref<1x128xf32, #tpu.memory_space<vmem>>, vector<1x128xf32>
    %add3A_16 = vector.broadcast %get3A_15 : vector<1x128xf32> to vector<256x128xf32>
    %add3A_17 = arith.addf %mul3A_12, %add3A_16 : vector<256x128xf32>
    %swap3A = arith.constant 0 : index
    %swap3A_18 = arith.constant 0 : index
    %swap3A_19 = vector.load %arg4[%swap3A, %swap3A_18] : memref<256x128xf32, #tpu.memory_space<vmem>>, vector<256x128xf32>
    tpu.vector_store %arg4[%swap3A, %swap3A_18], %add3A_17 {strides = array<i32>} : memref<256x128xf32, #tpu.memory_space<vmem>>, vector<256x128xf32>,
    return
  }
  func.func @transform_0(%arg0: i32) -> (i32, i32, i32) {
    %c0_i32 = arith.constant 0 : i32
    %c0_i32_0 = arith.constant 0 : i32
    %c0_i32_1 = arith.constant 0 : i32
    return %c0_i32, %arg0, %c0_i32_0 : i32, i32, i32
  }
  func.func @transform_1(%arg0: i32) -> (i32, i32) {
    %c0_i32 = arith.constant 0 : i32
    %c0_i32_0 = arith.constant 0 : i32
    return %arg0, %c0_i32 : i32, i32
  }
  func.func @transform_2(%arg0: i32) -> (i32, i32) {
    %c0_i32 = arith.constant 0 : i32
    %c0_i32_0 = arith.constant 0 : i32
    %c0_i32_1 = arith.constant 0 : i32
    return %c0_i32, %c0_i32_0 : i32, i32
  }
  func.func @transform_3(%arg0: i32) -> (i32, i32) {
    %c0_i32 = arith.constant 0 : i32
    %c0_i32_0 = arith.constant 0 : i32
    return %arg0, %c0_i32 : i32, i32
  }
}

</mosaic_0001>

<sc_bundles>
// kernel: kernel.12.cloned.1.call-start
scs
__scs_entry_jumppad:
0x0: {  	(pc) =	sbr.rel $0x88, $3  }
0x1: {  	(tag) =	ssettag $0x0;
	lr =	simm.s32 $0x1  }
0x2: {  	[smem:$0x3F95] =	sst lr;
	_ =	strace $0xD0000000  }
0x3: {  	_ = 	snop  }
0x4: {  	_ = 	snop  }
0x5: {  	_ = 	snop  }
0x6: {  	_ = 	snop  }
0x7: {  	_ = 	snop  }
__scs_overlays_trampoline_lowered:
0x8: {  	[smem:$0x3FA4] =	sst s0  }
0x9: {  	[smem:$0x3FA5] =	sst s1  }
0xa: {  	[smem:$0x3FA6] =	sst s2  }
0xb: {  	[smem:$0x3FA7] =	sst s3  }
0xc: {  	[smem:$0x3FA8] =	sst s4  }
0xd: {  	[smem:$0x3FA9] =	sst s5  }
0xe: {  	[smem:$0x3FAA] =	sst s6  }
0xf: {  	[smem:$0x3FAB] =	sst s7  }
0x10: {  	[smem:$0x3FAC] =	sst s8  }
0x11: {  	[smem:$0x3FAD] =	sst s9;
	s0 =	simm.s32 @!p0 $0x0  }
0x12: {  	s1 =	sld [smem:$0x3F93];
	s0 =	simm.s32 @p0 $0x1  }
0x13: {  	[smem:$0x3FAE] =	sst s0;
	s0 =	simm.s32 @!p1 $0x0  }
0x14: {  	s2 =	sld [smem:$0x3F92];
	s0 =	simm.s32 @p1 $0x1  }
0x15: {  	[smem:$0x3FAF] =	sst s0;
	s0 =	simm.s32 @!p2 $0x0  }
0x16: {  	s3 =	sld [smem:$0x3FDB];
	s0 =	simm.s32 @p2 $0x1  }
0x17: {  	s4 =	simm.s32 $0x1BF5;
	[smem:$0x3FB1] =	sst s0  }
0x18: {  	s0 =	sld [smem:$0x3F94];
	_ =	swait.ge [sflag:s4], $0x0  }
0x19: {  	s7 =	sld [smem:$0x3F95]  }
0x1a: {  	s8 =	sadd.s32 $0xFFFFE003, lr  }
0x1b: {  	s9 =	sadd.s32 $0xFFFFFEF7, lr;
	s5 =	simm.s32 $0xFFFFFFFF;
	p2 =	slt.u32 s8, $0xFFFFF086  }
0x1c: {  	p1 =	slt.u32 s9, $0xF7A;
	s5 =	simm.s32 @!p2 $0x0  }
0x1d: {  	s5 =	simm.s32 @p1 $0x1;
	p0 =	seq.s32 s7, s2  }
0x1e: {  	s7 =	smul.u32 @!p0 $0xF7A, s2;
	p2 =	seq.s32 @!p0 s5, $0x0  }
0x1f: {  	s9 =	smul.u32 $0xF7A, s1;
	s8 =	simm.s32 @!p0 $0x1BF5;
	p2 =	por !p2, p0  }
0x20: {  	[sflag:s8] =	ssyncset.s32 @!p0 $0xFFFFF086;
	s6 =	sadd.s32 @!p0 s3, s7;
	s7 =	simm.s32 @!p0 $0x108  }
0x21: {  	s3 =	sadd.s32 s3, s9;
	s6 =	sadd.s32 @!p0 $0x88, s6;
	s7 =	simm.s32 @p2 $0x1082  }
0x22: {  	[simem:s7], [sflag:s8] =	dma.local @!p0 [hbm:s6], $0xF7A  }
0x23: {  	s9 =	sor.u32 $0xD0000000, s2;
	s6 =	simm.s32 $0x108;
	_ =	swait.ge @!p0 [sflag:s8], $0x0  }
0x24: {  	s3 =	sadd.s32 $0x88, s3;
	s6 =	simm.s32 @!p1 $0x1082;
	[sflag:s4] =	ssyncset.s32 $0xFFFFF086  }
0x25: {  	[simem:s6], [sflag:s4] =	dma.local [hbm:s3], $0xF7A  }
0x26: {  	[smem:$0x3F95] =	sst s1;
	(tag) =	ssettag s2;
	_ =	strace s9  }
0x27: {  	s1 =	sld [smem:$0x3FA5]  }
0x28: {  	s2 =	sld [smem:$0x3FA6]  }
0x29: {  	s4 =	sld [smem:$0x3FA8]  }
0x2a: {  	p0 =	seq.s32 s5, $0x0;
	s5 =	sld [smem:$0x3FA9]  }
0x2b: {  	s6 =	sld [smem:$0x3FAA]  }
0x2c: {  	s7 =	sld [smem:$0x3FAB]  }
0x2d: {  	s3 =	simm.s32 $0x108;
	s8 =	sld [smem:$0x3FAC]  }
0x2e: {  	s3 =	simm.s32 @!p0 $0x1082;
	s9 =	sld [smem:$0x3FAD]  }
0x2f: {  	lr =	sadd.s32 s0, s3;
	s0 =	sld [smem:$0x3FA4]  }
0x30: {  	s3 =	sld [smem:$0x3FA7]  }
0x31: {  	[smem:$0x3FB0] =	sst s10  }
0x32: {  	s10 =	sld [smem:$0x3FAE];
	_ =	sdelay $0x3  }
0x33: {  	p0 =	seq.s32 s10, $0x1;
	s10 =	sld [smem:$0x3FB0];
	_ =	sdelay $0x3  }
0x34: {  	[smem:$0x3FB0] =	sst s10  }
0x35: {  	s10 =	sld [smem:$0x3FAF];
	_ =	sdelay $0x3  }
0x36: {  	p1 =	seq.s32 s10, $0x1;
	s10 =	sld [smem:$0x3FB0];
	_ =	sdelay $0x3  }
0x37: {  	[smem:$0x3FB0] =	sst s10  }
0x38: {  	s10 =	sld [smem:$0x3FB1]  }
0x39: {  	_ = 	snop;
	(pc) =	sbr.ind lr, $3  }
0x3a: {  	_ = 	snop  }
0x3b: {  	_ = 	snop  }
0x3c: {  	p2 =	seq.s32 s10, $0x1;
	s10 =	sld [smem:$0x3FB0]  }
0x3d: {  	_ =	shalt  }
0x3e: {  	_ =	shalt  }
0x3f: {  	_ =	shalt  }
0x40: {  	_ =	shalt  }
0x41: {  	_ =	shalt  }
0x42: {  	_ =	shalt  }
0x43: {  	_ =	shalt  }
0x44: {  	_ =	shalt  }
0x45: {  	_ =	shalt  }
0x46: {  	_ =	shalt  }
0x47: {  	_ =	shalt  }
0x48: {  	_ =	shalt  }
0x49: {  	_ =	shalt  }
0x4a: {  	_ =	shalt  }
0x4b: {  	_ =	shalt  }
0x4c: {  	_ =	shalt  }
0x4d: {  	_ =	shalt  }
0x4e: {  	_ =	shalt  }
0x4f: {  	_ =	shalt  }
0x50: {  	_ =	shalt  }
0x51: {  	_ =	shalt  }
0x52: {  	_ =	shalt  }
0x53: {  	_ =	shalt  }
0x54: {  	_ =	shalt  }
0x55: {  	_ =	shalt  }
0x56: {  	_ =	shalt  }
0x57: {  	_ =	shalt  }
0x58: {  	_ =	shalt  }
0x59: {  	_ =	shalt  }
0x5a: {  	_ =	shalt  }
0x5b: {  	_ =	shalt  }
0x5c: {  	_ =	shalt  }
0x5d: {  	_ =	shalt  }
0x5e: {  	_ =	shalt  }
0x5f: {  	_ =	shalt  }
0x60: {  	_ =	shalt  }
0x61: {  	_ =	shalt  }
0x62: {  	_ =	shalt  }
0x63: {  	_ =	shalt  }
0x64: {  	_ =	shalt  }
0x65: {  	_ =	shalt  }
0x66: {  	_ =	shalt  }
0x67: {  	_ =	shalt  }
0x68: {  	_ =	shalt  }
0x69: {  	_ =	shalt  }
0x6a: {  	_ =	shalt  }
0x6b: {  	_ =	shalt  }
0x6c: {  	_ =	shalt  }
0x6d: {  	_ =	shalt  }
0x6e: {  	_ =	shalt  }
0x6f: {  	_ =	shalt  }
0x70: {  	_ =	shalt  }
0x71: {  	_ =	shalt  }
0x72: {  	_ =	shalt  }
0x73: {  	_ =	shalt  }
0x74: {  	_ =	shalt  }
0x75: {  	_ =	shalt  }
0x76: {  	_ =	shalt  }
0x77: {  	_ =	shalt  }
0x78: {  	_ =	shalt  }
0x79: {  	_ =	shalt  }
0x7a: {  	_ =	shalt  }
0x7b: {  	_ =	shalt  }
0x7c: {  	_ =	shalt  }
0x7d: {  	_ =	shalt  }
0x7e: {  	_ =	shalt  }
0x7f: {  	_ =	shalt  }
0x80: {  	_ =	shalt  }
0x81: {  	_ =	shalt  }
0x82: {  	_ =	shalt  }
0x83: {  	_ =	shalt  }
0x84: {  	_ =	shalt  }
0x85: {  	_ =	shalt  }
0x86: {  	_ =	shalt  }
0x87: {  	_ =	shalt  }
.Lfunc_end0:
.L_simem_size_0:
called_computation_lowered:
.L_overlay_start_0:
0x88: {  	s2 =	sld [smem:$0x3FD9]  }
0x89: {  	s3 =	sld [smem:$0x3FFE];
	_ =	sdelay $0x1  }
0x8a: {  	s1 =	srdreg.scid  }
0x8b: {  	s0 =	sand.u32 $0x1, s1  }
0x8c: {  	s14 =	sshll.u32 s0, $0xA;
	s2 =	sadd.s32 s3, s2  }
0x8d: {  	s2 =	sadd.s32 s2, s14  }
0x8e: {  	[smem:$0x3FBC] =	sst s2  }
0x8f: {  	_ = 	snop  }
0x90: {  	s2 =	sld [smem:$0x3FD0];
	_ =	sdelay $0x2  }
0x91: {  	s15 =	simm.s32 $0xA;
	s4 =	simm.s32 $0x10  }
0x92: {  	[smem:s4], [sflag:s15] =	dma.local [hbm:s2], $0x1  }
0x93: {  	_ =	swait.eq [sflag:s15], $0x1  }
0x94: {  	[sflag:s15] =	ssyncset.done $0x0  }
0x95: {  	[sflag:s15] =	ssyncadd.s32 $0xFFFFFFFF  }
0x96: {  	s16 =	sld [smem:$0x11];
	(tm) =	ssettm $0x1  }
0x97: {  	s17 =	sld [smem:$0x3FFB];
	_ =	sdelay $0x3  }
0x98: {  	_ =	strace s17  }
0x99: {  	s3 =	sld [smem:$0x3FFC];
	_ =	sdelay $0x3  }
0x9a: {  	_ =	strace s3  }
0x9b: {  	s3 =	sld [smem:$0x3FFD];
	_ =	sdelay $0x3  }
0x9c: {  	_ =	strace s3  }
0x9d: {  	_ =	strace $0x8FFFFFFF  }
0x9e: {  	s18 =	sld [smem:$0x3FDB];
	_ =	sdelay $0x1  }
0x9f: {  	s19 =	simm.s32 $_scs_section_size  }
0xa0: {  	s5 =	simm.s32 $_size__tile_overlayer_lowered;
	s6 =	simm.s32 $_tile_overlayer_lowered  }
0xa1: {  	s22 =	simm.s32 $0x1BFF;
	s21 =	sshll.u32 s6, $0x1;
	s3 =	sadd.s32 s19, s18  }
0xa2: {  	s7 =	simm.s32 $0x0;
	s20 =	sshll.u32 s5, $0x1;
	s5 =	sadd.s32 s21, s3  }
0xa3: {  	[timem:s7], [sflag:s22] =	dma.local [hbm:s5], s20  }
0xa4: {  	_ =	swait.ge [sflag:s22], s20  }
0xa5: {  	s4 =	ssub.s32 $0x0, s20;
	[sflag:s22] =	ssyncset.done $0x0  }
0xa6: {  	[sflag:s22] =	ssyncadd.s32 s4;
	_ =	sdelay $0x1  }
0xa7: {  	s23 =	simm.s32 $0x1B8B  }
0xa8: {  	_ =	swait.ge [sflag:s23], $0x1  }
0xa9: {  	[sflag:s23] =	ssyncset.done $0x0  }
0xaa: {  	s25 =	simm.s32 $0x1B8E;
	s24 =	sld [smem:$0x3FFE];
	[sflag:s23] =	ssyncadd.s32 $0xFFFFFFFF  }
0xab: {  	s26 =	simm.s32 $execute0_lowered;
	[smem:$0x3FD2] =	sst s25  }
0xac: {  	s5 =	sshll.u32 s26, $0x1;
	_ =	strace $0x80000046;
	[dreg:$0x1] =	wrdreg $0xFFFFFFFF  }
0xad: {  	s28 =	simm.s32 $_size_execute0_lowered;
	s3 =	sadd.s32 s3, s5;
	[dreg:$0x0] =	wrdreg $0x0  }
0xae: {  	s5 =	sshll.u32 s28, $0x1;
	[dreg:$0x2] =	wrdreg s3  }
0xaf: {  	[dreg:$0x3] =	wrdreg s5  }
0xb0: {  	[dreg:$0x4] =	wrdreg $0xC0  }
0xb1: {  	_ =	task [dreg:s7], $0x5FFFF  }
0xb2: {  	[dreg:$0x1] =	wrdreg $0xFFFFFFFF  }
0xb3: {  	[dreg:$0x0] =	wrdreg $0x60  }
0xb4: {  	[dreg:$0x2] =	wrdreg s16  }
0xb5: {  	[dreg:$0x3] =	wrdreg s24  }
0xb6: {  	[dreg:$0x4] =	wrdreg $0x0  }
0xb7: {  	[dreg:$0x5] =	wrdreg $0x9  }
0xb8: {  	_ =	task.clear_ibuf [dreg:s7], $0x6FFFF;
	_ =	strace $0x90000046  }
0xb9: {  	s29 =	simm.s32 $0x9;
	_ =	strace $0x80000048  }
0xba: {  	_ =	swait.ge [sflag:s29], $0x1  }
0xbb: {  	[sflag:s29] =	ssyncadd.s32 $0xFFFFFFFF  }
0xbc: {  	_ =	strace $0x90000048  }
0xbd: {  	_ =	sfence  }
0xbe: {  	s30 =	sld [smem:$0x0];
	_ =	sdelay $0x2  }
0xbf: {  	s31 =	sshll.u32 s1, $0xD;
	s1 =	sshrl.u32 s1, $0x2  }
0xc0: {  	s3 =	sand.u32 $0x4000, s31;
	s1 =	sadd.s32 s1, s30  }
0xc1: {  	s0 =	sor.u32 s3, s0;
	s1 =	sshll.u32 s1, $0x11  }
0xc2: {  	s0 =	sor.u32 s1, s0  }
0xc3: {  	s0 =	sadd.s32 $0x8F2B, s0  }
0xc4: {  	[sflag:s0] =	ssyncadd.remote.s32 $0x1  }
0xc5: {  	_ =	sfence.sel $0xFFFF  }
0xc6: {  	[dreg:$0x0] =	wrdreg $0xFFFFFFFF;
	(pc) =	sbr.abs _section_cstart, $3  }
0xc7: {  	[dreg:$0x1] =	wrdreg $0xFFFFFFFF  }
0xc8: {  	_ =	task.clear_ibuf [dreg:s7], $0x2FFFF;
	_ =	strace $0x9FFFFFFF  }
0xc9: {  	(tm) =	ssettm $0x7FFFFFFF  }
tec
execute0_lowered:
.L_overlay_start_1:
0x0: {  	(tag) =	ssettag $0x1  }
0x1: {  	s7 =	rddreg [dreg:$0x0]  }
0x2: {  	s6 =	rddreg [dreg:$0x1]  }
0x3: {  	s0 =	srdreg.scid;
	s2 =	rddreg [dreg:$0x2]  }
0x4: {  	s1 =	stileid.u32;
	s3 =	simm.s32 $0x0;
	s13 =	simm.s32 $0x14000  }
0x5: {  	s14 =	simm.s32 $0x80;
	s15 =	simm.s32 $0x0;
	s5 =	smul.u32 $0x14000, s1  }
0x6: {  	s8 =	sand.u32 $0x1, s0;
	s0 =	rddreg [dreg:$0x3];
	s11 =	smul.u32 $0x50000, s1  }
0x7: {  	[smem:$0x7FF] =	sst s3;
	s12 =	sshll.u32 s1, $0x6;
	s4 =	smul.u32 $0x140000, s8  }
0x8: {  	_ =	strace $0x80000047;
	s10 =	ssub.s32 $0x2, s8;
	s8 =	sshll.u32 s8, $0x4  }
0x9: {  	s31 =	sshrl.u32 s10, $0x1;
	s8 =	sor.u32 s1, s8;
	s11 =	sshrl.u32 s11, $0x2  }
0xa: {  	s9 =	sadd.s32 s5, s4;
	s4 =	sadd.s32 $0x4000, s6;
	s5 =	sadd.s32 $0x6800, s6  }
0xb: {  	s8 =	smul.u32 $0x500, s8;
	s10 =	ssub.s32 s10, s31;
	s9 =	sshrl.u32 s9, $0x3  }
0xc: {  	s11 =	sadd.s32 s11, s2;
	s9 =	sadd.s32 s9, s6;
	s6 =	sor.u32 $0x1C01, s12  }
0xd: {  	s7 =	sadd.s32 s7, s8;
	s12 =	simm.s32 $0x16800;
	s8 =	sadd.s32 $0x7000, s9  }
0xe: {  	s9 =	smax.u32 s10, $0x1;
	s10 =	sshrl.u32 s11, $0x3;
	s11 =	simm.s32 $0x1  }
.LBB2_1:
0xf: {  	[spmem:s10], [sflag:s6] =	dma.local [hbm:s4], $0x2800  }
0x10: {  	_ =	swait.ge [sflag:s11], $0x2800  }
0x11: {  	[sflag:s11] =	ssyncset.done $0x0  }
0x12: {  	[sflag:s11] =	ssyncadd.s32 $0xFFFFD800  }
0x13: {  	[tilespmem:s12], [sflag:$0x1] =	stream.linear.gather [hbm4b:s5+s3], $0x4000, $0x38;
	[tilespmem:$0x1A800] =	vst v63  }
0x14: {  	_ =	swait.ge [sflag:s11], $0x4000  }
0x15: {  	[sflag:s11] =	ssyncset.done $0x0  }
0x16: {  	[sflag:s11] =	ssyncadd.s32 $0xFFFFC000  }
0x17: {  	[tilespmem:s13], [sflag:$0x1] =	stream.linear.gather [hbm4b:s7+s3], $0x2780, $0x38;
	[tilespmem:$0x1A800] =	vst v63  }
0x18: {  	_ =	swait.ge [sflag:s11], $0x2780  }
0x19: {  	[sflag:s11] =	ssyncset.done $0x0  }
0x1a: {  	[sflag:s11] =	ssyncadd.s32 $0xFFFFD880  }
0x1b: {  	s16 =	simm.s32 $0x14000;
	[bflag:$0x0] =	sbarrier.arrive $0xFFFF  }
0x1c: {  	[spmem:s2] =	stream.indirect.scatter.add.f32 [tilespmem:s12], [sflag:$0x1], $0x80, s16, s14, $0xb8;
	[tilespmem:$0x1A800] =	vst v63  }
0x1d: {  	s16 =	simm.s32 $0x200;
	_ =	swait.ge [sflag:s11], $0x4000  }
.LBB2_2:
0x1e: {  	s17 =	sshra.s32 s16, $0x2;
	[sflag:s11] =	ssyncset.done $0x0;
	p0 =	sne.s32 s16, $0x9C00  }
.Ltmp0:
0x1f: {  	s17 =	sadd.s32 $0x14000, s17;
	[sflag:s11] =	ssyncadd.s32 $0xFFFFC000;
	(pc) =	sbr.rel @p0 .LBB2_2-.Ltmp0, $3  }
0x20: {  	[spmem:s2] =	stream.indirect.scatter.add.f32 [tilespmem:s12], [sflag:$0x1], $0x80, s17, s14, $0xb8;
	[tilespmem:$0x1A800] =	vst v63  }
0x21: {  	s16 =	sadd.s32 $0x200, s16;
	_ =	sdelay $0x1  }
0x22: {  	_ =	swait.ge [sflag:s11], $0x4000  }
0x23: {  	[sflag:s11] =	ssyncset.done $0x0;
	s15 =	sadd.s32 $0x1, s15  }
0x24: {  	[sflag:s11] =	ssyncadd.s32 $0xFFFFC000;
	p0 =	sne.s32 s15, s9  }
.Ltmp1:
0x25: {  	[bflag:$0x0] =	sbarrier.arrive $0xFFFF;
	(pc) =	sbr.rel @p0 .LBB2_1-.Ltmp1, $4  }
0x26: {  	[hbm:s8], [sflag:s6] =	dma.local [spmem:s10], $0x2800  }
0x27: {  	_ =	swait.ge [sflag:s11], $0x2800  }
0x28: {  	[sflag:s11] =	ssyncset.done $0x0  }
0x29: {  	[sflag:s11] =	ssyncadd.s32 $0xFFFFD800  }
0x2a: {  	_ =	sfence.sel $0x180000  }
0x2b: {  	[bflag:$0x0] =	sbarrier.arrive $0xFFFF  }
0x2c: {  	p0 =	sne.s32 s1, $0x0;
	_ =	strace $0x90000047  }
0x2d: {  	s0 =	sadd.s32 @!p0 $0x100000, s0;
	[bflag:$0x2] =	sbarrier.arrive $0xFFFF  }
0x2e: {  	[sflag:s0] =	ssyncadd.tile.s32 @!p0 $0x1;
	_ =	shalt  }
.Lfunc_end2:
_tile_overlayer_lowered:
.L_overlay_start_2:
0x2f: {  	(tag) =	ssettag $0x2  }
0x30: {  	s0 =	rddreg [dreg:$0x0];
	s2 =	stileid.u32  }
0x31: {  	s1 =	rddreg [dreg:$0x1];
	p0 =	sne.s32 s2, $0x0  }
0x32: {  	s3 =	rddreg [dreg:$0x2];
	[bflag:$0x3] =	sbarrier.arrive $0xFFFF;
	s2 =	simm.s32 @!p0 $0x1C01  }
0x33: {  	[timem:s3], [sflag:s2] =	dma.local @!p0 [hbm:s0], s1  }
0x34: {  	s0 =	simm.s32 @!p0 $0x1  }
0x35: {  	_ =	swait.ge @!p0 [sflag:s0], s1  }
0x36: {  	s1 =	ssub.s32 @!p0 $0x0, s1;
	[sflag:s0] =	ssyncset.done @!p0 $0x0  }
0x37: {  	[sflag:s0] =	ssyncadd.s32 @!p0 s1  }
0x38: {  	[bflag:$0x3] =	sbarrier.arrive $0xFFFF  }
0x39: {  	_ =	shalt  }

// kernel: kernel.15.cloned.1.call-start
scs
__scs_entry_jumppad:
0x0: {  	(pc) =	sbr.rel $0x88, $3  }
0x1: {  	(tag) =	ssettag $0x0;
	lr =	simm.s32 $0x1  }
0x2: {  	[smem:$0x3F95] =	sst lr;
	_ =	strace $0xD0000000  }
0x3: {  	_ = 	snop  }
0x4: {  	_ = 	snop  }
0x5: {  	_ = 	snop  }
0x6: {  	_ = 	snop  }
0x7: {  	_ = 	snop  }
__scs_overlays_trampoline_lowered:
0x8: {  	[smem:$0x3FA4] =	sst s0  }
0x9: {  	[smem:$0x3FA5] =	sst s1  }
0xa: {  	[smem:$0x3FA6] =	sst s2  }
0xb: {  	[smem:$0x3FA7] =	sst s3  }
0xc: {  	[smem:$0x3FA8] =	sst s4  }
0xd: {  	[smem:$0x3FA9] =	sst s5  }
0xe: {  	[smem:$0x3FAA] =	sst s6  }
0xf: {  	[smem:$0x3FAB] =	sst s7  }
0x10: {  	[smem:$0x3FAC] =	sst s8  }
0x11: {  	[smem:$0x3FAD] =	sst s9;
	s0 =	simm.s32 @!p0 $0x0  }
0x12: {  	s1 =	sld [smem:$0x3F93];
	s0 =	simm.s32 @p0 $0x1  }
0x13: {  	[smem:$0x3FAE] =	sst s0;
	s0 =	simm.s32 @!p1 $0x0  }
0x14: {  	s2 =	sld [smem:$0x3F92];
	s0 =	simm.s32 @p1 $0x1  }
0x15: {  	[smem:$0x3FAF] =	sst s0;
	s0 =	simm.s32 @!p2 $0x0  }
0x16: {  	s3 =	sld [smem:$0x3FDB];
	s0 =	simm.s32 @p2 $0x1  }
0x17: {  	s4 =	simm.s32 $0x1BF5;
	[smem:$0x3FB1] =	sst s0  }
0x18: {  	s0 =	sld [smem:$0x3F94];
	_ =	swait.ge [sflag:s4], $0x0  }
0x19: {  	s7 =	sld [smem:$0x3F95]  }
0x1a: {  	s8 =	sadd.s32 $0xFFFFE003, lr  }
0x1b: {  	s9 =	sadd.s32 $0xFFFFFEF7, lr;
	s5 =	simm.s32 $0xFFFFFFFF;
	p2 =	slt.u32 s8, $0xFFFFF086  }
0x1c: {  	p1 =	slt.u32 s9, $0xF7A;
	s5 =	simm.s32 @!p2 $0x0  }
0x1d: {  	s5 =	simm.s32 @p1 $0x1;
	p0 =	seq.s32 s7, s2  }
0x1e: {  	s7 =	smul.u32 @!p0 $0xF7A, s2;
	p2 =	seq.s32 @!p0 s5, $0x0  }
0x1f: {  	s9 =	smul.u32 $0xF7A, s1;
	s8 =	simm.s32 @!p0 $0x1BF5;
	p2 =	por !p2, p0  }
0x20: {  	[sflag:s8] =	ssyncset.s32 @!p0 $0xFFFFF086;
	s6 =	sadd.s32 @!p0 s3, s7;
	s7 =	simm.s32 @!p0 $0x108  }
0x21: {  	s3 =	sadd.s32 s3, s9;
	s6 =	sadd.s32 @!p0 $0x88, s6;
	s7 =	simm.s32 @p2 $0x1082  }
0x22: {  	[simem:s7], [sflag:s8] =	dma.local @!p0 [hbm:s6], $0xF7A  }
0x23: {  	s9 =	sor.u32 $0xD0000000, s2;
	s6 =	simm.s32 $0x108;
	_ =	swait.ge @!p0 [sflag:s8], $0x0  }
0x24: {  	s3 =	sadd.s32 $0x88, s3;
	s6 =	simm.s32 @!p1 $0x1082;
	[sflag:s4] =	ssyncset.s32 $0xFFFFF086  }
0x25: {  	[simem:s6], [sflag:s4] =	dma.local [hbm:s3], $0xF7A  }
0x26: {  	[smem:$0x3F95] =	sst s1;
	(tag) =	ssettag s2;
	_ =	strace s9  }
0x27: {  	s1 =	sld [smem:$0x3FA5]  }
0x28: {  	s2 =	sld [smem:$0x3FA6]  }
0x29: {  	s4 =	sld [smem:$0x3FA8]  }
0x2a: {  	p0 =	seq.s32 s5, $0x0;
	s5 =	sld [smem:$0x3FA9]  }
0x2b: {  	s6 =	sld [smem:$0x3FAA]  }
0x2c: {  	s7 =	sld [smem:$0x3FAB]  }
0x2d: {  	s3 =	simm.s32 $0x108;
	s8 =	sld [smem:$0x3FAC]  }
0x2e: {  	s3 =	simm.s32 @!p0 $0x1082;
	s9 =	sld [smem:$0x3FAD]  }
0x2f: {  	lr =	sadd.s32 s0, s3;
	s0 =	sld [smem:$0x3FA4]  }
0x30: {  	s3 =	sld [smem:$0x3FA7]  }
0x31: {  	[smem:$0x3FB0] =	sst s10  }
0x32: {  	s10 =	sld [smem:$0x3FAE];
	_ =	sdelay $0x3  }
0x33: {  	p0 =	seq.s32 s10, $0x1;
	s10 =	sld [smem:$0x3FB0];
	_ =	sdelay $0x3  }
0x34: {  	[smem:$0x3FB0] =	sst s10  }
0x35: {  	s10 =	sld [smem:$0x3FAF];
	_ =	sdelay $0x3  }
0x36: {  	p1 =	seq.s32 s10, $0x1;
	s10 =	sld [smem:$0x3FB0];
	_ =	sdelay $0x3  }
0x37: {  	[smem:$0x3FB0] =	sst s10  }
0x38: {  	s10 =	sld [smem:$0x3FB1]  }
0x39: {  	_ = 	snop;
	(pc) =	sbr.ind lr, $3  }
0x3a: {  	_ = 	snop  }
0x3b: {  	_ = 	snop  }
0x3c: {  	p2 =	seq.s32 s10, $0x1;
	s10 =	sld [smem:$0x3FB0]  }
0x3d: {  	_ =	shalt  }
0x3e: {  	_ =	shalt  }
0x3f: {  	_ =	shalt  }
0x40: {  	_ =	shalt  }
0x41: {  	_ =	shalt  }
0x42: {  	_ =	shalt  }
0x43: {  	_ =	shalt  }
0x44: {  	_ =	shalt  }
0x45: {  	_ =	shalt  }
0x46: {  	_ =	shalt  }
0x47: {  	_ =	shalt  }
0x48: {  	_ =	shalt  }
0x49: {  	_ =	shalt  }
0x4a: {  	_ =	shalt  }
0x4b: {  	_ =	shalt  }
0x4c: {  	_ =	shalt  }
0x4d: {  	_ =	shalt  }
0x4e: {  	_ =	shalt  }
0x4f: {  	_ =	shalt  }
0x50: {  	_ =	shalt  }
0x51: {  	_ =	shalt  }
0x52: {  	_ =	shalt  }
0x53: {  	_ =	shalt  }
0x54: {  	_ =	shalt  }
0x55: {  	_ =	shalt  }
0x56: {  	_ =	shalt  }
0x57: {  	_ =	shalt  }
0x58: {  	_ =	shalt  }
0x59: {  	_ =	shalt  }
0x5a: {  	_ =	shalt  }
0x5b: {  	_ =	shalt  }
0x5c: {  	_ =	shalt  }
0x5d: {  	_ =	shalt  }
0x5e: {  	_ =	shalt  }
0x5f: {  	_ =	shalt  }
0x60: {  	_ =	shalt  }
0x61: {  	_ =	shalt  }
0x62: {  	_ =	shalt  }
0x63: {  	_ =	shalt  }
0x64: {  	_ =	shalt  }
0x65: {  	_ =	shalt  }
0x66: {  	_ =	shalt  }
0x67: {  	_ =	shalt  }
0x68: {  	_ =	shalt  }
0x69: {  	_ =	shalt  }
0x6a: {  	_ =	shalt  }
0x6b: {  	_ =	shalt  }
0x6c: {  	_ =	shalt  }
0x6d: {  	_ =	shalt  }
0x6e: {  	_ =	shalt  }
0x6f: {  	_ =	shalt  }
0x70: {  	_ =	shalt  }
0x71: {  	_ =	shalt  }
0x72: {  	_ =	shalt  }
0x73: {  	_ =	shalt  }
0x74: {  	_ =	shalt  }
0x75: {  	_ =	shalt  }
0x76: {  	_ =	shalt  }
0x77: {  	_ =	shalt  }
0x78: {  	_ =	shalt  }
0x79: {  	_ =	shalt  }
0x7a: {  	_ =	shalt  }
0x7b: {  	_ =	shalt  }
0x7c: {  	_ =	shalt  }
0x7d: {  	_ =	shalt  }
0x7e: {  	_ =	shalt  }
0x7f: {  	_ =	shalt  }
0x80: {  	_ =	shalt  }
0x81: {  	_ =	shalt  }
0x82: {  	_ =	shalt  }
0x83: {  	_ =	shalt  }
0x84: {  	_ =	shalt  }
0x85: {  	_ =	shalt  }
0x86: {  	_ =	shalt  }
0x87: {  	_ =	shalt  }
.Lfunc_end0:
.L_simem_size_0:
called_computation.1_lowered:
.L_overlay_start_0:
0x88: {  	s2 =	sld [smem:$0x3FD9]  }
0x89: {  	s3 =	sld [smem:$0x3FFE];
	_ =	sdelay $0x1  }
0x8a: {  	s1 =	srdreg.scid  }
0x8b: {  	s0 =	sand.u32 $0x1, s1  }
0x8c: {  	s14 =	sshll.u32 s0, $0xA;
	s2 =	sadd.s32 s3, s2  }
0x8d: {  	s2 =	sadd.s32 s2, s14  }
0x8e: {  	[smem:$0x3FBC] =	sst s2  }
0x8f: {  	_ = 	snop  }
0x90: {  	s2 =	sld [smem:$0x3FD0];
	_ =	sdelay $0x2  }
0x91: {  	s15 =	simm.s32 $0xA;
	s4 =	simm.s32 $0x10  }
0x92: {  	[smem:s4], [sflag:s15] =	dma.local [hbm:s2], $0x1  }
0x93: {  	_ =	swait.eq [sflag:s15], $0x1  }
0x94: {  	[sflag:s15] =	ssyncset.done $0x0  }
0x95: {  	s16 =	sld [smem:$0x10];
	[sflag:s15] =	ssyncadd.s32 $0xFFFFFFFF  }
0x96: {  	s17 =	sld [smem:$0x11];
	(tm) =	ssettm $0x1  }
0x97: {  	s18 =	sld [smem:$0x3FFB];
	_ =	sdelay $0x3  }
0x98: {  	_ =	strace s18  }
0x99: {  	s4 =	sld [smem:$0x3FFC];
	_ =	sdelay $0x3  }
0x9a: {  	_ =	strace s4  }
0x9b: {  	s4 =	sld [smem:$0x3FFD];
	_ =	sdelay $0x3  }
0x9c: {  	_ =	strace s4  }
0x9d: {  	_ =	strace $0x8FFFFFFF  }
0x9e: {  	s19 =	sld [smem:$0x3FDB];
	_ =	sdelay $0x1  }
0x9f: {  	s5 =	simm.s32 $_scs_section_size  }
0xa0: {  	s6 =	simm.s32 $_size__tile_overlayer_lowered;
	s7 =	simm.s32 $_tile_overlayer_lowered  }
0xa1: {  	s22 =	simm.s32 $0x1BFF;
	s21 =	sshll.u32 s7, $0x1;
	s4 =	sadd.s32 s5, s19  }
0xa2: {  	s8 =	simm.s32 $0x0;
	s20 =	sshll.u32 s6, $0x1;
	s6 =	sadd.s32 s21, s4  }
0xa3: {  	[timem:s8], [sflag:s22] =	dma.local [hbm:s6], s20  }
0xa4: {  	_ =	swait.ge [sflag:s22], s20  }
0xa5: {  	s5 =	ssub.s32 $0x0, s20;
	[sflag:s22] =	ssyncset.done $0x0  }
0xa6: {  	[sflag:s22] =	ssyncadd.s32 s5;
	_ =	sdelay $0x1  }
0xa7: {  	s23 =	simm.s32 $0x1B8B  }
0xa8: {  	_ =	swait.ge [sflag:s23], $0x1  }
0xa9: {  	[sflag:s23] =	ssyncset.done $0x0  }
0xaa: {  	s25 =	simm.s32 $0x1B8E;
	s24 =	sld [smem:$0x3FFE];
	[sflag:s23] =	ssyncadd.s32 $0xFFFFFFFF  }
0xab: {  	s26 =	simm.s32 $execute0_lowered;
	[smem:$0x3FD2] =	sst s25  }
0xac: {  	s6 =	sshll.u32 s26, $0x1;
	_ =	strace $0x80000049;
	[dreg:$0x1] =	wrdreg $0xFFFFFFFF  }
0xad: {  	s28 =	simm.s32 $_size_execute0_lowered;
	s4 =	sadd.s32 s4, s6;
	[dreg:$0x0] =	wrdreg $0x0  }
0xae: {  	s6 =	sshll.u32 s28, $0x1;
	[dreg:$0x2] =	wrdreg s4  }
0xaf: {  	[dreg:$0x3] =	wrdreg s6  }
0xb0: {  	[dreg:$0x4] =	wrdreg $0xC0  }
0xb1: {  	_ =	task [dreg:s8], $0x5FFFF  }
0xb2: {  	[dreg:$0x1] =	wrdreg $0xFFFFFFFF  }
0xb3: {  	[dreg:$0x0] =	wrdreg $0x60  }
0xb4: {  	[dreg:$0x2] =	wrdreg s24  }
0xb5: {  	[dreg:$0x3] =	wrdreg s16  }
0xb6: {  	[dreg:$0x4] =	wrdreg s17  }
0xb7: {  	[dreg:$0x5] =	wrdreg $0x0  }
0xb8: {  	[dreg:$0x6] =	wrdreg $0x9  }
0xb9: {  	_ =	task.clear_ibuf [dreg:s8], $0x7FFFF;
	_ =	strace $0x90000049  }
0xba: {  	s29 =	simm.s32 $0x9;
	_ =	strace $0x8000004B  }
0xbb: {  	_ =	swait.ge [sflag:s29], $0x1  }
0xbc: {  	[sflag:s29] =	ssyncadd.s32 $0xFFFFFFFF  }
0xbd: {  	_ =	strace $0x9000004B  }
0xbe: {  	_ =	sfence  }
0xbf: {  	s30 =	sld [smem:$0x0];
	_ =	sdelay $0x2  }
0xc0: {  	s31 =	sshll.u32 s1, $0xD;
	s1 =	sshrl.u32 s1, $0x2  }
0xc1: {  	s3 =	sand.u32 $0x4000, s31;
	s1 =	sadd.s32 s1, s30  }
0xc2: {  	s0 =	sor.u32 s3, s0;
	s1 =	sshll.u32 s1, $0x11  }
0xc3: {  	s0 =	sor.u32 s1, s0  }
0xc4: {  	s0 =	sadd.s32 $0x8F2B, s0  }
0xc5: {  	[sflag:s0] =	ssyncadd.remote.s32 $0x1  }
0xc6: {  	_ =	sfence.sel $0xFFFF  }
0xc7: {  	[dreg:$0x0] =	wrdreg $0xFFFFFFFF;
	(pc) =	sbr.abs _section_cstart, $3  }
0xc8: {  	[dreg:$0x1] =	wrdreg $0xFFFFFFFF  }
0xc9: {  	_ =	task.clear_ibuf [dreg:s8], $0x2FFFF;
	_ =	strace $0x9FFFFFFF  }
0xca: {  	(tm) =	ssettm $0x7FFFFFFF  }
0xcb: {  	_ =	shalt  }
tec
execute0_lowered:
.L_overlay_start_1:
0x0: {  	(tag) =	ssettag $0x1  }
0x1: {  	s5 =	rddreg [dreg:$0x0]  }
0x2: {  	s6 =	rddreg [dreg:$0x1]  }
0x3: {  	s7 =	rddreg [dreg:$0x2]  }
0x4: {  	s1 =	rddreg [dreg:$0x3]  }
0x5: {  	s0 =	rddreg [dreg:$0x4]  }
0x6: {  	s3 =	simm.s32 $0x0;
	s2 =	srdreg.scid;
	s16 =	simm.s32 $0x19000  }
0x7: {  	s17 =	simm.s32 $0x0;
	[smem:$0x7FF] =	sst s3;
	s10 =	sand.u32 $0x1, s2  }
0x8: {  	s2 =	stileid.u32;
	s4 =	sadd.s32 $0x6800, s5;
	s8 =	smul.u32 $0x140000, s10  }
0x9: {  	s13 =	sadd.s32 $0x4000, s5;
	_ =	strace $0x8000004A;
	s9 =	smul.u32 $0x14000, s2  }
0xa: {  	s11 =	sshll.u32 s10, $0x4;
	s29 =	ssub.s32 $0x2, s10;
	s14 =	smul.u32 $0x50000, s2  }
0xb: {  	s30 =	smul.u32 $0x2800, s2;
	p0 =	sne.s32 s10, $0x0;
	s10 =	simm.s32 $0x14000  }
0xc: {  	s15 =	sshll.u32 s2, $0x6;
	s11 =	sor.u32 s2, s11;
	s12 =	sshrl.u32 s29, $0x1  }
0xd: {  	s8 =	sadd.s32 s9, s8;
	s11 =	smul.u32 $0x500, s11;
	s9 =	ssub.s32 s29, s12  }
0xe: {  	s31 =	sshrl.u32 s14, $0x2;
	s12 =	simm.s32 $0x16800;
	s8 =	sshrl.u32 s8, $0x3  }
0xf: {  	s14 =	sadd.s32 s31, s1;
	s9 =	smax.u32 s9, $0x1;
	s8 =	sadd.s32 s8, s5  }
0x10: {  	s5 =	sadd.s32 s6, s11;
	s6 =	sadd.s32 s7, s11;
	s7 =	sadd.s32 s4, s30  }
0x11: {  	s11 =	simm.s32 $0x1;
	s14 =	sshrl.u32 s14, $0x3;
	s8 =	sadd.s32 $0x2E800, s8  }
0x12: {  	s7 =	smov.u32 @p0 s13;
	s13 =	sor.u32 $0x1C01, s15;
	s15 =	simm.s32 $0x80  }
.LBB2_1:
0x13: {  	[tilespmem:s10], [sflag:$0x1] =	stream.linear.gather [hbm4b:s5+s3], $0x2780, $0x38;
	[tilespmem:$0x1D000] =	vst v63  }
0x14: {  	_ =	swait.ge [sflag:s11], $0x2780  }
0x15: {  	[sflag:s11] =	ssyncset.done $0x0  }
0x16: {  	[sflag:s11] =	ssyncadd.s32 $0xFFFFD880  }
0x17: {  	[tilespmem:s12], [sflag:$0x1] =	stream.linear.gather [hbm4b:s6+s3], $0x2780, $0x38;
	[tilespmem:$0x1D000] =	vst v63  }
0x18: {  	_ =	swait.ge [sflag:s11], $0x2780  }
0x19: {  	[sflag:s11] =	ssyncset.done $0x0  }
0x1a: {  	[sflag:s11] =	ssyncadd.s32 $0xFFFFD880  }
0x1b: {  	[spmem:s14], [sflag:s13] =	dma.local [hbm:s7], $0x2800  }
0x1c: {  	_ =	swait.ge [sflag:s11], $0x2800  }
0x1d: {  	[sflag:s11] =	ssyncset.done $0x0  }
0x1e: {  	[sflag:s11] =	ssyncadd.s32 $0xFFFFD800  }
0x1f: {  	s18 =	simm.s32 $0x14000;
	[bflag:$0x0] =	sbarrier.arrive $0xFFFF  }
0x20: {  	[tilespmem:s16], [sflag:$0x1] =	stream.indirect.gather [hbm4b:s4+s15], $0x80, s18, s15, $0xb8;
	[tilespmem:$0x1D000] =	vst v63  }
0x21: {  	_ =	swait.ge [sflag:s11], $0x4000  }
0x22: {  	[sflag:s11] =	ssyncset.done $0x0  }
0x23: {  	s31 =	simm.s32 $0x16800;
	[sflag:s11] =	ssyncadd.s32 $0xFFFFC000  }
0x24: {  	[spmem:s1] =	stream.indirect.scatter.add.f32 [tilespmem:s16], [sflag:$0x1], $0x80, s31, s15, $0xb8;
	[tilespmem:$0x1D000] =	vst v63  }
0x25: {  	_ =	swait.ge [sflag:s11], $0x4000  }
0x26: {  	s19 =	simm.s32 $0x400;
	s18 =	simm.s32 $0x80;
	[sflag:s11] =	ssyncset.done $0x0  }
.LBB2_2:
0x27: {  	s20 =	sadd.s32 $0x14000, s18  }
0x28: {  	[sflag:s11] =	ssyncadd.s32 $0xFFFFC000;
	s21 =	smov.u32 s19;
	s22 =	sadd.s32 $0x200, s19  }
0x29: {  	[tilespmem:s16], [sflag:$0x1] =	stream.indirect.gather [hbm4b:s4+s15], $0x80, s20, s15, $0xb8;
	[tilespmem:$0x1D000] =	vst v63  }
0x2a: {  	p0 =	sne.s32 s19, $0x9C00;
	_ =	swait.ge [sflag:s11], $0x4000  }
.Ltmp0:
0x2b: {  	[sflag:s11] =	ssyncset.done $0x0;
	(pc) =	sbr.rel @p0 .LBB2_2-.Ltmp0, $4  }
0x2c: {  	s18 =	sadd.s32 $0x16800, s18;
	[sflag:s11] =	ssyncadd.s32 $0xFFFFC000  }
0x2d: {  	[spmem:s1] =	stream.indirect.scatter.add.f32 [tilespmem:s16], [sflag:$0x1], $0x80, s18, s15, $0xb8;
	[tilespmem:$0x1D000] =	vst v63  }
0x2e: {  	_ =	swait.ge [sflag:s11], $0x4000  }
0x2f: {  	s19 =	smov.u32 s22;
	s18 =	sshra.s32 s21, $0x2;
	[sflag:s11] =	ssyncset.done $0x0  }
0x30: {  	s19 =	sadd.s32 $0x14000, s18;
	[sflag:s11] =	ssyncadd.s32 $0xFFFFC000  }
0x31: {  	[tilespmem:s16], [sflag:$0x1] =	stream.indirect.gather [hbm4b:s4+s15], $0x80, s19, s15, $0xb8;
	[tilespmem:$0x1D000] =	vst v63  }
0x32: {  	_ =	swait.ge [sflag:s11], $0x4000  }
0x33: {  	[sflag:s11] =	ssyncset.done $0x0  }
0x34: {  	s31 =	sadd.s32 $0x16800, s18;
	[sflag:s11] =	ssyncadd.s32 $0xFFFFC000  }
0x35: {  	[spmem:s1] =	stream.indirect.scatter.add.f32 [tilespmem:s16], [sflag:$0x1], $0x80, s31, s15, $0xb8;
	[tilespmem:$0x1D000] =	vst v63  }
0x36: {  	_ =	swait.ge [sflag:s11], $0x4000  }
0x37: {  	[sflag:s11] =	ssyncset.done $0x0  }
0x38: {  	s17 =	sadd.s32 $0x1, s17;
	[sflag:s11] =	ssyncadd.s32 $0xFFFFC000  }
0x39: {  	p0 =	sne.s32 s17, s9;
	[bflag:$0x0] =	sbarrier.arrive $0xFFFF  }
0x3a: {  	[hbm:s8], [sflag:s13] =	dma.local [spmem:s14], $0x2800  }
.Ltmp1:
0x3b: {  	_ =	swait.ge [sflag:s11], $0x2800;
	(pc) =	sbr.rel @p0 .LBB2_1-.Ltmp1, $3  }
0x3c: {  	[sflag:s11] =	ssyncset.done $0x0  }
0x3d: {  	[sflag:s11] =	ssyncadd.s32 $0xFFFFD800  }
0x3e: {  	[bflag:$0x0] =	sbarrier.arrive $0xFFFF;
	_ =	sdelay $0x1  }
0x3f: {  	_ =	sfence.sel $0x180000  }
0x40: {  	[bflag:$0x0] =	sbarrier.arrive $0xFFFF  }
0x41: {  	p0 =	sne.s32 s2, $0x0;
	_ =	strace $0x9000004A  }
0x42: {  	s0 =	sadd.s32 @!p0 $0x100000, s0;
	[bflag:$0x2] =	sbarrier.arrive $0xFFFF  }
0x43: {  	[sflag:s0] =	ssyncadd.tile.s32 @!p0 $0x1;
	_ =	shalt  }
.Lfunc_end2:
_tile_overlayer_lowered:
.L_overlay_start_2:
0x44: {  	(tag) =	ssettag $0x2  }
0x45: {  	s0 =	rddreg [dreg:$0x0];
	s2 =	stileid.u32  }
0x46: {  	s1 =	rddreg [dreg:$0x1];
	p0 =	sne.s32 s2, $0x0  }
0x47: {  	s3 =	rddreg [dreg:$0x2];
	[bflag:$0x3] =	sbarrier.arrive $0xFFFF;
	s2 =	simm.s32 @!p0 $0x1C01  }
0x48: {  	[timem:s3], [sflag:s2] =	dma.local @!p0 [hbm:s0], s1  }
0x49: {  	s0 =	simm.s32 @!p0 $0x1  }
0x4a: {  	_ =	swait.ge @!p0 [sflag:s0], s1  }
0x4b: {  	s1 =	ssub.s32 @!p0 $0x0, s1;
	[sflag:s0] =	ssyncset.done @!p0 $0x0  }
0x4c: {  	[sflag:s0] =	ssyncadd.s32 @!p0 s1  }
0x4d: {  	[bflag:$0x3] =	sbarrier.arrive $0xFFFF  }
0x4e: {  	_ =	shalt  }

// kernel: kernel.18.cloned.1.call-start
scs
__scs_entry_jumppad:
0x0: {  	(pc) =	sbr.rel $0x88, $3  }
0x1: {  	(tag) =	ssettag $0x0;
	lr =	simm.s32 $0x1  }
0x2: {  	[smem:$0x3F95] =	sst lr;
	_ =	strace $0xD0000000  }
0x3: {  	_ = 	snop  }
0x4: {  	_ = 	snop  }
0x5: {  	_ = 	snop  }
0x6: {  	_ = 	snop  }
0x7: {  	_ = 	snop  }
__scs_overlays_trampoline_lowered:
0x8: {  	[smem:$0x3FA4] =	sst s0  }
0x9: {  	[smem:$0x3FA5] =	sst s1  }
0xa: {  	[smem:$0x3FA6] =	sst s2  }
0xb: {  	[smem:$0x3FA7] =	sst s3  }
0xc: {  	[smem:$0x3FA8] =	sst s4  }
0xd: {  	[smem:$0x3FA9] =	sst s5  }
0xe: {  	[smem:$0x3FAA] =	sst s6  }
0xf: {  	[smem:$0x3FAB] =	sst s7  }
0x10: {  	[smem:$0x3FAC] =	sst s8  }
0x11: {  	[smem:$0x3FAD] =	sst s9;
	s0 =	simm.s32 @!p0 $0x0  }
0x12: {  	s1 =	sld [smem:$0x3F93];
	s0 =	simm.s32 @p0 $0x1  }
0x13: {  	[smem:$0x3FAE] =	sst s0;
	s0 =	simm.s32 @!p1 $0x0  }
0x14: {  	s2 =	sld [smem:$0x3F92];
	s0 =	simm.s32 @p1 $0x1  }
0x15: {  	[smem:$0x3FAF] =	sst s0;
	s0 =	simm.s32 @!p2 $0x0  }
0x16: {  	s3 =	sld [smem:$0x3FDB];
	s0 =	simm.s32 @p2 $0x1  }
0x17: {  	s4 =	simm.s32 $0x1BF5;
	[smem:$0x3FB1] =	sst s0  }
0x18: {  	s0 =	sld [smem:$0x3F94];
	_ =	swait.ge [sflag:s4], $0x0  }
0x19: {  	s7 =	sld [smem:$0x3F95]  }
0x1a: {  	s8 =	sadd.s32 $0xFFFFE003, lr  }
0x1b: {  	s9 =	sadd.s32 $0xFFFFFEF7, lr;
	s5 =	simm.s32 $0xFFFFFFFF;
	p2 =	slt.u32 s8, $0xFFFFF086  }
0x1c: {  	p1 =	slt.u32 s9, $0xF7A;
	s5 =	simm.s32 @!p2 $0x0  }
0x1d: {  	s5 =	simm.s32 @p1 $0x1;
	p0 =	seq.s32 s7, s2  }
0x1e: {  	s7 =	smul.u32 @!p0 $0xF7A, s2;
	p2 =	seq.s32 @!p0 s5, $0x0  }
0x1f: {  	s9 =	smul.u32 $0xF7A, s1;
	s8 =	simm.s32 @!p0 $0x1BF5;
	p2 =	por !p2, p0  }
0x20: {  	[sflag:s8] =	ssyncset.s32 @!p0 $0xFFFFF086;
	s6 =	sadd.s32 @!p0 s3, s7;
	s7 =	simm.s32 @!p0 $0x108  }
0x21: {  	s3 =	sadd.s32 s3, s9;
	s6 =	sadd.s32 @!p0 $0x88, s6;
	s7 =	simm.s32 @p2 $0x1082  }
0x22: {  	[simem:s7], [sflag:s8] =	dma.local @!p0 [hbm:s6], $0xF7A  }
0x23: {  	s9 =	sor.u32 $0xD0000000, s2;
	s6 =	simm.s32 $0x108;
	_ =	swait.ge @!p0 [sflag:s8], $0x0  }
0x24: {  	s3 =	sadd.s32 $0x88, s3;
	s6 =	simm.s32 @!p1 $0x1082;
	[sflag:s4] =	ssyncset.s32 $0xFFFFF086  }
0x25: {  	[simem:s6], [sflag:s4] =	dma.local [hbm:s3], $0xF7A  }
0x26: {  	[smem:$0x3F95] =	sst s1;
	(tag) =	ssettag s2;
	_ =	strace s9  }
0x27: {  	s1 =	sld [smem:$0x3FA5]  }
0x28: {  	s2 =	sld [smem:$0x3FA6]  }
0x29: {  	s4 =	sld [smem:$0x3FA8]  }
0x2a: {  	p0 =	seq.s32 s5, $0x0;
	s5 =	sld [smem:$0x3FA9]  }
0x2b: {  	s6 =	sld [smem:$0x3FAA]  }
0x2c: {  	s7 =	sld [smem:$0x3FAB]  }
0x2d: {  	s3 =	simm.s32 $0x108;
	s8 =	sld [smem:$0x3FAC]  }
0x2e: {  	s3 =	simm.s32 @!p0 $0x1082;
	s9 =	sld [smem:$0x3FAD]  }
0x2f: {  	lr =	sadd.s32 s0, s3;
	s0 =	sld [smem:$0x3FA4]  }
0x30: {  	s3 =	sld [smem:$0x3FA7]  }
0x31: {  	[smem:$0x3FB0] =	sst s10  }
0x32: {  	s10 =	sld [smem:$0x3FAE];
	_ =	sdelay $0x3  }
0x33: {  	p0 =	seq.s32 s10, $0x1;
	s10 =	sld [smem:$0x3FB0];
	_ =	sdelay $0x3  }
0x34: {  	[smem:$0x3FB0] =	sst s10  }
0x35: {  	s10 =	sld [smem:$0x3FAF];
	_ =	sdelay $0x3  }
0x36: {  	p1 =	seq.s32 s10, $0x1;
	s10 =	sld [smem:$0x3FB0];
	_ =	sdelay $0x3  }
0x37: {  	[smem:$0x3FB0] =	sst s10  }
0x38: {  	s10 =	sld [smem:$0x3FB1]  }
0x39: {  	_ = 	snop;
	(pc) =	sbr.ind lr, $3  }
0x3a: {  	_ = 	snop  }
0x3b: {  	_ = 	snop  }
0x3c: {  	p2 =	seq.s32 s10, $0x1;
	s10 =	sld [smem:$0x3FB0]  }
0x3d: {  	_ =	shalt  }
0x3e: {  	_ =	shalt  }
0x3f: {  	_ =	shalt  }
0x40: {  	_ =	shalt  }
0x41: {  	_ =	shalt  }
0x42: {  	_ =	shalt  }
0x43: {  	_ =	shalt  }
0x44: {  	_ =	shalt  }
0x45: {  	_ =	shalt  }
0x46: {  	_ =	shalt  }
0x47: {  	_ =	shalt  }
0x48: {  	_ =	shalt  }
0x49: {  	_ =	shalt  }
0x4a: {  	_ =	shalt  }
0x4b: {  	_ =	shalt  }
0x4c: {  	_ =	shalt  }
0x4d: {  	_ =	shalt  }
0x4e: {  	_ =	shalt  }
0x4f: {  	_ =	shalt  }
0x50: {  	_ =	shalt  }
0x51: {  	_ =	shalt  }
0x52: {  	_ =	shalt  }
0x53: {  	_ =	shalt  }
0x54: {  	_ =	shalt  }
0x55: {  	_ =	shalt  }
0x56: {  	_ =	shalt  }
0x57: {  	_ =	shalt  }
0x58: {  	_ =	shalt  }
0x59: {  	_ =	shalt  }
0x5a: {  	_ =	shalt  }
0x5b: {  	_ =	shalt  }
0x5c: {  	_ =	shalt  }
0x5d: {  	_ =	shalt  }
0x5e: {  	_ =	shalt  }
0x5f: {  	_ =	shalt  }
0x60: {  	_ =	shalt  }
0x61: {  	_ =	shalt  }
0x62: {  	_ =	shalt  }
0x63: {  	_ =	shalt  }
0x64: {  	_ =	shalt  }
0x65: {  	_ =	shalt  }
0x66: {  	_ =	shalt  }
0x67: {  	_ =	shalt  }
0x68: {  	_ =	shalt  }
0x69: {  	_ =	shalt  }
0x6a: {  	_ =	shalt  }
0x6b: {  	_ =	shalt  }
0x6c: {  	_ =	shalt  }
0x6d: {  	_ =	shalt  }
0x6e: {  	_ =	shalt  }
0x6f: {  	_ =	shalt  }
0x70: {  	_ =	shalt  }
0x71: {  	_ =	shalt  }
0x72: {  	_ =	shalt  }
0x73: {  	_ =	shalt  }
0x74: {  	_ =	shalt  }
0x75: {  	_ =	shalt  }
0x76: {  	_ =	shalt  }
0x77: {  	_ =	shalt  }
0x78: {  	_ =	shalt  }
0x79: {  	_ =	shalt  }
0x7a: {  	_ =	shalt  }
0x7b: {  	_ =	shalt  }
0x7c: {  	_ =	shalt  }
0x7d: {  	_ =	shalt  }
0x7e: {  	_ =	shalt  }
0x7f: {  	_ =	shalt  }
0x80: {  	_ =	shalt  }
0x81: {  	_ =	shalt  }
0x82: {  	_ =	shalt  }
0x83: {  	_ =	shalt  }
0x84: {  	_ =	shalt  }
0x85: {  	_ =	shalt  }
0x86: {  	_ =	shalt  }
0x87: {  	_ =	shalt  }
.Lfunc_end0:
.L_simem_size_0:
called_computation.2_lowered:
.L_overlay_start_0:
0x88: {  	s2 =	sld [smem:$0x3FD9]  }
0x89: {  	s3 =	sld [smem:$0x3FFE];
	_ =	sdelay $0x1  }
0x8a: {  	s1 =	srdreg.scid  }
0x8b: {  	s0 =	sand.u32 $0x1, s1  }
0x8c: {  	s14 =	sshll.u32 s0, $0xA;
	s2 =	sadd.s32 s3, s2  }
0x8d: {  	s2 =	sadd.s32 s2, s14  }
0x8e: {  	[smem:$0x3FBC] =	sst s2  }
0x8f: {  	_ = 	snop  }
0x90: {  	s2 =	sld [smem:$0x3FD0];
	_ =	sdelay $0x2  }
0x91: {  	s15 =	simm.s32 $0xA;
	s4 =	simm.s32 $0x10  }
0x92: {  	[smem:s4], [sflag:s15] =	dma.local [hbm:s2], $0x1  }
0x93: {  	_ =	swait.eq [sflag:s15], $0x1  }
0x94: {  	[sflag:s15] =	ssyncset.done $0x0  }
0x95: {  	s16 =	sld [smem:$0x10];
	[sflag:s15] =	ssyncadd.s32 $0xFFFFFFFF  }
0x96: {  	s17 =	sld [smem:$0x11];
	(tm) =	ssettm $0x1  }
0x97: {  	s18 =	sld [smem:$0x3FFB];
	_ =	sdelay $0x3  }
0x98: {  	_ =	strace s18  }
0x99: {  	s4 =	sld [smem:$0x3FFC];
	_ =	sdelay $0x3  }
0x9a: {  	_ =	strace s4  }
0x9b: {  	s4 =	sld [smem:$0x3FFD];
	_ =	sdelay $0x3  }
0x9c: {  	_ =	strace s4  }
0x9d: {  	_ =	strace $0x8FFFFFFF  }
0x9e: {  	s19 =	sld [smem:$0x3FDB];
	_ =	sdelay $0x1  }
0x9f: {  	s5 =	simm.s32 $_scs_section_size  }
0xa0: {  	s6 =	simm.s32 $_size__tile_overlayer_lowered;
	s7 =	simm.s32 $_tile_overlayer_lowered  }
0xa1: {  	s22 =	simm.s32 $0x1BFF;
	s21 =	sshll.u32 s7, $0x1;
	s4 =	sadd.s32 s5, s19  }
0xa2: {  	s8 =	simm.s32 $0x0;
	s20 =	sshll.u32 s6, $0x1;
	s6 =	sadd.s32 s21, s4  }
0xa3: {  	[timem:s8], [sflag:s22] =	dma.local [hbm:s6], s20  }
0xa4: {  	_ =	swait.ge [sflag:s22], s20  }
0xa5: {  	s5 =	ssub.s32 $0x0, s20;
	[sflag:s22] =	ssyncset.done $0x0  }
0xa6: {  	[sflag:s22] =	ssyncadd.s32 s5;
	_ =	sdelay $0x1  }
0xa7: {  	s23 =	simm.s32 $0x1B8B  }
0xa8: {  	_ =	swait.ge [sflag:s23], $0x1  }
0xa9: {  	[sflag:s23] =	ssyncset.done $0x0  }
0xaa: {  	s25 =	simm.s32 $0x1B8E;
	s24 =	sld [smem:$0x3FFE];
	[sflag:s23] =	ssyncadd.s32 $0xFFFFFFFF  }
0xab: {  	s26 =	simm.s32 $execute0_lowered;
	[smem:$0x3FD2] =	sst s25  }
0xac: {  	s6 =	sshll.u32 s26, $0x1;
	_ =	strace $0x8000004C;
	[dreg:$0x1] =	wrdreg $0xFFFFFFFF  }
0xad: {  	s28 =	simm.s32 $_size_execute0_lowered;
	s4 =	sadd.s32 s4, s6;
	[dreg:$0x0] =	wrdreg $0x0  }
0xae: {  	s6 =	sshll.u32 s28, $0x1;
	[dreg:$0x2] =	wrdreg s4  }
0xaf: {  	[dreg:$0x3] =	wrdreg s6  }
0xb0: {  	[dreg:$0x4] =	wrdreg $0xC0  }
0xb1: {  	_ =	task [dreg:s8], $0x5FFFF  }
0xb2: {  	[dreg:$0x1] =	wrdreg $0xFFFFFFFF  }
0xb3: {  	[dreg:$0x0] =	wrdreg $0x60  }
0xb4: {  	[dreg:$0x2] =	wrdreg s24  }
0xb5: {  	[dreg:$0x3] =	wrdreg s16  }
0xb6: {  	[dreg:$0x4] =	wrdreg s17  }
0xb7: {  	[dreg:$0x5] =	wrdreg $0x0  }
0xb8: {  	[dreg:$0x6] =	wrdreg $0x9  }
0xb9: {  	_ =	task.clear_ibuf [dreg:s8], $0x7FFFF;
	_ =	strace $0x9000004C  }
0xba: {  	s29 =	simm.s32 $0x9;
	_ =	strace $0x8000004E  }
0xbb: {  	_ =	swait.ge [sflag:s29], $0x1  }
0xbc: {  	[sflag:s29] =	ssyncadd.s32 $0xFFFFFFFF  }
0xbd: {  	_ =	strace $0x9000004E  }
0xbe: {  	_ =	sfence  }
0xbf: {  	s30 =	sld [smem:$0x0];
	_ =	sdelay $0x2  }
0xc0: {  	s31 =	sshll.u32 s1, $0xD;
	s1 =	sshrl.u32 s1, $0x2  }
0xc1: {  	s3 =	sand.u32 $0x4000, s31;
	s1 =	sadd.s32 s1, s30  }
0xc2: {  	s0 =	sor.u32 s3, s0;
	s1 =	sshll.u32 s1, $0x11  }
0xc3: {  	s0 =	sor.u32 s1, s0  }
0xc4: {  	s0 =	sadd.s32 $0x8F2B, s0  }
0xc5: {  	[sflag:s0] =	ssyncadd.remote.s32 $0x1  }
0xc6: {  	_ =	sfence.sel $0xFFFF  }
0xc7: {  	[dreg:$0x0] =	wrdreg $0xFFFFFFFF;
	(pc) =	sbr.abs _section_cstart, $3  }
0xc8: {  	[dreg:$0x1] =	wrdreg $0xFFFFFFFF  }
0xc9: {  	_ =	task.clear_ibuf [dreg:s8], $0x2FFFF;
	_ =	strace $0x9FFFFFFF  }
0xca: {  	(tm) =	ssettm $0x7FFFFFFF  }
0xcb: {  	_ =	shalt  }
tec
execute0_lowered:
.L_overlay_start_1:
0x0: {  	(tag) =	ssettag $0x1  }
0x1: {  	s6 =	rddreg [dreg:$0x0]  }
0x2: {  	s7 =	rddreg [dreg:$0x1]  }
0x3: {  	s8 =	rddreg [dreg:$0x2]  }
0x4: {  	s2 =	rddreg [dreg:$0x3]  }
0x5: {  	s0 =	rddreg [dreg:$0x4]  }
0x6: {  	s4 =	srdreg.scid;
	s1 =	stileid.u32  }
0x7: {  	s3 =	simm.s32 $0x0;
	s18 =	simm.s32 $0x80;
	s19 =	simm.s32 $0x19000  }
0x8: {  	s13 =	sand.u32 $0x1, s4;
	s10 =	smul.u32 $0x14000, s1;
	[smem:$0x7FF] =	sst s3  }
0x9: {  	s4 =	sadd.s32 $0x2E800, s6;
	s5 =	sadd.s32 $0x6800, s6;
	s14 =	smul.u32 $0x50000, s1  }
0xa: {  	s20 =	sadd.s32 $0x4000, s6;
	s31 =	smul.u32 $0x2800, s1;
	s16 =	sshll.u32 s1, $0x6  }
0xb: {  	s9 =	smul.u32 $0x140000, s13;
	_ =	strace $0x8000004D;
	s11 =	sshll.u32 s13, $0x4  }
0xc: {  	s12 =	ssub.s32 $0x2, s13;
	p0 =	sne.s32 s13, $0x0;
	s13 =	simm.s32 $0x14000  }
0xd: {  	s16 =	sor.u32 $0x1C01, s16;
	s11 =	sor.u32 s1, s11;
	s28 =	sshrl.u32 s12, $0x1  }
0xe: {  	s30 =	sshrl.u32 s14, $0x2;
	s14 =	simm.s32 $0x1;
	s9 =	sadd.s32 s10, s9  }
0xf: {  	s29 =	smul.u32 $0x500, s11;
	s12 =	ssub.s32 s12, s28;
	s10 =	sshrl.u32 s10, $0x3  }
0x10: {  	s17 =	sadd.s32 s30, s2;
	s9 =	sshrl.u32 s9, $0x3;
	s10 =	sadd.s32 s5, s10  }
0x11: {  	s12 =	smax.u32 s12, $0x1;
	s17 =	sshrl.u32 s17, $0x3;
	s15 =	sadd.s32 s9, s6  }
0x12: {  	s6 =	sadd.s32 s7, s29;
	s7 =	sadd.s32 s8, s29;
	s8 =	sadd.s32 s4, s31  }
0x13: {  	s10 =	smov.u32 @p0 s20;
	s9 =	sadd.s32 $0x56800, s15;
	s11 =	sadd.s32 $0xA6800, s15  }
0x14: {  	s15 =	simm.s32 $0x16800;
	s8 =	smov.u32 @p0 s20;
	s20 =	simm.s32 $0x0  }
.LBB2_1:
0x15: {  	[tilespmem:s13], [sflag:$0x1] =	stream.linear.gather [hbm4b:s6+s3], $0x2780, $0x38;
	[tilespmem:$0x1D000] =	vst v63  }
0x16: {  	_ =	swait.ge [sflag:s14], $0x2780  }
0x17: {  	[sflag:s14] =	ssyncset.done $0x0  }
0x18: {  	[sflag:s14] =	ssyncadd.s32 $0xFFFFD880  }
0x19: {  	[tilespmem:s15], [sflag:$0x1] =	stream.linear.gather [hbm4b:s7+s3], $0x2780, $0x38;
	[tilespmem:$0x1D000] =	vst v63  }
0x1a: {  	_ =	swait.ge [sflag:s14], $0x2780  }
0x1b: {  	[sflag:s14] =	ssyncset.done $0x0  }
0x1c: {  	[sflag:s14] =	ssyncadd.s32 $0xFFFFD880  }
0x1d: {  	[spmem:s17], [sflag:s16] =	dma.local [hbm:s8], $0x2800  }
0x1e: {  	_ =	swait.ge [sflag:s14], $0x2800  }
0x1f: {  	[sflag:s14] =	ssyncset.done $0x0  }
0x20: {  	[sflag:s14] =	ssyncadd.s32 $0xFFFFD800  }
0x21: {  	s21 =	simm.s32 $0x14000;
	[bflag:$0x0] =	sbarrier.arrive $0xFFFF  }
0x22: {  	[tilespmem:s19], [sflag:$0x1] =	stream.indirect.gather [hbm4b:s4+s18], $0x80, s21, s18, $0xb8;
	[tilespmem:$0x1D000] =	vst v63  }
0x23: {  	_ =	swait.ge [sflag:s14], $0x4000  }
0x24: {  	[sflag:s14] =	ssyncset.done $0x0  }
0x25: {  	s31 =	simm.s32 $0x16800;
	[sflag:s14] =	ssyncadd.s32 $0xFFFFC000  }
0x26: {  	[spmem:s2] =	stream.indirect.scatter.add.f32 [tilespmem:s19], [sflag:$0x1], $0x80, s31, s18, $0xb8;
	[tilespmem:$0x1D000] =	vst v63  }
0x27: {  	_ =	swait.ge [sflag:s14], $0x4000  }
0x28: {  	s22 =	simm.s32 $0x400;
	s21 =	simm.s32 $0x80;
	[sflag:s14] =	ssyncset.done $0x0  }
.LBB2_2:
0x29: {  	s23 =	sadd.s32 $0x14000, s21  }
0x2a: {  	[sflag:s14] =	ssyncadd.s32 $0xFFFFC000;
	s24 =	smov.u32 s22;
	s25 =	sadd.s32 $0x200, s22  }
0x2b: {  	[tilespmem:s19], [sflag:$0x1] =	stream.indirect.gather [hbm4b:s4+s18], $0x80, s23, s18, $0xb8;
	[tilespmem:$0x1D000] =	vst v63  }
0x2c: {  	p0 =	sne.s32 s22, $0x9C00;
	_ =	swait.ge [sflag:s14], $0x4000  }
.Ltmp0:
0x2d: {  	[sflag:s14] =	ssyncset.done $0x0;
	(pc) =	sbr.rel @p0 .LBB2_2-.Ltmp0, $4  }
0x2e: {  	s21 =	sadd.s32 $0x16800, s21;
	[sflag:s14] =	ssyncadd.s32 $0xFFFFC000  }
0x2f: {  	[spmem:s2] =	stream.indirect.scatter.add.f32 [tilespmem:s19], [sflag:$0x1], $0x80, s21, s18, $0xb8;
	[tilespmem:$0x1D000] =	vst v63  }
0x30: {  	_ =	swait.ge [sflag:s14], $0x4000  }
0x31: {  	s22 =	smov.u32 s25;
	s21 =	sshra.s32 s24, $0x2;
	[sflag:s14] =	ssyncset.done $0x0  }
0x32: {  	s22 =	sadd.s32 $0x14000, s21;
	[sflag:s14] =	ssyncadd.s32 $0xFFFFC000  }
0x33: {  	[tilespmem:s19], [sflag:$0x1] =	stream.indirect.gather [hbm4b:s4+s18], $0x80, s22, s18, $0xb8;
	[tilespmem:$0x1D000] =	vst v63  }
0x34: {  	_ =	swait.ge [sflag:s14], $0x4000  }
0x35: {  	[sflag:s14] =	ssyncset.done $0x0  }
0x36: {  	s29 =	sadd.s32 $0x16800, s21;
	[sflag:s14] =	ssyncadd.s32 $0xFFFFC000  }
0x37: {  	[spmem:s2] =	stream.indirect.scatter.add.f32 [tilespmem:s19], [sflag:$0x1], $0x80, s29, s18, $0xb8;
	[tilespmem:$0x1D000] =	vst v63  }
0x38: {  	_ =	swait.ge [sflag:s14], $0x4000  }
0x39: {  	[sflag:s14] =	ssyncset.done $0x0  }
0x3a: {  	[sflag:s14] =	ssyncadd.s32 $0xFFFFC000  }
0x3b: {  	[bflag:$0x0] =	sbarrier.arrive $0xFFFF  }
0x3c: {  	[hbm:s9], [sflag:s16] =	dma.local [spmem:s17], $0x2800  }
0x3d: {  	_ =	swait.ge [sflag:s14], $0x2800  }
0x3e: {  	[sflag:s14] =	ssyncset.done $0x0  }
0x3f: {  	[sflag:s14] =	ssyncadd.s32 $0xFFFFD800  }
0x40: {  	[bflag:$0x0] =	sbarrier.arrive $0xFFFF  }
0x41: {  	[spmem:s17], [sflag:s16] =	dma.local [hbm:s10], $0x2800  }
0x42: {  	_ =	swait.ge [sflag:s14], $0x2800  }
0x43: {  	[sflag:s14] =	ssyncset.done $0x0  }
0x44: {  	[sflag:s14] =	ssyncadd.s32 $0xFFFFD800  }
0x45: {  	s30 =	simm.s32 $0x14000;
	[bflag:$0x0] =	sbarrier.arrive $0xFFFF  }
0x46: {  	[tilespmem:s19], [sflag:$0x1] =	stream.indirect.gather [hbm4b:s5+s18], $0x80, s30, s18, $0xb8;
	[tilespmem:$0x1D000] =	vst v63  }
0x47: {  	_ =	swait.ge [sflag:s14], $0x4000  }
0x48: {  	[sflag:s14] =	ssyncset.done $0x0  }
0x49: {  	s31 =	simm.s32 $0x16800;
	[sflag:s14] =	ssyncadd.s32 $0xFFFFC000  }
0x4a: {  	[spmem:s2] =	stream.indirect.scatter.add.f32 [tilespmem:s19], [sflag:$0x1], $0x80, s31, s18, $0xb8;
	[tilespmem:$0x1D000] =	vst v63  }
0x4b: {  	_ =	swait.ge [sflag:s14], $0x4000  }
0x4c: {  	s21 =	simm.s32 $0x80;
	s22 =	simm.s32 $0x400;
	[sflag:s14] =	ssyncset.done $0x0  }
.LBB2_4:
0x4d: {  	s23 =	sadd.s32 $0x14000, s21  }
0x4e: {  	[sflag:s14] =	ssyncadd.s32 $0xFFFFC000;
	s24 =	smov.u32 s22;
	s25 =	sadd.s32 $0x200, s22  }
0x4f: {  	[tilespmem:s19], [sflag:$0x1] =	stream.indirect.gather [hbm4b:s5+s18], $0x80, s23, s18, $0xb8;
	[tilespmem:$0x1D000] =	vst v63  }
0x50: {  	p0 =	sne.s32 s22, $0x9C00;
	_ =	swait.ge [sflag:s14], $0x4000  }
.Ltmp1:
0x51: {  	[sflag:s14] =	ssyncset.done $0x0;
	(pc) =	sbr.rel @p0 .LBB2_4-.Ltmp1, $4  }
0x52: {  	s21 =	sadd.s32 $0x16800, s21;
	[sflag:s14] =	ssyncadd.s32 $0xFFFFC000  }
0x53: {  	[spmem:s2] =	stream.indirect.scatter.add.f32 [tilespmem:s19], [sflag:$0x1], $0x80, s21, s18, $0xb8;
	[tilespmem:$0x1D000] =	vst v63  }
0x54: {  	_ =	swait.ge [sflag:s14], $0x4000  }
0x55: {  	s22 =	smov.u32 s25;
	s21 =	sshra.s32 s24, $0x2;
	[sflag:s14] =	ssyncset.done $0x0  }
0x56: {  	s22 =	sadd.s32 $0x14000, s21;
	[sflag:s14] =	ssyncadd.s32 $0xFFFFC000  }
0x57: {  	[tilespmem:s19], [sflag:$0x1] =	stream.indirect.gather [hbm4b:s5+s18], $0x80, s22, s18, $0xb8;
	[tilespmem:$0x1D000] =	vst v63  }
0x58: {  	_ =	swait.ge [sflag:s14], $0x4000  }
0x59: {  	[sflag:s14] =	ssyncset.done $0x0  }
0x5a: {  	s31 =	sadd.s32 $0x16800, s21;
	[sflag:s14] =	ssyncadd.s32 $0xFFFFC000  }
0x5b: {  	[spmem:s2] =	stream.indirect.scatter.add.f32 [tilespmem:s19], [sflag:$0x1], $0x80, s31, s18, $0xb8;
	[tilespmem:$0x1D000] =	vst v63  }
0x5c: {  	_ =	swait.ge [sflag:s14], $0x4000  }
0x5d: {  	[sflag:s14] =	ssyncset.done $0x0  }
0x5e: {  	s20 =	sadd.s32 $0x1, s20;
	[sflag:s14] =	ssyncadd.s32 $0xFFFFC000  }
0x5f: {  	p0 =	sne.s32 s20, s12;
	[bflag:$0x0] =	sbarrier.arrive $0xFFFF  }
0x60: {  	[hbm:s11], [sflag:s16] =	dma.local [spmem:s17], $0x2800  }
.Ltmp2:
0x61: {  	_ =	swait.ge [sflag:s14], $0x2800;
	(pc) =	sbr.rel @p0 .LBB2_1-.Ltmp2, $3  }
0x62: {  	[sflag:s14] =	ssyncset.done $0x0  }
0x63: {  	[sflag:s14] =	ssyncadd.s32 $0xFFFFD800  }
0x64: {  	[bflag:$0x0] =	sbarrier.arrive $0xFFFF;
	_ =	sdelay $0x1  }
0x65: {  	_ =	sfence.sel $0x180000  }
0x66: {  	[bflag:$0x0] =	sbarrier.arrive $0xFFFF  }
0x67: {  	p0 =	sne.s32 s1, $0x0;
	_ =	strace $0x9000004D  }
0x68: {  	s0 =	sadd.s32 @!p0 $0x100000, s0;
	[bflag:$0x2] =	sbarrier.arrive $0xFFFF  }
0x69: {  	[sflag:s0] =	ssyncadd.tile.s32 @!p0 $0x1;
	_ =	shalt  }
.Lfunc_end2:
_tile_overlayer_lowered:
.L_overlay_start_2:
0x6a: {  	(tag) =	ssettag $0x2  }
0x6b: {  	s0 =	rddreg [dreg:$0x0];
	s2 =	stileid.u32  }
0x6c: {  	s1 =	rddreg [dreg:$0x1];
	p0 =	sne.s32 s2, $0x0  }
0x6d: {  	s3 =	rddreg [dreg:$0x2];
	[bflag:$0x3] =	sbarrier.arrive $0xFFFF;
	s2 =	simm.s32 @!p0 $0x1C01  }
0x6e: {  	[timem:s3], [sflag:s2] =	dma.local @!p0 [hbm:s0], s1  }
0x6f: {  	s0 =	simm.s32 @!p0 $0x1  }
0x70: {  	_ =	swait.ge @!p0 [sflag:s0], s1  }
0x71: {  	s1 =	ssub.s32 @!p0 $0x0, s1;
	[sflag:s0] =	ssyncset.done @!p0 $0x0  }
0x72: {  	[sflag:s0] =	ssyncadd.s32 @!p0 s1  }
0x73: {  	[bflag:$0x3] =	sbarrier.arrive $0xFFFF  }
0x74: {  	_ =	shalt  }

// kernel: kernel.21.cloned.1.call-start
scs
__scs_entry_jumppad:
0x0: {  	(pc) =	sbr.rel $0x88, $3  }
0x1: {  	(tag) =	ssettag $0x0;
	lr =	simm.s32 $0x1  }
0x2: {  	[smem:$0x3F95] =	sst lr;
	_ =	strace $0xD0000000  }
0x3: {  	_ = 	snop  }
0x4: {  	_ = 	snop  }
0x5: {  	_ = 	snop  }
0x6: {  	_ = 	snop  }
0x7: {  	_ = 	snop  }
__scs_overlays_trampoline_lowered:
0x8: {  	[smem:$0x3FA4] =	sst s0  }
0x9: {  	[smem:$0x3FA5] =	sst s1  }
0xa: {  	[smem:$0x3FA6] =	sst s2  }
0xb: {  	[smem:$0x3FA7] =	sst s3  }
0xc: {  	[smem:$0x3FA8] =	sst s4  }
0xd: {  	[smem:$0x3FA9] =	sst s5  }
0xe: {  	[smem:$0x3FAA] =	sst s6  }
0xf: {  	[smem:$0x3FAB] =	sst s7  }
0x10: {  	[smem:$0x3FAC] =	sst s8  }
0x11: {  	[smem:$0x3FAD] =	sst s9;
	s0 =	simm.s32 @!p0 $0x0  }
0x12: {  	s1 =	sld [smem:$0x3F93];
	s0 =	simm.s32 @p0 $0x1  }
0x13: {  	[smem:$0x3FAE] =	sst s0;
	s0 =	simm.s32 @!p1 $0x0  }
0x14: {  	s2 =	sld [smem:$0x3F92];
	s0 =	simm.s32 @p1 $0x1  }
0x15: {  	[smem:$0x3FAF] =	sst s0;
	s0 =	simm.s32 @!p2 $0x0  }
0x16: {  	s3 =	sld [smem:$0x3FDB];
	s0 =	simm.s32 @p2 $0x1  }
0x17: {  	s4 =	simm.s32 $0x1BF5;
	[smem:$0x3FB1] =	sst s0  }
0x18: {  	s0 =	sld [smem:$0x3F94];
	_ =	swait.ge [sflag:s4], $0x0  }
0x19: {  	s7 =	sld [smem:$0x3F95]  }
0x1a: {  	s8 =	sadd.s32 $0xFFFFE003, lr  }
0x1b: {  	s9 =	sadd.s32 $0xFFFFFEF7, lr;
	s5 =	simm.s32 $0xFFFFFFFF;
	p2 =	slt.u32 s8, $0xFFFFF086  }
0x1c: {  	p1 =	slt.u32 s9, $0xF7A;
	s5 =	simm.s32 @!p2 $0x0  }
0x1d: {  	s5 =	simm.s32 @p1 $0x1;
	p0 =	seq.s32 s7, s2  }
0x1e: {  	s7 =	smul.u32 @!p0 $0xF7A, s2;
	p2 =	seq.s32 @!p0 s5, $0x0  }
0x1f: {  	s9 =	smul.u32 $0xF7A, s1;
	s8 =	simm.s32 @!p0 $0x1BF5;
	p2 =	por !p2, p0  }
0x20: {  	[sflag:s8] =	ssyncset.s32 @!p0 $0xFFFFF086;
	s6 =	sadd.s32 @!p0 s3, s7;
	s7 =	simm.s32 @!p0 $0x108  }
0x21: {  	s3 =	sadd.s32 s3, s9;
	s6 =	sadd.s32 @!p0 $0x88, s6;
	s7 =	simm.s32 @p2 $0x1082  }
0x22: {  	[simem:s7], [sflag:s8] =	dma.local @!p0 [hbm:s6], $0xF7A  }
0x23: {  	s9 =	sor.u32 $0xD0000000, s2;
	s6 =	simm.s32 $0x108;
	_ =	swait.ge @!p0 [sflag:s8], $0x0  }
0x24: {  	s3 =	sadd.s32 $0x88, s3;
	s6 =	simm.s32 @!p1 $0x1082;
	[sflag:s4] =	ssyncset.s32 $0xFFFFF086  }
0x25: {  	[simem:s6], [sflag:s4] =	dma.local [hbm:s3], $0xF7A  }
0x26: {  	[smem:$0x3F95] =	sst s1;
	(tag) =	ssettag s2;
	_ =	strace s9  }
0x27: {  	s1 =	sld [smem:$0x3FA5]  }
0x28: {  	s2 =	sld [smem:$0x3FA6]  }
0x29: {  	s4 =	sld [smem:$0x3FA8]  }
0x2a: {  	p0 =	seq.s32 s5, $0x0;
	s5 =	sld [smem:$0x3FA9]  }
0x2b: {  	s6 =	sld [smem:$0x3FAA]  }
0x2c: {  	s7 =	sld [smem:$0x3FAB]  }
0x2d: {  	s3 =	simm.s32 $0x108;
	s8 =	sld [smem:$0x3FAC]  }
0x2e: {  	s3 =	simm.s32 @!p0 $0x1082;
	s9 =	sld [smem:$0x3FAD]  }
0x2f: {  	lr =	sadd.s32 s0, s3;
	s0 =	sld [smem:$0x3FA4]  }
0x30: {  	s3 =	sld [smem:$0x3FA7]  }
0x31: {  	[smem:$0x3FB0] =	sst s10  }
0x32: {  	s10 =	sld [smem:$0x3FAE];
	_ =	sdelay $0x3  }
0x33: {  	p0 =	seq.s32 s10, $0x1;
	s10 =	sld [smem:$0x3FB0];
	_ =	sdelay $0x3  }
0x34: {  	[smem:$0x3FB0] =	sst s10  }
0x35: {  	s10 =	sld [smem:$0x3FAF];
	_ =	sdelay $0x3  }
0x36: {  	p1 =	seq.s32 s10, $0x1;
	s10 =	sld [smem:$0x3FB0];
	_ =	sdelay $0x3  }
0x37: {  	[smem:$0x3FB0] =	sst s10  }
0x38: {  	s10 =	sld [smem:$0x3FB1]  }
0x39: {  	_ = 	snop;
	(pc) =	sbr.ind lr, $3  }
0x3a: {  	_ = 	snop  }
0x3b: {  	_ = 	snop  }
0x3c: {  	p2 =	seq.s32 s10, $0x1;
	s10 =	sld [smem:$0x3FB0]  }
0x3d: {  	_ =	shalt  }
0x3e: {  	_ =	shalt  }
0x3f: {  	_ =	shalt  }
0x40: {  	_ =	shalt  }
0x41: {  	_ =	shalt  }
0x42: {  	_ =	shalt  }
0x43: {  	_ =	shalt  }
0x44: {  	_ =	shalt  }
0x45: {  	_ =	shalt  }
0x46: {  	_ =	shalt  }
0x47: {  	_ =	shalt  }
0x48: {  	_ =	shalt  }
0x49: {  	_ =	shalt  }
0x4a: {  	_ =	shalt  }
0x4b: {  	_ =	shalt  }
0x4c: {  	_ =	shalt  }
0x4d: {  	_ =	shalt  }
0x4e: {  	_ =	shalt  }
0x4f: {  	_ =	shalt  }
0x50: {  	_ =	shalt  }
0x51: {  	_ =	shalt  }
0x52: {  	_ =	shalt  }
0x53: {  	_ =	shalt  }
0x54: {  	_ =	shalt  }
0x55: {  	_ =	shalt  }
0x56: {  	_ =	shalt  }
0x57: {  	_ =	shalt  }
0x58: {  	_ =	shalt  }
0x59: {  	_ =	shalt  }
0x5a: {  	_ =	shalt  }
0x5b: {  	_ =	shalt  }
0x5c: {  	_ =	shalt  }
0x5d: {  	_ =	shalt  }
0x5e: {  	_ =	shalt  }
0x5f: {  	_ =	shalt  }
0x60: {  	_ =	shalt  }
0x61: {  	_ =	shalt  }
0x62: {  	_ =	shalt  }
0x63: {  	_ =	shalt  }
0x64: {  	_ =	shalt  }
0x65: {  	_ =	shalt  }
0x66: {  	_ =	shalt  }
0x67: {  	_ =	shalt  }
0x68: {  	_ =	shalt  }
0x69: {  	_ =	shalt  }
0x6a: {  	_ =	shalt  }
0x6b: {  	_ =	shalt  }
0x6c: {  	_ =	shalt  }
0x6d: {  	_ =	shalt  }
0x6e: {  	_ =	shalt  }
0x6f: {  	_ =	shalt  }
0x70: {  	_ =	shalt  }
0x71: {  	_ =	shalt  }
0x72: {  	_ =	shalt  }
0x73: {  	_ =	shalt  }
0x74: {  	_ =	shalt  }
0x75: {  	_ =	shalt  }
0x76: {  	_ =	shalt  }
0x77: {  	_ =	shalt  }
0x78: {  	_ =	shalt  }
0x79: {  	_ =	shalt  }
0x7a: {  	_ =	shalt  }
0x7b: {  	_ =	shalt  }
0x7c: {  	_ =	shalt  }
0x7d: {  	_ =	shalt  }
0x7e: {  	_ =	shalt  }
0x7f: {  	_ =	shalt  }
0x80: {  	_ =	shalt  }
0x81: {  	_ =	shalt  }
0x82: {  	_ =	shalt  }
0x83: {  	_ =	shalt  }
0x84: {  	_ =	shalt  }
0x85: {  	_ =	shalt  }
0x86: {  	_ =	shalt  }
0x87: {  	_ =	shalt  }
.Lfunc_end0:
.L_simem_size_0:
called_computation.3_lowered:
.L_overlay_start_0:
0x88: {  	s2 =	sld [smem:$0x3FD9]  }
0x89: {  	s3 =	sld [smem:$0x3FFE];
	_ =	sdelay $0x1  }
0x8a: {  	s1 =	srdreg.scid  }
0x8b: {  	s0 =	sand.u32 $0x1, s1  }
0x8c: {  	s14 =	sshll.u32 s0, $0xA;
	s2 =	sadd.s32 s3, s2  }
0x8d: {  	s2 =	sadd.s32 s2, s14  }
0x8e: {  	[smem:$0x3FBC] =	sst s2  }
0x8f: {  	_ = 	snop  }
0x90: {  	s2 =	sld [smem:$0x3FD0];
	_ =	sdelay $0x2  }
0x91: {  	s15 =	simm.s32 $0xA;
	s4 =	simm.s32 $0x10  }
0x92: {  	[smem:s4], [sflag:s15] =	dma.local [hbm:s2], $0x1  }
0x93: {  	_ =	swait.eq [sflag:s15], $0x1  }
0x94: {  	[sflag:s15] =	ssyncset.done $0x0  }
0x95: {  	s16 =	sld [smem:$0x10];
	[sflag:s15] =	ssyncadd.s32 $0xFFFFFFFF  }
0x96: {  	s17 =	sld [smem:$0x11];
	(tm) =	ssettm $0x1  }
0x97: {  	s18 =	sld [smem:$0x3FFB];
	_ =	sdelay $0x3  }
0x98: {  	_ =	strace s18  }
0x99: {  	s4 =	sld [smem:$0x3FFC];
	_ =	sdelay $0x3  }
0x9a: {  	_ =	strace s4  }
0x9b: {  	s4 =	sld [smem:$0x3FFD];
	_ =	sdelay $0x3  }
0x9c: {  	_ =	strace s4  }
0x9d: {  	_ =	strace $0x8FFFFFFF  }
0x9e: {  	s19 =	sld [smem:$0x3FDB];
	_ =	sdelay $0x1  }
0x9f: {  	s5 =	simm.s32 $_scs_section_size  }
0xa0: {  	s6 =	simm.s32 $_size__tile_overlayer_lowered;
	s7 =	simm.s32 $_tile_overlayer_lowered  }
0xa1: {  	s22 =	simm.s32 $0x1BFF;
	s21 =	sshll.u32 s7, $0x1;
	s4 =	sadd.s32 s5, s19  }
0xa2: {  	s8 =	simm.s32 $0x0;
	s20 =	sshll.u32 s6, $0x1;
	s6 =	sadd.s32 s21, s4  }
0xa3: {  	[timem:s8], [sflag:s22] =	dma.local [hbm:s6], s20  }
0xa4: {  	_ =	swait.ge [sflag:s22], s20  }
0xa5: {  	s5 =	ssub.s32 $0x0, s20;
	[sflag:s22] =	ssyncset.done $0x0  }
0xa6: {  	[sflag:s22] =	ssyncadd.s32 s5;
	_ =	sdelay $0x1  }
0xa7: {  	s23 =	simm.s32 $0x1B8B  }
0xa8: {  	_ =	swait.ge [sflag:s23], $0x1  }
0xa9: {  	[sflag:s23] =	ssyncset.done $0x0  }
0xaa: {  	s25 =	simm.s32 $0x1B8E;
	s24 =	sld [smem:$0x3FFE];
	[sflag:s23] =	ssyncadd.s32 $0xFFFFFFFF  }
0xab: {  	s26 =	simm.s32 $execute0_lowered;
	[smem:$0x3FD2] =	sst s25  }
0xac: {  	s6 =	sshll.u32 s26, $0x1;
	_ =	strace $0x8000004F;
	[dreg:$0x1] =	wrdreg $0xFFFFFFFF  }
0xad: {  	s28 =	simm.s32 $_size_execute0_lowered;
	s4 =	sadd.s32 s4, s6;
	[dreg:$0x0] =	wrdreg $0x0  }
0xae: {  	s6 =	sshll.u32 s28, $0x1;
	[dreg:$0x2] =	wrdreg s4  }
0xaf: {  	[dreg:$0x3] =	wrdreg s6  }
0xb0: {  	[dreg:$0x4] =	wrdreg $0xC0  }
0xb1: {  	_ =	task [dreg:s8], $0x5FFFF  }
0xb2: {  	[dreg:$0x1] =	wrdreg $0xFFFFFFFF  }
0xb3: {  	[dreg:$0x0] =	wrdreg $0x60  }
0xb4: {  	[dreg:$0x2] =	wrdreg s24  }
0xb5: {  	[dreg:$0x3] =	wrdreg s16  }
0xb6: {  	[dreg:$0x4] =	wrdreg s17  }
0xb7: {  	[dreg:$0x5] =	wrdreg $0x0  }
0xb8: {  	[dreg:$0x6] =	wrdreg $0x9  }
0xb9: {  	_ =	task.clear_ibuf [dreg:s8], $0x7FFFF;
	_ =	strace $0x9000004F  }
0xba: {  	s29 =	simm.s32 $0x9;
	_ =	strace $0x80000051  }
0xbb: {  	_ =	swait.ge [sflag:s29], $0x1  }
0xbc: {  	[sflag:s29] =	ssyncadd.s32 $0xFFFFFFFF  }
0xbd: {  	_ =	strace $0x90000051  }
0xbe: {  	_ =	sfence  }
0xbf: {  	s30 =	sld [smem:$0x0];
	_ =	sdelay $0x2  }
0xc0: {  	s31 =	sshll.u32 s1, $0xD;
	s1 =	sshrl.u32 s1, $0x2  }
0xc1: {  	s3 =	sand.u32 $0x4000, s31;
	s1 =	sadd.s32 s1, s30  }
0xc2: {  	s0 =	sor.u32 s3, s0;
	s1 =	sshll.u32 s1, $0x11  }
0xc3: {  	s0 =	sor.u32 s1, s0  }
0xc4: {  	s0 =	sadd.s32 $0x8F2B, s0  }
0xc5: {  	[sflag:s0] =	ssyncadd.remote.s32 $0x1  }
0xc6: {  	_ =	sfence.sel $0xFFFF  }
0xc7: {  	[dreg:$0x0] =	wrdreg $0xFFFFFFFF;
	(pc) =	sbr.abs _section_cstart, $3  }
0xc8: {  	[dreg:$0x1] =	wrdreg $0xFFFFFFFF  }
0xc9: {  	_ =	task.clear_ibuf [dreg:s8], $0x2FFFF;
	_ =	strace $0x9FFFFFFF  }
0xca: {  	(tm) =	ssettm $0x7FFFFFFF  }
0xcb: {  	_ =	shalt  }
tec
execute0_lowered:
.L_overlay_start_1:
0x0: {  	(tag) =	ssettag $0x1  }
0x1: {  	s8 =	rddreg [dreg:$0x0]  }
0x2: {  	s9 =	rddreg [dreg:$0x1]  }
0x3: {  	s10 =	rddreg [dreg:$0x2]  }
0x4: {  	s2 =	rddreg [dreg:$0x3]  }
0x5: {  	s3 =	simm.s32 $0x0;
	s4 =	srdreg.scid;
	s1 =	stileid.u32  }
0x6: {  	s21 =	simm.s32 $0x1;
	s22 =	simm.s32 $0x16800;
	s23 =	simm.s32 $0x80  }
0x7: {  	s24 =	simm.s32 $0x19000;
	[smem:$0x7FF] =	sst s3;
	s20 =	sand.u32 $0x1, s4  }
0x8: {  	s13 =	smul.u32 $0x14000, s1;
	s4 =	sadd.s32 $0x11E800, s8;
	s5 =	sadd.s32 $0xF6800, s8  }
0x9: {  	s6 =	sadd.s32 $0xCE800, s8;
	s7 =	sadd.s32 $0xA6800, s8;
	s15 =	smul.u32 $0x50000, s1  }
0xa: {  	s25 =	sadd.s32 $0x4000, s8;
	s31 =	smul.u32 $0x2800, s1;
	_ =	strace $0x80000050  }
0xb: {  	s11 =	smul.u32 $0x140000, s20;
	s12 =	sshll.u32 s20, $0x4;
	s14 =	ssub.s32 $0x2, s20  }
0xc: {  	p0 =	sne.s32 s20, $0x0;
	s12 =	sor.u32 s1, s12;
	s28 =	sshrl.u32 s14, $0x1  }
0xd: {  	s30 =	sshrl.u32 s15, $0x2;
	s17 =	sshrl.u32 s13, $0x3;
	s11 =	sadd.s32 s13, s11  }
0xe: {  	s29 =	smul.u32 $0x500, s12;
	s19 =	ssub.s32 s14, s28;
	s13 =	sadd.s32 s5, s17  }
0xf: {  	s15 =	sadd.s32 s6, s17;
	s17 =	sadd.s32 s7, s17;
	s11 =	sshrl.u32 s11, $0x3  }
0x10: {  	s19 =	smax.u32 s19, $0x1;
	s13 =	smov.u32 @p0 s25;
	s15 =	smov.u32 @p0 s25  }
0x11: {  	s17 =	smov.u32 @p0 s25;
	s18 =	sadd.s32 s11, s8;
	s8 =	sadd.s32 s9, s29  }
0x12: {  	s9 =	sadd.s32 s10, s29;
	s10 =	sadd.s32 s30, s2;
	s11 =	sadd.s32 s4, s31  }
0x13: {  	s12 =	sadd.s32 $0x6800, s18;
	s14 =	sadd.s32 $0x56800, s18;
	s16 =	sadd.s32 $0x146800, s18  }
0x14: {  	s18 =	sadd.s32 $0x196800, s18;
	s11 =	smov.u32 @p0 s25;
	s25 =	simm.s32 $0x0  }
.LBB2_1:
0x15: {  	s0 =	simm.s32 $0x14000  }
0x16: {  	[tilespmem:s0], [sflag:$0x1] =	stream.linear.gather [hbm4b:s8+s3], $0x2780, $0x38;
	[tilespmem:$0x1D000] =	vst v63  }
0x17: {  	_ =	swait.ge [sflag:s21], $0x2780  }
0x18: {  	[sflag:s21] =	ssyncset.done $0x0  }
0x19: {  	[sflag:s21] =	ssyncadd.s32 $0xFFFFD880  }
0x1a: {  	[tilespmem:s22], [sflag:$0x1] =	stream.linear.gather [hbm4b:s9+s3], $0x2780, $0x38;
	[tilespmem:$0x1D000] =	vst v63  }
0x1b: {  	_ =	swait.ge [sflag:s21], $0x2780  }
0x1c: {  	s26 =	sshll.u32 s1, $0x6;
	[sflag:s21] =	ssyncset.done $0x0  }
0x1d: {  	s28 =	sshrl.u32 s10, $0x3;
	s26 =	sor.u32 $0x1C01, s26;
	[sflag:s21] =	ssyncadd.s32 $0xFFFFD880  }
0x1e: {  	[spmem:s28], [sflag:s26] =	dma.local [hbm:s11], $0x2800  }
0x1f: {  	_ =	swait.ge [sflag:s21], $0x2800  }
0x20: {  	[sflag:s21] =	ssyncset.done $0x0  }
0x21: {  	[sflag:s21] =	ssyncadd.s32 $0xFFFFD800  }
0x22: {  	s29 =	simm.s32 $0x14000;
	[bflag:$0x0] =	sbarrier.arrive $0xFFFF  }
0x23: {  	[tilespmem:s24], [sflag:$0x1] =	stream.indirect.gather [hbm4b:s4+s23], $0x80, s29, s23, $0xb8;
	[tilespmem:$0x1D000] =	vst v63  }
0x24: {  	_ =	swait.ge [sflag:s21], $0x4000  }
0x25: {  	[sflag:s21] =	ssyncset.done $0x0  }
0x26: {  	s29 =	simm.s32 $0x16800;
	[sflag:s21] =	ssyncadd.s32 $0xFFFFC000  }
0x27: {  	[spmem:s2] =	stream.indirect.scatter.add.f32 [tilespmem:s24], [sflag:$0x1], $0x80, s29, s23, $0xb8;
	[tilespmem:$0x1D000] =	vst v63  }
0x28: {  	_ =	swait.ge [sflag:s21], $0x4000  }
0x29: {  	s30 =	simm.s32 $0x400;
	s29 =	simm.s32 $0x80;
	[sflag:s21] =	ssyncset.done $0x0  }
.LBB2_2:
0x2a: {  	s31 =	sadd.s32 $0x14000, s29  }
0x2b: {  	[sflag:s21] =	ssyncadd.s32 $0xFFFFC000;
	s0 =	smov.u32 s30;
	s20 =	sadd.s32 $0x200, s30  }
0x2c: {  	[tilespmem:s24], [sflag:$0x1] =	stream.indirect.gather [hbm4b:s4+s23], $0x80, s31, s23, $0xb8;
	[tilespmem:$0x1D000] =	vst v63  }
0x2d: {  	p0 =	sne.s32 s30, $0x9C00;
	_ =	swait.ge [sflag:s21], $0x4000  }
.Ltmp0:
0x2e: {  	[sflag:s21] =	ssyncset.done $0x0;
	(pc) =	sbr.rel @p0 .LBB2_2-.Ltmp0, $4  }
0x2f: {  	s29 =	sadd.s32 $0x16800, s29;
	[sflag:s21] =	ssyncadd.s32 $0xFFFFC000  }
0x30: {  	[spmem:s2] =	stream.indirect.scatter.add.f32 [tilespmem:s24], [sflag:$0x1], $0x80, s29, s23, $0xb8;
	[tilespmem:$0x1D000] =	vst v63  }
0x31: {  	_ =	swait.ge [sflag:s21], $0x4000  }
0x32: {  	s30 =	smov.u32 s20;
	s29 =	sshra.s32 s0, $0x2;
	[sflag:s21] =	ssyncset.done $0x0  }
0x33: {  	s0 =	sadd.s32 $0x14000, s29;
	[sflag:s21] =	ssyncadd.s32 $0xFFFFC000  }
0x34: {  	[tilespmem:s24], [sflag:$0x1] =	stream.indirect.gather [hbm4b:s4+s23], $0x80, s0, s23, $0xb8;
	[tilespmem:$0x1D000] =	vst v63  }
0x35: {  	_ =	swait.ge [sflag:s21], $0x4000  }
0x36: {  	[sflag:s21] =	ssyncset.done $0x0  }
0x37: {  	s31 =	sadd.s32 $0x16800, s29;
	[sflag:s21] =	ssyncadd.s32 $0xFFFFC000  }
0x38: {  	[spmem:s2] =	stream.indirect.scatter.add.f32 [tilespmem:s24], [sflag:$0x1], $0x80, s31, s23, $0xb8;
	[tilespmem:$0x1D000] =	vst v63  }
0x39: {  	_ =	swait.ge [sflag:s21], $0x4000  }
0x3a: {  	[sflag:s21] =	ssyncset.done $0x0  }
0x3b: {  	[sflag:s21] =	ssyncadd.s32 $0xFFFFC000  }
0x3c: {  	[bflag:$0x0] =	sbarrier.arrive $0xFFFF  }
0x3d: {  	[hbm:s12], [sflag:s26] =	dma.local [spmem:s28], $0x2800  }
0x3e: {  	_ =	swait.ge [sflag:s21], $0x2800  }
0x3f: {  	[sflag:s21] =	ssyncset.done $0x0  }
0x40: {  	[sflag:s21] =	ssyncadd.s32 $0xFFFFD800  }
0x41: {  	[bflag:$0x0] =	sbarrier.arrive $0xFFFF  }
0x42: {  	[spmem:s28], [sflag:s26] =	dma.local [hbm:s13], $0x2800  }
0x43: {  	_ =	swait.ge [sflag:s21], $0x2800  }
0x44: {  	[sflag:s21] =	ssyncset.done $0x0  }
0x45: {  	[sflag:s21] =	ssyncadd.s32 $0xFFFFD800  }
0x46: {  	s20 =	simm.s32 $0x14000;
	[bflag:$0x0] =	sbarrier.arrive $0xFFFF  }
0x47: {  	[tilespmem:s24], [sflag:$0x1] =	stream.indirect.gather [hbm4b:s5+s23], $0x80, s20, s23, $0xb8;
	[tilespmem:$0x1D000] =	vst v63  }
0x48: {  	_ =	swait.ge [sflag:s21], $0x4000  }
0x49: {  	[sflag:s21] =	ssyncset.done $0x0  }
0x4a: {  	s31 =	simm.s32 $0x16800;
	[sflag:s21] =	ssyncadd.s32 $0xFFFFC000  }
0x4b: {  	[spmem:s2] =	stream.indirect.scatter.add.f32 [tilespmem:s24], [sflag:$0x1], $0x80, s31, s23, $0xb8;
	[tilespmem:$0x1D000] =	vst v63  }
0x4c: {  	_ =	swait.ge [sflag:s21], $0x4000  }
0x4d: {  	s30 =	simm.s32 $0x400;
	s29 =	simm.s32 $0x80;
	[sflag:s21] =	ssyncset.done $0x0  }
.LBB2_4:
0x4e: {  	s0 =	sadd.s32 $0x14000, s29  }
0x4f: {  	[sflag:s21] =	ssyncadd.s32 $0xFFFFC000;
	s20 =	smov.u32 s30;
	s31 =	sadd.s32 $0x200, s30  }
0x50: {  	[tilespmem:s24], [sflag:$0x1] =	stream.indirect.gather [hbm4b:s5+s23], $0x80, s0, s23, $0xb8;
	[tilespmem:$0x1D000] =	vst v63  }
0x51: {  	p0 =	sne.s32 s30, $0x9C00;
	_ =	swait.ge [sflag:s21], $0x4000  }
.Ltmp1:
0x52: {  	[sflag:s21] =	ssyncset.done $0x0;
	(pc) =	sbr.rel @p0 .LBB2_4-.Ltmp1, $4  }
0x53: {  	s0 =	sadd.s32 $0x16800, s29;
	[sflag:s21] =	ssyncadd.s32 $0xFFFFC000  }
0x54: {  	[spmem:s2] =	stream.indirect.scatter.add.f32 [tilespmem:s24], [sflag:$0x1], $0x80, s0, s23, $0xb8;
	[tilespmem:$0x1D000] =	vst v63  }
0x55: {  	_ =	swait.ge [sflag:s21], $0x4000  }
0x56: {  	s29 =	sshra.s32 s20, $0x2;
	s30 =	smov.u32 s31;
	[sflag:s21] =	ssyncset.done $0x0  }
0x57: {  	s0 =	sadd.s32 $0x14000, s29;
	[sflag:s21] =	ssyncadd.s32 $0xFFFFC000  }
0x58: {  	[tilespmem:s24], [sflag:$0x1] =	stream.indirect.gather [hbm4b:s5+s23], $0x80, s0, s23, $0xb8;
	[tilespmem:$0x1D000] =	vst v63  }
0x59: {  	_ =	swait.ge [sflag:s21], $0x4000  }
0x5a: {  	[sflag:s21] =	ssyncset.done $0x0  }
0x5b: {  	s31 =	sadd.s32 $0x16800, s29;
	[sflag:s21] =	ssyncadd.s32 $0xFFFFC000  }
0x5c: {  	[spmem:s2] =	stream.indirect.scatter.add.f32 [tilespmem:s24], [sflag:$0x1], $0x80, s31, s23, $0xb8;
	[tilespmem:$0x1D000] =	vst v63  }
0x5d: {  	_ =	swait.ge [sflag:s21], $0x4000  }
0x5e: {  	[sflag:s21] =	ssyncset.done $0x0  }
0x5f: {  	[sflag:s21] =	ssyncadd.s32 $0xFFFFC000  }
0x60: {  	[bflag:$0x0] =	sbarrier.arrive $0xFFFF  }
0x61: {  	[hbm:s14], [sflag:s26] =	dma.local [spmem:s28], $0x2800  }
0x62: {  	_ =	swait.ge [sflag:s21], $0x2800  }
0x63: {  	[sflag:s21] =	ssyncset.done $0x0  }
0x64: {  	[sflag:s21] =	ssyncadd.s32 $0xFFFFD800  }
0x65: {  	[bflag:$0x0] =	sbarrier.arrive $0xFFFF  }
0x66: {  	[spmem:s28], [sflag:s26] =	dma.local [hbm:s15], $0x2800  }
0x67: {  	_ =	swait.ge [sflag:s21], $0x2800  }
0x68: {  	[sflag:s21] =	ssyncset.done $0x0  }
0x69: {  	[sflag:s21] =	ssyncadd.s32 $0xFFFFD800  }
0x6a: {  	s20 =	simm.s32 $0x14000;
	[bflag:$0x0] =	sbarrier.arrive $0xFFFF  }
0x6b: {  	[tilespmem:s24], [sflag:$0x1] =	stream.indirect.gather [hbm4b:s6+s23], $0x80, s20, s23, $0xb8;
	[tilespmem:$0x1D000] =	vst v63  }
0x6c: {  	_ =	swait.ge [sflag:s21], $0x4000  }
0x6d: {  	[sflag:s21] =	ssyncset.done $0x0  }
0x6e: {  	s31 =	simm.s32 $0x16800;
	[sflag:s21] =	ssyncadd.s32 $0xFFFFC000  }
0x6f: {  	[spmem:s2] =	stream.indirect.scatter.add.f32 [tilespmem:s24], [sflag:$0x1], $0x80, s31, s23, $0xb8;
	[tilespmem:$0x1D000] =	vst v63  }
0x70: {  	_ =	swait.ge [sflag:s21], $0x4000  }
0x71: {  	s30 =	simm.s32 $0x400;
	s29 =	simm.s32 $0x80;
	[sflag:s21] =	ssyncset.done $0x0  }
.LBB2_6:
0x72: {  	s0 =	sadd.s32 $0x14000, s29  }
0x73: {  	[sflag:s21] =	ssyncadd.s32 $0xFFFFC000;
	s20 =	smov.u32 s30;
	s31 =	sadd.s32 $0x200, s30  }
0x74: {  	[tilespmem:s24], [sflag:$0x1] =	stream.indirect.gather [hbm4b:s6+s23], $0x80, s0, s23, $0xb8;
	[tilespmem:$0x1D000] =	vst v63  }
0x75: {  	p0 =	sne.s32 s30, $0x9C00;
	_ =	swait.ge [sflag:s21], $0x4000  }
.Ltmp2:
0x76: {  	[sflag:s21] =	ssyncset.done $0x0;
	(pc) =	sbr.rel @p0 .LBB2_6-.Ltmp2, $4  }
0x77: {  	s0 =	sadd.s32 $0x16800, s29;
	[sflag:s21] =	ssyncadd.s32 $0xFFFFC000  }
0x78: {  	[spmem:s2] =	stream.indirect.scatter.add.f32 [tilespmem:s24], [sflag:$0x1], $0x80, s0, s23, $0xb8;
	[tilespmem:$0x1D000] =	vst v63  }
0x79: {  	_ =	swait.ge [sflag:s21], $0x4000  }
0x7a: {  	s29 =	sshra.s32 s20, $0x2;
	s30 =	smov.u32 s31;
	[sflag:s21] =	ssyncset.done $0x0  }
0x7b: {  	s0 =	sadd.s32 $0x14000, s29;
	[sflag:s21] =	ssyncadd.s32 $0xFFFFC000  }
0x7c: {  	[tilespmem:s24], [sflag:$0x1] =	stream.indirect.gather [hbm4b:s6+s23], $0x80, s0, s23, $0xb8;
	[tilespmem:$0x1D000] =	vst v63  }
0x7d: {  	_ =	swait.ge [sflag:s21], $0x4000  }
0x7e: {  	[sflag:s21] =	ssyncset.done $0x0  }
0x7f: {  	s31 =	sadd.s32 $0x16800, s29;
	[sflag:s21] =	ssyncadd.s32 $0xFFFFC000  }
0x80: {  	[spmem:s2] =	stream.indirect.scatter.add.f32 [tilespmem:s24], [sflag:$0x1], $0x80, s31, s23, $0xb8;
	[tilespmem:$0x1D000] =	vst v63  }
0x81: {  	_ =	swait.ge [sflag:s21], $0x4000  }
0x82: {  	[sflag:s21] =	ssyncset.done $0x0  }
0x83: {  	[sflag:s21] =	ssyncadd.s32 $0xFFFFC000  }
0x84: {  	[bflag:$0x0] =	sbarrier.arrive $0xFFFF  }
0x85: {  	[hbm:s16], [sflag:s26] =	dma.local [spmem:s28], $0x2800  }
0x86: {  	_ =	swait.ge [sflag:s21], $0x2800  }
0x87: {  	[sflag:s21] =	ssyncset.done $0x0  }
0x88: {  	[sflag:s21] =	ssyncadd.s32 $0xFFFFD800  }
0x89: {  	[bflag:$0x0] =	sbarrier.arrive $0xFFFF  }
0x8a: {  	[spmem:s28], [sflag:s26] =	dma.local [hbm:s17], $0x2800  }
0x8b: {  	_ =	swait.ge [sflag:s21], $0x2800  }
0x8c: {  	[sflag:s21] =	ssyncset.done $0x0  }
0x8d: {  	[sflag:s21] =	ssyncadd.s32 $0xFFFFD800  }
0x8e: {  	s20 =	simm.s32 $0x14000;
	[bflag:$0x0] =	sbarrier.arrive $0xFFFF  }
0x8f: {  	[tilespmem:s24], [sflag:$0x1] =	stream.indirect.gather [hbm4b:s7+s23], $0x80, s20, s23, $0xb8;
	[tilespmem:$0x1D000] =	vst v63  }
0x90: {  	_ =	swait.ge [sflag:s21], $0x4000  }
0x91: {  	[sflag:s21] =	ssyncset.done $0x0  }
0x92: {  	s31 =	simm.s32 $0x16800;
	[sflag:s21] =	ssyncadd.s32 $0xFFFFC000  }
0x93: {  	[spmem:s2] =	stream.indirect.scatter.add.f32 [tilespmem:s24], [sflag:$0x1], $0x80, s31, s23, $0xb8;
	[tilespmem:$0x1D000] =	vst v63  }
0x94: {  	_ =	swait.ge [sflag:s21], $0x4000  }
0x95: {  	s30 =	simm.s32 $0x400;
	s29 =	simm.s32 $0x80;
	[sflag:s21] =	ssyncset.done $0x0  }
.LBB2_8:
0x96: {  	s0 =	sadd.s32 $0x14000, s29  }
0x97: {  	[sflag:s21] =	ssyncadd.s32 $0xFFFFC000;
	s20 =	smov.u32 s30;
	s31 =	sadd.s32 $0x200, s30  }
0x98: {  	[tilespmem:s24], [sflag:$0x1] =	stream.indirect.gather [hbm4b:s7+s23], $0x80, s0, s23, $0xb8;
	[tilespmem:$0x1D000] =	vst v63  }
0x99: {  	p0 =	sne.s32 s30, $0x9C00;
	_ =	swait.ge [sflag:s21], $0x4000  }
.Ltmp3:
0x9a: {  	[sflag:s21] =	ssyncset.done $0x0;
	(pc) =	sbr.rel @p0 .LBB2_8-.Ltmp3, $4  }
0x9b: {  	s0 =	sadd.s32 $0x16800, s29;
	[sflag:s21] =	ssyncadd.s32 $0xFFFFC000  }
0x9c: {  	[spmem:s2] =	stream.indirect.scatter.add.f32 [tilespmem:s24], [sflag:$0x1], $0x80, s0, s23, $0xb8;
	[tilespmem:$0x1D000] =	vst v63  }
0x9d: {  	_ =	swait.ge [sflag:s21], $0x4000  }
0x9e: {  	s29 =	sshra.s32 s20, $0x2;
	s30 =	smov.u32 s31;
	[sflag:s21] =	ssyncset.done $0x0  }
0x9f: {  	s0 =	sadd.s32 $0x14000, s29;
	[sflag:s21] =	ssyncadd.s32 $0xFFFFC000  }
0xa0: {  	[tilespmem:s24], [sflag:$0x1] =	stream.indirect.gather [hbm4b:s7+s23], $0x80, s0, s23, $0xb8;
	[tilespmem:$0x1D000] =	vst v63  }
0xa1: {  	_ =	swait.ge [sflag:s21], $0x4000  }
0xa2: {  	[sflag:s21] =	ssyncset.done $0x0  }
0xa3: {  	s31 =	sadd.s32 $0x16800, s29;
	[sflag:s21] =	ssyncadd.s32 $0xFFFFC000  }
0xa4: {  	[spmem:s2] =	stream.indirect.scatter.add.f32 [tilespmem:s24], [sflag:$0x1], $0x80, s31, s23, $0xb8;
	[tilespmem:$0x1D000] =	vst v63  }
0xa5: {  	_ =	swait.ge [sflag:s21], $0x4000  }
0xa6: {  	[sflag:s21] =	ssyncset.done $0x0  }
0xa7: {  	s25 =	sadd.s32 $0x1, s25;
	[sflag:s21] =	ssyncadd.s32 $0xFFFFC000  }
0xa8: {  	p0 =	sne.s32 s25, s19;
	[bflag:$0x0] =	sbarrier.arrive $0xFFFF  }
0xa9: {  	[hbm:s18], [sflag:s26] =	dma.local [spmem:s28], $0x2800  }
.Ltmp4:
0xaa: {  	_ =	swait.ge [sflag:s21], $0x2800;
	(pc) =	sbr.rel @p0 .LBB2_1-.Ltmp4, $3  }
0xab: {  	[sflag:s21] =	ssyncset.done $0x0  }
0xac: {  	[sflag:s21] =	ssyncadd.s32 $0xFFFFD800  }
0xad: {  	[bflag:$0x0] =	sbarrier.arrive $0xFFFF;
	_ =	sdelay $0x1  }
0xae: {  	_ =	sfence.sel $0x180000  }
0xaf: {  	[bflag:$0x0] =	sbarrier.arrive $0xFFFF  }
0xb0: {  	_ =	strace $0x90000050  }
0xb1: {  	[bflag:$0x2] =	sbarrier.arrive $0xFFFF  }
0xb2: {  	p0 =	sne.s32 s1, $0x0;
	s0 =	rddreg [dreg:$0x4]  }
0xb3: {  	s0 =	sadd.s32 @!p0 $0x100000, s0  }
0xb4: {  	[sflag:s0] =	ssyncadd.tile.s32 @!p0 $0x1;
	_ =	shalt  }
.Lfunc_end2:
_tile_overlayer_lowered:
.L_overlay_start_2:
0xb5: {  	(tag) =	ssettag $0x2  }
0xb6: {  	s0 =	rddreg [dreg:$0x0];
	s2 =	stileid.u32  }
0xb7: {  	s1 =	rddreg [dreg:$0x1];
	p0 =	sne.s32 s2, $0x0  }
0xb8: {  	s3 =	rddreg [dreg:$0x2];
	[bflag:$0x3] =	sbarrier.arrive $0xFFFF;
	s2 =	simm.s32 @!p0 $0x1C01  }
0xb9: {  	[timem:s3], [sflag:s2] =	dma.local @!p0 [hbm:s0], s1  }
0xba: {  	s0 =	simm.s32 @!p0 $0x1  }
0xbb: {  	_ =	swait.ge @!p0 [sflag:s0], s1  }
0xbc: {  	s1 =	ssub.s32 @!p0 $0x0, s1;
	[sflag:s0] =	ssyncset.done @!p0 $0x0  }
0xbd: {  	[sflag:s0] =	ssyncadd.s32 @!p0 s1  }
0xbe: {  	[bflag:$0x3] =	sbarrier.arrive $0xFFFF  }
0xbf: {  	_ =	shalt  }

// kernel: kernel.24.cloned.1.call-start
scs
__scs_entry_jumppad:
0x0: {  	(pc) =	sbr.rel $0x88, $3  }
0x1: {  	(tag) =	ssettag $0x0;
	lr =	simm.s32 $0x1  }
0x2: {  	[smem:$0x3F95] =	sst lr;
	_ =	strace $0xD0000000  }
0x3: {  	_ = 	snop  }
0x4: {  	_ = 	snop  }
0x5: {  	_ = 	snop  }
0x6: {  	_ = 	snop  }
0x7: {  	_ = 	snop  }
__scs_overlays_trampoline_lowered:
0x8: {  	[smem:$0x3FA4] =	sst s0  }
0x9: {  	[smem:$0x3FA5] =	sst s1  }
0xa: {  	[smem:$0x3FA6] =	sst s2  }
0xb: {  	[smem:$0x3FA7] =	sst s3  }
0xc: {  	[smem:$0x3FA8] =	sst s4  }
0xd: {  	[smem:$0x3FA9] =	sst s5  }
0xe: {  	[smem:$0x3FAA] =	sst s6  }
0xf: {  	[smem:$0x3FAB] =	sst s7  }
0x10: {  	[smem:$0x3FAC] =	sst s8  }
0x11: {  	[smem:$0x3FAD] =	sst s9;
	s0 =	simm.s32 @!p0 $0x0  }
0x12: {  	s1 =	sld [smem:$0x3F93];
	s0 =	simm.s32 @p0 $0x1  }
0x13: {  	[smem:$0x3FAE] =	sst s0;
	s0 =	simm.s32 @!p1 $0x0  }
0x14: {  	s2 =	sld [smem:$0x3F92];
	s0 =	simm.s32 @p1 $0x1  }
0x15: {  	[smem:$0x3FAF] =	sst s0;
	s0 =	simm.s32 @!p2 $0x0  }
0x16: {  	s3 =	sld [smem:$0x3FDB];
	s0 =	simm.s32 @p2 $0x1  }
0x17: {  	s4 =	simm.s32 $0x1BF5;
	[smem:$0x3FB1] =	sst s0  }
0x18: {  	s0 =	sld [smem:$0x3F94];
	_ =	swait.ge [sflag:s4], $0x0  }
0x19: {  	s7 =	sld [smem:$0x3F95]  }
0x1a: {  	s8 =	sadd.s32 $0xFFFFE003, lr  }
0x1b: {  	s9 =	sadd.s32 $0xFFFFFEF7, lr;
	s5 =	simm.s32 $0xFFFFFFFF;
	p2 =	slt.u32 s8, $0xFFFFF086  }
0x1c: {  	p1 =	slt.u32 s9, $0xF7A;
	s5 =	simm.s32 @!p2 $0x0  }
0x1d: {  	s5 =	simm.s32 @p1 $0x1;
	p0 =	seq.s32 s7, s2  }
0x1e: {  	s7 =	smul.u32 @!p0 $0xF7A, s2;
	p2 =	seq.s32 @!p0 s5, $0x0  }
0x1f: {  	s9 =	smul.u32 $0xF7A, s1;
	s8 =	simm.s32 @!p0 $0x1BF5;
	p2 =	por !p2, p0  }
0x20: {  	[sflag:s8] =	ssyncset.s32 @!p0 $0xFFFFF086;
	s6 =	sadd.s32 @!p0 s3, s7;
	s7 =	simm.s32 @!p0 $0x108  }
0x21: {  	s3 =	sadd.s32 s3, s9;
	s6 =	sadd.s32 @!p0 $0x88, s6;
	s7 =	simm.s32 @p2 $0x1082  }
0x22: {  	[simem:s7], [sflag:s8] =	dma.local @!p0 [hbm:s6], $0xF7A  }
0x23: {  	s9 =	sor.u32 $0xD0000000, s2;
	s6 =	simm.s32 $0x108;
	_ =	swait.ge @!p0 [sflag:s8], $0x0  }
0x24: {  	s3 =	sadd.s32 $0x88, s3;
	s6 =	simm.s32 @!p1 $0x1082;
	[sflag:s4] =	ssyncset.s32 $0xFFFFF086  }
0x25: {  	[simem:s6], [sflag:s4] =	dma.local [hbm:s3], $0xF7A  }
0x26: {  	[smem:$0x3F95] =	sst s1;
	(tag) =	ssettag s2;
	_ =	strace s9  }
0x27: {  	s1 =	sld [smem:$0x3FA5]  }
0x28: {  	s2 =	sld [smem:$0x3FA6]  }
0x29: {  	s4 =	sld [smem:$0x3FA8]  }
0x2a: {  	p0 =	seq.s32 s5, $0x0;
	s5 =	sld [smem:$0x3FA9]  }
0x2b: {  	s6 =	sld [smem:$0x3FAA]  }
0x2c: {  	s7 =	sld [smem:$0x3FAB]  }
0x2d: {  	s3 =	simm.s32 $0x108;
	s8 =	sld [smem:$0x3FAC]  }
0x2e: {  	s3 =	simm.s32 @!p0 $0x1082;
	s9 =	sld [smem:$0x3FAD]  }
0x2f: {  	lr =	sadd.s32 s0, s3;
	s0 =	sld [smem:$0x3FA4]  }
0x30: {  	s3 =	sld [smem:$0x3FA7]  }
0x31: {  	[smem:$0x3FB0] =	sst s10  }
0x32: {  	s10 =	sld [smem:$0x3FAE];
	_ =	sdelay $0x3  }
0x33: {  	p0 =	seq.s32 s10, $0x1;
	s10 =	sld [smem:$0x3FB0];
	_ =	sdelay $0x3  }
0x34: {  	[smem:$0x3FB0] =	sst s10  }
0x35: {  	s10 =	sld [smem:$0x3FAF];
	_ =	sdelay $0x3  }
0x36: {  	p1 =	seq.s32 s10, $0x1;
	s10 =	sld [smem:$0x3FB0];
	_ =	sdelay $0x3  }
0x37: {  	[smem:$0x3FB0] =	sst s10  }
0x38: {  	s10 =	sld [smem:$0x3FB1]  }
0x39: {  	_ = 	snop;
	(pc) =	sbr.ind lr, $3  }
0x3a: {  	_ = 	snop  }
0x3b: {  	_ = 	snop  }
0x3c: {  	p2 =	seq.s32 s10, $0x1;
	s10 =	sld [smem:$0x3FB0]  }
0x3d: {  	_ =	shalt  }
0x3e: {  	_ =	shalt  }
0x3f: {  	_ =	shalt  }
0x40: {  	_ =	shalt  }
0x41: {  	_ =	shalt  }
0x42: {  	_ =	shalt  }
0x43: {  	_ =	shalt  }
0x44: {  	_ =	shalt  }
0x45: {  	_ =	shalt  }
0x46: {  	_ =	shalt  }
0x47: {  	_ =	shalt  }
0x48: {  	_ =	shalt  }
0x49: {  	_ =	shalt  }
0x4a: {  	_ =	shalt  }
0x4b: {  	_ =	shalt  }
0x4c: {  	_ =	shalt  }
0x4d: {  	_ =	shalt  }
0x4e: {  	_ =	shalt  }
0x4f: {  	_ =	shalt  }
0x50: {  	_ =	shalt  }
0x51: {  	_ =	shalt  }
0x52: {  	_ =	shalt  }
0x53: {  	_ =	shalt  }
0x54: {  	_ =	shalt  }
0x55: {  	_ =	shalt  }
0x56: {  	_ =	shalt  }
0x57: {  	_ =	shalt  }
0x58: {  	_ =	shalt  }
0x59: {  	_ =	shalt  }
0x5a: {  	_ =	shalt  }
0x5b: {  	_ =	shalt  }
0x5c: {  	_ =	shalt  }
0x5d: {  	_ =	shalt  }
0x5e: {  	_ =	shalt  }
0x5f: {  	_ =	shalt  }
0x60: {  	_ =	shalt  }
0x61: {  	_ =	shalt  }
0x62: {  	_ =	shalt  }
0x63: {  	_ =	shalt  }
0x64: {  	_ =	shalt  }
0x65: {  	_ =	shalt  }
0x66: {  	_ =	shalt  }
0x67: {  	_ =	shalt  }
0x68: {  	_ =	shalt  }
0x69: {  	_ =	shalt  }
0x6a: {  	_ =	shalt  }
0x6b: {  	_ =	shalt  }
0x6c: {  	_ =	shalt  }
0x6d: {  	_ =	shalt  }
0x6e: {  	_ =	shalt  }
0x6f: {  	_ =	shalt  }
0x70: {  	_ =	shalt  }
0x71: {  	_ =	shalt  }
0x72: {  	_ =	shalt  }
0x73: {  	_ =	shalt  }
0x74: {  	_ =	shalt  }
0x75: {  	_ =	shalt  }
0x76: {  	_ =	shalt  }
0x77: {  	_ =	shalt  }
0x78: {  	_ =	shalt  }
0x79: {  	_ =	shalt  }
0x7a: {  	_ =	shalt  }
0x7b: {  	_ =	shalt  }
0x7c: {  	_ =	shalt  }
0x7d: {  	_ =	shalt  }
0x7e: {  	_ =	shalt  }
0x7f: {  	_ =	shalt  }
0x80: {  	_ =	shalt  }
0x81: {  	_ =	shalt  }
0x82: {  	_ =	shalt  }
0x83: {  	_ =	shalt  }
0x84: {  	_ =	shalt  }
0x85: {  	_ =	shalt  }
0x86: {  	_ =	shalt  }
0x87: {  	_ =	shalt  }
.Lfunc_end0:
.L_simem_size_0:
called_computation.4_lowered:
.L_overlay_start_0:
0x88: {  	s2 =	sld [smem:$0x3FD9]  }
0x89: {  	s3 =	sld [smem:$0x3FFE];
	_ =	sdelay $0x1  }
0x8a: {  	s1 =	srdreg.scid  }
0x8b: {  	s0 =	sand.u32 $0x1, s1  }
0x8c: {  	s14 =	sshll.u32 s0, $0xA;
	s2 =	sadd.s32 s3, s2  }
0x8d: {  	s2 =	sadd.s32 s2, s14  }
0x8e: {  	[smem:$0x3FBC] =	sst s2  }
0x8f: {  	_ = 	snop  }
0x90: {  	s2 =	sld [smem:$0x3FD0];
	_ =	sdelay $0x2  }
0x91: {  	s15 =	simm.s32 $0xA;
	s4 =	simm.s32 $0x10  }
0x92: {  	[smem:s4], [sflag:s15] =	dma.local [hbm:s2], $0x1  }
0x93: {  	_ =	swait.eq [sflag:s15], $0x1  }
0x94: {  	[sflag:s15] =	ssyncset.done $0x0  }
0x95: {  	s16 =	sld [smem:$0x10];
	[sflag:s15] =	ssyncadd.s32 $0xFFFFFFFF  }
0x96: {  	s17 =	sld [smem:$0x11];
	(tm) =	ssettm $0x1  }
0x97: {  	s18 =	sld [smem:$0x3FFB];
	_ =	sdelay $0x3  }
0x98: {  	_ =	strace s18  }
0x99: {  	s4 =	sld [smem:$0x3FFC];
	_ =	sdelay $0x3  }
0x9a: {  	_ =	strace s4  }
0x9b: {  	s4 =	sld [smem:$0x3FFD];
	_ =	sdelay $0x3  }
0x9c: {  	_ =	strace s4  }
0x9d: {  	_ =	strace $0x8FFFFFFF  }
0x9e: {  	s19 =	sld [smem:$0x3FDB];
	_ =	sdelay $0x1  }
0x9f: {  	s5 =	simm.s32 $_scs_section_size  }
0xa0: {  	s6 =	simm.s32 $_size__tile_overlayer_lowered;
	s7 =	simm.s32 $_tile_overlayer_lowered  }
0xa1: {  	s22 =	simm.s32 $0x1BFF;
	s21 =	sshll.u32 s7, $0x1;
	s4 =	sadd.s32 s5, s19  }
0xa2: {  	s8 =	simm.s32 $0x0;
	s20 =	sshll.u32 s6, $0x1;
	s6 =	sadd.s32 s21, s4  }
0xa3: {  	[timem:s8], [sflag:s22] =	dma.local [hbm:s6], s20  }
0xa4: {  	_ =	swait.ge [sflag:s22], s20  }
0xa5: {  	s5 =	ssub.s32 $0x0, s20;
	[sflag:s22] =	ssyncset.done $0x0  }
0xa6: {  	[sflag:s22] =	ssyncadd.s32 s5;
	_ =	sdelay $0x1  }
0xa7: {  	s23 =	simm.s32 $0x1B8B  }
0xa8: {  	_ =	swait.ge [sflag:s23], $0x1  }
0xa9: {  	[sflag:s23] =	ssyncset.done $0x0  }
0xaa: {  	s25 =	simm.s32 $0x1B8E;
	s24 =	sld [smem:$0x3FFE];
	[sflag:s23] =	ssyncadd.s32 $0xFFFFFFFF  }
0xab: {  	s26 =	simm.s32 $execute0_lowered;
	[smem:$0x3FD2] =	sst s25  }
0xac: {  	s6 =	sshll.u32 s26, $0x1;
	_ =	strace $0x80000052;
	[dreg:$0x1] =	wrdreg $0xFFFFFFFF  }
0xad: {  	s28 =	simm.s32 $_size_execute0_lowered;
	s4 =	sadd.s32 s4, s6;
	[dreg:$0x0] =	wrdreg $0x0  }
0xae: {  	s6 =	sshll.u32 s28, $0x1;
	[dreg:$0x2] =	wrdreg s4  }
0xaf: {  	[dreg:$0x3] =	wrdreg s6  }
0xb0: {  	[dreg:$0x4] =	wrdreg $0xC0  }
0xb1: {  	_ =	task [dreg:s8], $0x5FFFF  }
0xb2: {  	[dreg:$0x1] =	wrdreg $0xFFFFFFFF  }
0xb3: {  	[dreg:$0x0] =	wrdreg $0x60  }
0xb4: {  	[dreg:$0x2] =	wrdreg s24  }
0xb5: {  	[dreg:$0x3] =	wrdreg s16  }
0xb6: {  	[dreg:$0x4] =	wrdreg s17  }
0xb7: {  	[dreg:$0x5] =	wrdreg $0x0  }
0xb8: {  	[dreg:$0x6] =	wrdreg $0x9  }
0xb9: {  	_ =	task.clear_ibuf [dreg:s8], $0x7FFFF;
	_ =	strace $0x90000052  }
0xba: {  	s29 =	simm.s32 $0x9;
	_ =	strace $0x80000054  }
0xbb: {  	_ =	swait.ge [sflag:s29], $0x1  }
0xbc: {  	[sflag:s29] =	ssyncadd.s32 $0xFFFFFFFF  }
0xbd: {  	_ =	strace $0x90000054  }
0xbe: {  	_ =	sfence  }
0xbf: {  	s30 =	sld [smem:$0x0];
	_ =	sdelay $0x2  }
0xc0: {  	s31 =	sshll.u32 s1, $0xD;
	s1 =	sshrl.u32 s1, $0x2  }
0xc1: {  	s3 =	sand.u32 $0x4000, s31;
	s1 =	sadd.s32 s1, s30  }
0xc2: {  	s0 =	sor.u32 s3, s0;
	s1 =	sshll.u32 s1, $0x11  }
0xc3: {  	s0 =	sor.u32 s1, s0  }
0xc4: {  	s0 =	sadd.s32 $0x8F2B, s0  }
0xc5: {  	[sflag:s0] =	ssyncadd.remote.s32 $0x1  }
0xc6: {  	_ =	sfence.sel $0xFFFF  }
0xc7: {  	[dreg:$0x0] =	wrdreg $0xFFFFFFFF;
	(pc) =	sbr.abs _section_cstart, $3  }
0xc8: {  	[dreg:$0x1] =	wrdreg $0xFFFFFFFF  }
0xc9: {  	_ =	task.clear_ibuf [dreg:s8], $0x2FFFF;
	_ =	strace $0x9FFFFFFF  }
0xca: {  	(tm) =	ssettm $0x7FFFFFFF  }
0xcb: {  	_ =	shalt  }
tec
execute0_lowered:
.L_overlay_start_1:
0x0: {  	(tag) =	ssettag $0x1  }
0x1: {  	s5 =	rddreg [dreg:$0x0]  }
0x2: {  	s6 =	rddreg [dreg:$0x1]  }
0x3: {  	s7 =	rddreg [dreg:$0x2]  }
0x4: {  	s1 =	rddreg [dreg:$0x3]  }
0x5: {  	s0 =	rddreg [dreg:$0x4]  }
0x6: {  	s3 =	simm.s32 $0x0;
	s2 =	srdreg.scid;
	s16 =	simm.s32 $0x19000  }
0x7: {  	s17 =	simm.s32 $0x0;
	[smem:$0x7FF] =	sst s3;
	s10 =	sand.u32 $0x1, s2  }
0x8: {  	s2 =	stileid.u32;
	s4 =	sadd.s32 $0x6800, s5;
	s8 =	smul.u32 $0x140000, s10  }
0x9: {  	s13 =	sadd.s32 $0x4000, s5;
	_ =	strace $0x80000053;
	s9 =	smul.u32 $0x14000, s2  }
0xa: {  	s11 =	sshll.u32 s10, $0x4;
	s29 =	ssub.s32 $0x2, s10;
	s14 =	smul.u32 $0x50000, s2  }
0xb: {  	s30 =	smul.u32 $0x2800, s2;
	p0 =	sne.s32 s10, $0x0;
	s10 =	simm.s32 $0x14000  }
0xc: {  	s15 =	sshll.u32 s2, $0x6;
	s11 =	sor.u32 s2, s11;
	s12 =	sshrl.u32 s29, $0x1  }
0xd: {  	s8 =	sadd.s32 s9, s8;
	s11 =	smul.u32 $0x500, s11;
	s9 =	ssub.s32 s29, s12  }
0xe: {  	s31 =	sshrl.u32 s14, $0x2;
	s12 =	simm.s32 $0x16800;
	s8 =	sshrl.u32 s8, $0x3  }
0xf: {  	s14 =	sadd.s32 s31, s1;
	s9 =	smax.u32 s9, $0x1;
	s8 =	sadd.s32 s8, s5  }
0x10: {  	s5 =	sadd.s32 s6, s11;
	s6 =	sadd.s32 s7, s11;
	s7 =	sadd.s32 s4, s30  }
0x11: {  	s11 =	simm.s32 $0x1;
	s14 =	sshrl.u32 s14, $0x3;
	s8 =	sadd.s32 $0x2E800, s8  }
0x12: {  	s7 =	smov.u32 @p0 s13;
	s13 =	sor.u32 $0x1C01, s15;
	s15 =	simm.s32 $0x80  }
.LBB2_1:
0x13: {  	[tilespmem:s10], [sflag:$0x1] =	stream.linear.gather [hbm4b:s5+s3], $0x2780, $0x38;
	[tilespmem:$0x1D000] =	vst v63  }
0x14: {  	_ =	swait.ge [sflag:s11], $0x2780  }
0x15: {  	[sflag:s11] =	ssyncset.done $0x0  }
0x16: {  	[sflag:s11] =	ssyncadd.s32 $0xFFFFD880  }
0x17: {  	[tilespmem:s12], [sflag:$0x1] =	stream.linear.gather [hbm4b:s6+s3], $0x2780, $0x38;
	[tilespmem:$0x1D000] =	vst v63  }
0x18: {  	_ =	swait.ge [sflag:s11], $0x2780  }
0x19: {  	[sflag:s11] =	ssyncset.done $0x0  }
0x1a: {  	[sflag:s11] =	ssyncadd.s32 $0xFFFFD880  }
0x1b: {  	[spmem:s14], [sflag:s13] =	dma.local [hbm:s7], $0x2800  }
0x1c: {  	_ =	swait.ge [sflag:s11], $0x2800  }
0x1d: {  	[sflag:s11] =	ssyncset.done $0x0  }
0x1e: {  	[sflag:s11] =	ssyncadd.s32 $0xFFFFD800  }
0x1f: {  	s18 =	simm.s32 $0x14000;
	[bflag:$0x0] =	sbarrier.arrive $0xFFFF  }
0x20: {  	[tilespmem:s16], [sflag:$0x1] =	stream.indirect.gather [hbm4b:s4+s15], $0x80, s18, s15, $0xb8;
	[tilespmem:$0x1D000] =	vst v63  }
0x21: {  	_ =	swait.ge [sflag:s11], $0x4000  }
0x22: {  	[sflag:s11] =	ssyncset.done $0x0  }
0x23: {  	s31 =	simm.s32 $0x16800;
	[sflag:s11] =	ssyncadd.s32 $0xFFFFC000  }
0x24: {  	[spmem:s1] =	stream.indirect.scatter.add.f32 [tilespmem:s16], [sflag:$0x1], $0x80, s31, s15, $0xb8;
	[tilespmem:$0x1D000] =	vst v63  }
0x25: {  	_ =	swait.ge [sflag:s11], $0x4000  }
0x26: {  	s19 =	simm.s32 $0x400;
	s18 =	simm.s32 $0x80;
	[sflag:s11] =	ssyncset.done $0x0  }
.LBB2_2:
0x27: {  	s20 =	sadd.s32 $0x14000, s18  }
0x28: {  	[sflag:s11] =	ssyncadd.s32 $0xFFFFC000;
	s21 =	smov.u32 s19;
	s22 =	sadd.s32 $0x200, s19  }
0x29: {  	[tilespmem:s16], [sflag:$0x1] =	stream.indirect.gather [hbm4b:s4+s15], $0x80, s20, s15, $0xb8;
	[tilespmem:$0x1D000] =	vst v63  }
0x2a: {  	p0 =	sne.s32 s19, $0x9C00;
	_ =	swait.ge [sflag:s11], $0x4000  }
.Ltmp0:
0x2b: {  	[sflag:s11] =	ssyncset.done $0x0;
	(pc) =	sbr.rel @p0 .LBB2_2-.Ltmp0, $4  }
0x2c: {  	s18 =	sadd.s32 $0x16800, s18;
	[sflag:s11] =	ssyncadd.s32 $0xFFFFC000  }
0x2d: {  	[spmem:s1] =	stream.indirect.scatter.add.f32 [tilespmem:s16], [sflag:$0x1], $0x80, s18, s15, $0xb8;
	[tilespmem:$0x1D000] =	vst v63  }
0x2e: {  	_ =	swait.ge [sflag:s11], $0x4000  }
0x2f: {  	s19 =	smov.u32 s22;
	s18 =	sshra.s32 s21, $0x2;
	[sflag:s11] =	ssyncset.done $0x0  }
0x30: {  	s19 =	sadd.s32 $0x14000, s18;
	[sflag:s11] =	ssyncadd.s32 $0xFFFFC000  }
0x31: {  	[tilespmem:s16], [sflag:$0x1] =	stream.indirect.gather [hbm4b:s4+s15], $0x80, s19, s15, $0xb8;
	[tilespmem:$0x1D000] =	vst v63  }
0x32: {  	_ =	swait.ge [sflag:s11], $0x4000  }
0x33: {  	[sflag:s11] =	ssyncset.done $0x0  }
0x34: {  	s31 =	sadd.s32 $0x16800, s18;
	[sflag:s11] =	ssyncadd.s32 $0xFFFFC000  }
0x35: {  	[spmem:s1] =	stream.indirect.scatter.add.f32 [tilespmem:s16], [sflag:$0x1], $0x80, s31, s15, $0xb8;
	[tilespmem:$0x1D000] =	vst v63  }
0x36: {  	_ =	swait.ge [sflag:s11], $0x4000  }
0x37: {  	[sflag:s11] =	ssyncset.done $0x0  }
0x38: {  	s17 =	sadd.s32 $0x1, s17;
	[sflag:s11] =	ssyncadd.s32 $0xFFFFC000  }
0x39: {  	p0 =	sne.s32 s17, s9;
	[bflag:$0x0] =	sbarrier.arrive $0xFFFF  }
0x3a: {  	[hbm:s8], [sflag:s13] =	dma.local [spmem:s14], $0x2800  }
.Ltmp1:
0x3b: {  	_ =	swait.ge [sflag:s11], $0x2800;
	(pc) =	sbr.rel @p0 .LBB2_1-.Ltmp1, $3  }
0x3c: {  	[sflag:s11] =	ssyncset.done $0x0  }
0x3d: {  	[sflag:s11] =	ssyncadd.s32 $0xFFFFD800  }
0x3e: {  	[bflag:$0x0] =	sbarrier.arrive $0xFFFF;
	_ =	sdelay $0x1  }
0x3f: {  	_ =	sfence.sel $0x180000  }
0x40: {  	[bflag:$0x0] =	sbarrier.arrive $0xFFFF  }
0x41: {  	p0 =	sne.s32 s2, $0x0;
	_ =	strace $0x90000053  }
0x42: {  	s0 =	sadd.s32 @!p0 $0x100000, s0;
	[bflag:$0x2] =	sbarrier.arrive $0xFFFF  }
0x43: {  	[sflag:s0] =	ssyncadd.tile.s32 @!p0 $0x1;
	_ =	shalt  }
.Lfunc_end2:
_tile_overlayer_lowered:
.L_overlay_start_2:
0x44: {  	(tag) =	ssettag $0x2  }
0x45: {  	s0 =	rddreg [dreg:$0x0];
	s2 =	stileid.u32  }
0x46: {  	s1 =	rddreg [dreg:$0x1];
	p0 =	sne.s32 s2, $0x0  }
0x47: {  	s3 =	rddreg [dreg:$0x2];
	[bflag:$0x3] =	sbarrier.arrive $0xFFFF;
	s2 =	simm.s32 @!p0 $0x1C01  }
0x48: {  	[timem:s3], [sflag:s2] =	dma.local @!p0 [hbm:s0], s1  }
0x49: {  	s0 =	simm.s32 @!p0 $0x1  }
0x4a: {  	_ =	swait.ge @!p0 [sflag:s0], s1  }
0x4b: {  	s1 =	ssub.s32 @!p0 $0x0, s1;
	[sflag:s0] =	ssyncset.done @!p0 $0x0  }
0x4c: {  	[sflag:s0] =	ssyncadd.s32 @!p0 s1  }
0x4d: {  	[bflag:$0x3] =	sbarrier.arrive $0xFFFF  }
0x4e: {  	_ =	shalt  }

</sc_bundles>
